<compile_context>
chip_gen: v7x
topology: tpu7x:2x2x1
jax: 0.10.2.dev20260603
libtpu: 0.0.44.dev20260713+nightly
codegen_flags: <defaults>
</compile_context>

<pallas_src>
import functools

import jax
import jax.numpy as jnp
from jax import lax
from jax.experimental import pallas as pl
from jax.experimental.pallas import tpu as pltpu
from jax.experimental.pallas import tpu_sc as plsc

_LANES = 16


def _build_sc_pe_add(s_sc, batch, d_model, n_workers, s_chunk):
    mesh = plsc.VectorSubcoreMesh(core_axis_name="c", subcore_axis_name="s")
    info = plsc.get_sparse_core_info()
    nc = info.num_cores
    pos_per_worker = s_sc // n_workers
    n_chunks = pos_per_worker // s_chunk
    vecs = d_model // _LANES

    @functools.partial(
        pl.kernel,
        mesh=mesh,
        out_type=jax.ShapeDtypeStruct((s_sc * batch, d_model), jnp.float32),
        scratch_types=[
            pltpu.VMEM((s_chunk * batch, d_model), jnp.float32),
            pltpu.VMEM((s_chunk, d_model), jnp.float32),
        ],
    )
    def pe_add(x_hbm, pe_hbm, out_hbm, xbuf, pebuf):
        wid = lax.axis_index("s") * nc + lax.axis_index("c")
        pos0 = wid * pos_per_worker

        def chunk_body(c, carry):
            p0 = pos0 + c * s_chunk
            r0 = p0 * batch
            pltpu.sync_copy(x_hbm.at[pl.ds(r0, s_chunk * batch)], xbuf)
            pltpu.sync_copy(pe_hbm.at[pl.ds(p0, s_chunk)], pebuf)

            def pos_body(p, carry2):
                for k in range(vecs):
                    v = pebuf[p, pl.ds(k * _LANES, _LANES)]
                    for b in range(batch):
                        plsc.addupdate(
                            xbuf.at[p * batch + b, pl.ds(k * _LANES, _LANES)], v
                        )
                return carry2

            lax.fori_loop(0, s_chunk, pos_body, 0)
            pltpu.sync_copy(xbuf, out_hbm.at[pl.ds(r0, s_chunk * batch)])
            return carry

        lax.fori_loop(0, n_chunks, chunk_body, 0)

    return pe_add


def _tc_body(x_ref, pe_ref, o_ref):
    o_ref[...] = x_ref[...] + pe_ref[...][:, None, :]


def kernel(x, pe_weight):
    seq, batch, d_model = x.shape
    s_sc = 1024
    p = 256
    off = s_sc // p

    sc_pe_add = _build_sc_pe_add(s_sc, batch, d_model, n_workers=32, s_chunk=16)
    sc_rows = sc_pe_add(
        x.reshape(seq * batch, d_model)[: s_sc * batch], pe_weight[:s_sc]
    )
    sc_out = sc_rows.reshape(s_sc, batch, d_model)

    tc_out = pl.pallas_call(
        _tc_body,
        grid=((seq - s_sc) // p,),
        in_specs=[
            pl.BlockSpec((p, batch, d_model), lambda i: (i + off, 0, 0)),
            pl.BlockSpec((p, d_model), lambda i: (i + off, 0)),
        ],
        out_specs=pl.BlockSpec((p, batch, d_model), lambda i: (i + off, 0, 0)),
        out_shape=jax.ShapeDtypeStruct((seq, batch, d_model), jnp.float32),
    )(x, pe_weight)

    return lax.dynamic_update_slice(tc_out, sc_out, (0, 0, 0))

# --- scband reference (transcript-rebuilt; emitter-appended) ---
"""Pipeline reference for scband-learned-positional-encoding-3521873183490 (READ-ONLY COPY).

The authoritative reference and input builder live on the scoring server;
editing this copy changes nothing except your own understanding.
"""

import jax, jax.numpy as jnp
import numpy as np

D_MODEL = 1024
MAX_SEQ = 8192
SEQ = 8192
BATCH = 4

def setup_inputs(seed: int = 0) -> dict:
    key = jax.random.key(seed)
    k1, k2 = jax.random.split(key)
    x = jax.random.normal(k1, (SEQ, BATCH, D_MODEL), dtype=jnp.float32)
    pe_weight = 0.02 * jax.random.normal(k2, (MAX_SEQ, D_MODEL), dtype=jnp.float32)
    return {"x": x, "pe_weight": pe_weight}

def reference(x, pe_weight):
    seq_length = x.shape[0]
    positions = jnp.arange(seq_length)
    # embedding lookup: gather rows of the learned positional table
    pos_embeddings = jnp.take(pe_weight, positions, axis=0)  # [seq, d_model]
    pos_embeddings = pos_embeddings[:, None, :]  # unsqueeze(1) -> [seq, 1, d_model]
    out = x + pos_embeddings
    # dropout p=0.0 -> identity
    return out

if __name__ == "__main__":
    import jax
    _d = setup_inputs()
    print(jax.jit(kernel)(*tuple(_d.values())))

</pallas_src>

<mosaic_0001>
#map = affine_map<(d0, d1) -> (0, 0)>
module attributes {stable_mosaic.version = 14 : i64} {
  func.func @pe_add(%arg0: i32, %arg1: i32, %arg2: memref<4096x1024xf32, #tpu.memory_space<hbm>>, %arg3: memref<1024x1024xf32, #tpu.memory_space<hbm>>, %arg4: memref<4096x1024xf32, #tpu.memory_space<hbm>>, %arg5: memref<64x1024xf32, #tpu.memory_space<vmem>>, %arg6: memref<16x1024xf32, #tpu.memory_space<vmem>>) attributes {dimension_semantics = [#tpu.dimension_semantics<core_parallel>, #tpu.dimension_semantics<subcore_parallel>], iteration_bounds = array<i64: 2, 16>, scalar_prefetch = 0 : i64, scratch_operands = 2 : i64, tpu.core_type = #tpu.core_type<sc_vector_subcore>, window_params = [{transform_indices = #map}, {transform_indices = #map}, {transform_indices = #map}]} {
    %mul3A = arith.constant 2 : i32
    %mul3A_0 = arith.muli %arg1, %mul3A : i32
    %add3A = arith.addi %mul3A_0, %arg0 : i32
    %mul3A_1 = arith.constant 32 : i32
    %mul3A_2 = arith.muli %add3A, %mul3A_1 : i32
    %scan3A = arith.constant 0 : i32
    %scan3A_3 = arith.constant 0 : i32
    %scan3A_4 = arith.constant 2 : i32
    %scan3A_5 = arith.addi %scan3A_3, %scan3A_4 : i32
    %scan3A_6 = arith.constant 1 : i32
    scf.for %scan3A_8 = %scan3A_3 to %scan3A_5 step %scan3A_6  : i32 {
      %mul3A_9 = arith.constant 16 : i32
      %mul3A_10 = arith.muli %scan3A_8, %mul3A_9 : i32
      %add3A_11 = arith.addi %mul3A_2, %mul3A_10 : i32
      %mul3A_12 = arith.constant 4 : i32
      %mul3A_13 = arith.muli %add3A_11, %mul3A_12 : i32
      "tpu.region"() ({
        %run_scoped3A = tpu.sem_alloc : memref<!tpu.dma_semaphore, #tpu.memory_space<semaphore_mem>>
        %dma_start3A = arith.constant 0 : i32
        %dma_start3A_20 = tpu.memref_slice %arg2[%mul3A_13, %dma_start3A] : memref<4096x1024xf32, #tpu.memory_space<hbm>> -> memref<64x1024xf32, #tpu.memory_space<hbm>>
        %dma_start3A_21 = arith.constant 0 : i32
        %dma_start3A_22 = tpu.memref_slice %arg2[%mul3A_13, %dma_start3A_21] : memref<4096x1024xf32, #tpu.memory_space<hbm>> -> memref<64x1024xf32, #tpu.memory_space<hbm>>
        tpu.enqueue_dma source(%dma_start3A_22 : memref<64x1024xf32, #tpu.memory_space<hbm>>) target(%arg5 : memref<64x1024xf32, #tpu.memory_space<vmem>>) target_semaphore(%run_scoped3A : memref<!tpu.dma_semaphore, #tpu.memory_space<semaphore_mem>>)
        %dma_wait3A = arith.constant 0 : i32
        %dma_wait3A_23 = tpu.memref_slice %arg2[%mul3A_13, %dma_wait3A] : memref<4096x1024xf32, #tpu.memory_space<hbm>> -> memref<64x1024xf32, #tpu.memory_space<hbm>>
        %dma_wait3A_24 = arith.constant 0 : i32
        %dma_wait3A_25 = tpu.memref_slice %arg2[%mul3A_13, %dma_wait3A_24] : memref<4096x1024xf32, #tpu.memory_space<hbm>> -> memref<64x1024xf32, #tpu.memory_space<hbm>>
        tpu.wait_dma2 semaphore(%run_scoped3A : memref<!tpu.dma_semaphore, #tpu.memory_space<semaphore_mem>>) src(%dma_wait3A_25 : memref<64x1024xf32, #tpu.memory_space<hbm>>) dst(%arg5 : memref<64x1024xf32, #tpu.memory_space<vmem>>)
        tpu.yield
      }) : () -> ()
      "tpu.region"() ({
        %run_scoped3A = tpu.sem_alloc : memref<!tpu.dma_semaphore, #tpu.memory_space<semaphore_mem>>
        %dma_start3A = arith.constant 0 : i32
        %dma_start3A_20 = tpu.memref_slice %arg3[%add3A_11, %dma_start3A] : memref<1024x1024xf32, #tpu.memory_space<hbm>> -> memref<16x1024xf32, #tpu.memory_space<hbm>>
        %dma_start3A_21 = arith.constant 0 : i32
        %dma_start3A_22 = tpu.memref_slice %arg3[%add3A_11, %dma_start3A_21] : memref<1024x1024xf32, #tpu.memory_space<hbm>> -> memref<16x1024xf32, #tpu.memory_space<hbm>>
        tpu.enqueue_dma source(%dma_start3A_22 : memref<16x1024xf32, #tpu.memory_space<hbm>>) target(%arg6 : memref<16x1024xf32, #tpu.memory_space<vmem>>) target_semaphore(%run_scoped3A : memref<!tpu.dma_semaphore, #tpu.memory_space<semaphore_mem>>)
        %dma_wait3A = arith.constant 0 : i32
        %dma_wait3A_23 = tpu.memref_slice %arg3[%add3A_11, %dma_wait3A] : memref<1024x1024xf32, #tpu.memory_space<hbm>> -> memref<16x1024xf32, #tpu.memory_space<hbm>>
        %dma_wait3A_24 = arith.constant 0 : i32
        %dma_wait3A_25 = tpu.memref_slice %arg3[%add3A_11, %dma_wait3A_24] : memref<1024x1024xf32, #tpu.memory_space<hbm>> -> memref<16x1024xf32, #tpu.memory_space<hbm>>
        tpu.wait_dma2 semaphore(%run_scoped3A : memref<!tpu.dma_semaphore, #tpu.memory_space<semaphore_mem>>) src(%dma_wait3A_25 : memref<16x1024xf32, #tpu.memory_space<hbm>>) dst(%arg6 : memref<16x1024xf32, #tpu.memory_space<vmem>>)
        tpu.yield
      }) : () -> ()
      %scan3A_14 = arith.constant 0 : i32
      %scan3A_15 = arith.constant 0 : i32
      %scan3A_16 = arith.constant 16 : i32
      %scan3A_17 = arith.addi %scan3A_15, %scan3A_16 : i32
      %scan3A_18 = arith.constant 1 : i32
      scf.for %scan3A_20 = %scan3A_15 to %scan3A_17 step %scan3A_18  : i32 {
        %get3A = arith.index_cast %scan3A_20 : i32 to index
        %get3A_21 = arith.constant 0 : index
        %get3A_22 = tpu.vector_load %arg6[%get3A, %get3A_21] {strides = array<i32>} : memref<16x1024xf32, #tpu.memory_space<vmem>>, vector<1x16xf32>,
        %get3A_23 = vector.shape_cast %get3A_22 : vector<1x16xf32> to vector<16xf32>
        %mul3A_24 = arith.constant 4 : i32
        %mul3A_25 = arith.muli %scan3A_20, %mul3A_24 : i32
        %add3A_26 = arith.constant 0 : i32
        %add3A_27 = arith.addi %mul3A_25, %add3A_26 : i32
        %swap3A = arith.index_cast %add3A_27 : i32 to index
        %swap3A_28 = arith.constant 0 : index
        %swap3A_29 = tpu.vector_load %arg5[%swap3A, %swap3A_28] {strides = array<i32>} : memref<64x1024xf32, #tpu.memory_space<vmem>>, vector<1x16xf32>,
        %swap3A_30 = vector.shape_cast %swap3A_29 : vector<1x16xf32> to vector<16xf32>
        %swap3A_31 = vector.shape_cast %get3A_23 : vector<16xf32> to vector<1x16xf32>
        tpu.vector_store %arg5[%swap3A, %swap3A_28], %swap3A_31 {add = true, strides = array<i32>} : memref<64x1024xf32, #tpu.memory_space<vmem>>, vector<1x16xf32>,
        %mul3A_32 = arith.constant 4 : i32
        %mul3A_33 = arith.muli %scan3A_20, %mul3A_32 : i32
        %add3A_34 = arith.constant 1 : i32
        %add3A_35 = arith.addi %mul3A_33, %add3A_34 : i32
        %swap3A_36 = arith.index_cast %add3A_35 : i32 to index
        %swap3A_37 = arith.constant 0 : index
        %swap3A_38 = tpu.vector_load %arg5[%swap3A_36, %swap3A_37] {strides = array<i32>} : memref<64x1024xf32, #tpu.memory_space<vmem>>, vector<1x16xf32>,
        %swap3A_39 = vector.shape_cast %swap3A_38 : vector<1x16xf32> to vector<16xf32>
        %swap3A_40 = vector.shape_cast %get3A_23 : vector<16xf32> to vector<1x16xf32>
        tpu.vector_store %arg5[%swap3A_36, %swap3A_37], %swap3A_40 {add = true, strides = array<i32>} : memref<64x1024xf32, #tpu.memory_space<vmem>>, vector<1x16xf32>,
        %mul3A_41 = arith.constant 4 : i32
        %mul3A_42 = arith.muli %scan3A_20, %mul3A_41 : i32
        %add3A_43 = arith.constant 2 : i32
        %add3A_44 = arith.addi %mul3A_42, %add3A_43 : i32
        %swap3A_45 = arith.index_cast %add3A_44 : i32 to index
        %swap3A_46 = arith.constant 0 : index
        %swap3A_47 = tpu.vector_load %arg5[%swap3A_45, %swap3A_46] {strides = array<i32>} : memref<64x1024xf32, #tpu.memory_space<vmem>>, vector<1x16xf32>,
        %swap3A_48 = vector.shape_cast %swap3A_47 : vector<1x16xf32> to vector<16xf32>
        %swap3A_49 = vector.shape_cast %get3A_23 : vector<16xf32> to vector<1x16xf32>
        tpu.vector_store %arg5[%swap3A_45, %swap3A_46], %swap3A_49 {add = true, strides = array<i32>} : memref<64x1024xf32, #tpu.memory_space<vmem>>, vector<1x16xf32>,
        %mul3A_50 = arith.constant 4 : i32
        %mul3A_51 = arith.muli %scan3A_20, %mul3A_50 : i32
        %add3A_52 = arith.constant 3 : i32
        %add3A_53 = arith.addi %mul3A_51, %add3A_52 : i32
        %swap3A_54 = arith.index_cast %add3A_53 : i32 to index
        %swap3A_55 = arith.constant 0 : index
        %swap3A_56 = tpu.vector_load %arg5[%swap3A_54, %swap3A_55] {strides = array<i32>} : memref<64x1024xf32, #tpu.memory_space<vmem>>, vector<1x16xf32>,
        %swap3A_57 = vector.shape_cast %swap3A_56 : vector<1x16xf32> to vector<16xf32>
        %swap3A_58 = vector.shape_cast %get3A_23 : vector<16xf32> to vector<1x16xf32>
        tpu.vector_store %arg5[%swap3A_54, %swap3A_55], %swap3A_58 {add = true, strides = array<i32>} : memref<64x1024xf32, #tpu.memory_space<vmem>>, vector<1x16xf32>,
        %get3A_59 = arith.index_cast %scan3A_20 : i32 to index
        %get3A_60 = arith.constant 16 : index
        %get3A_61 = tpu.vector_load %arg6[%get3A_59, %get3A_60] {strides = array<i32>} : memref<16x1024xf32, #tpu.memory_space<vmem>>, vector<1x16xf32>,
        %get3A_62 = vector.shape_cast %get3A_61 : vector<1x16xf32> to vector<16xf32>
        %mul3A_63 = arith.constant 4 : i32
        %mul3A_64 = arith.muli %scan3A_20, %mul3A_63 : i32
        %add3A_65 = arith.constant 0 : i32
        %add3A_66 = arith.addi %mul3A_64, %add3A_65 : i32
        %swap3A_67 = arith.index_cast %add3A_66 : i32 to index
        %swap3A_68 = arith.constant 16 : index
        %swap3A_69 = tpu.vector_load %arg5[%swap3A_67, %swap3A_68] {strides = array<i32>} : memref<64x1024xf32, #tpu.memory_space<vmem>>, vector<1x16xf32>,
        %swap3A_70 = vector.shape_cast %swap3A_69 : vector<1x16xf32> to vector<16xf32>
        %swap3A_71 = vector.shape_cast %get3A_62 : vector<16xf32> to vector<1x16xf32>
        tpu.vector_store %arg5[%swap3A_67, %swap3A_68], %swap3A_71 {add = true, strides = array<i32>} : memref<64x1024xf32, #tpu.memory_space<vmem>>, vector<1x16xf32>,
        %mul3A_72 = arith.constant 4 : i32
        %mul3A_73 = arith.muli %scan3A_20, %mul3A_72 : i32
        %add3A_74 = arith.constant 1 : i32
        %add3A_75 = arith.addi %mul3A_73, %add3A_74 : i32
        %swap3A_76 = arith.index_cast %add3A_75 : i32 to index
        %swap3A_77 = arith.constant 16 : index
        %swap3A_78 = tpu.vector_load %arg5[%swap3A_76, %swap3A_77] {strides = array<i32>} : memref<64x1024xf32, #tpu.memory_space<vmem>>, vector<1x16xf32>,
        %swap3A_79 = vector.shape_cast %swap3A_78 : vector<1x16xf32> to vector<16xf32>
        %swap3A_80 = vector.shape_cast %get3A_62 : vector<16xf32> to vector<1x16xf32>
        tpu.vector_store %arg5[%swap3A_76, %swap3A_77], %swap3A_80 {add = true, strides = array<i32>} : memref<64x1024xf32, #tpu.memory_space<vmem>>, vector<1x16xf32>,
        %mul3A_81 = arith.constant 4 : i32
        %mul3A_82 = arith.muli %scan3A_20, %mul3A_81 : i32
        %add3A_83 = arith.constant 2 : i32
        %add3A_84 = arith.addi %mul3A_82, %add3A_83 : i32
        %swap3A_85 = arith.index_cast %add3A_84 : i32 to index
        %swap3A_86 = arith.constant 16 : index
        %swap3A_87 = tpu.vector_load %arg5[%swap3A_85, %swap3A_86] {strides = array<i32>} : memref<64x1024xf32, #tpu.memory_space<vmem>>, vector<1x16xf32>,
        %swap3A_88 = vector.shape_cast %swap3A_87 : vector<1x16xf32> to vector<16xf32>
        %swap3A_89 = vector.shape_cast %get3A_62 : vector<16xf32> to vector<1x16xf32>
        tpu.vector_store %arg5[%swap3A_85, %swap3A_86], %swap3A_89 {add = true, strides = array<i32>} : memref<64x1024xf32, #tpu.memory_space<vmem>>, vector<1x16xf32>,
        %mul3A_90 = arith.constant 4 : i32
        %mul3A_91 = arith.muli %scan3A_20, %mul3A_90 : i32
        %add3A_92 = arith.constant 3 : i32
        %add3A_93 = arith.addi %mul3A_91, %add3A_92 : i32
        %swap3A_94 = arith.index_cast %add3A_93 : i32 to index
        %swap3A_95 = arith.constant 16 : index
        %swap3A_96 = tpu.vector_load %arg5[%swap3A_94, %swap3A_95] {strides = array<i32>} : memref<64x1024xf32, #tpu.memory_space<vmem>>, vector<1x16xf32>,
        %swap3A_97 = vector.shape_cast %swap3A_96 : vector<1x16xf32> to vector<16xf32>
        %swap3A_98 = vector.shape_cast %get3A_62 : vector<16xf32> to vector<1x16xf32>
        tpu.vector_store %arg5[%swap3A_94, %swap3A_95], %swap3A_98 {add = true, strides = array<i32>} : memref<64x1024xf32, #tpu.memory_space<vmem>>, vector<1x16xf32>,
        %get3A_99 = arith.index_cast %scan3A_20 : i32 to index
        %get3A_100 = arith.constant 32 : index
        %get3A_101 = tpu.vector_load %arg6[%get3A_99, %get3A_100] {strides = array<i32>} : memref<16x1024xf32, #tpu.memory_space<vmem>>, vector<1x16xf32>,
        %get3A_102 = vector.shape_cast %get3A_101 : vector<1x16xf32> to vector<16xf32>
        %mul3A_103 = arith.constant 4 : i32
        %mul3A_104 = arith.muli %scan3A_20, %mul3A_103 : i32
        %add3A_105 = arith.constant 0 : i32
        %add3A_106 = arith.addi %mul3A_104, %add3A_105 : i32
        %swap3A_107 = arith.index_cast %add3A_106 : i32 to index
        %swap3A_108 = arith.constant 32 : index
        %swap3A_109 = tpu.vector_load %arg5[%swap3A_107, %swap3A_108] {strides = array<i32>} : memref<64x1024xf32, #tpu.memory_space<vmem>>, vector<1x16xf32>,
        %swap3A_110 = vector.shape_cast %swap3A_109 : vector<1x16xf32> to vector<16xf32>
        %swap3A_111 = vector.shape_cast %get3A_102 : vector<16xf32> to vector<1x16xf32>
        tpu.vector_store %arg5[%swap3A_107, %swap3A_108], %swap3A_111 {add = true, strides = array<i32>} : memref<64x1024xf32, #tpu.memory_space<vmem>>, vector<1x16xf32>,
        %mul3A_112 = arith.constant 4 : i32
        %mul3A_113 = arith.muli %scan3A_20, %mul3A_112 : i32
        %add3A_114 = arith.constant 1 : i32
        %add3A_115 = arith.addi %mul3A_113, %add3A_114 : i32
        %swap3A_116 = arith.index_cast %add3A_115 : i32 to index
        %swap3A_117 = arith.constant 32 : index
        %swap3A_118 = tpu.vector_load %arg5[%swap3A_116, %swap3A_117] {strides = array<i32>} : memref<64x1024xf32, #tpu.memory_space<vmem>>, vector<1x16xf32>,
        %swap3A_119 = vector.shape_cast %swap3A_118 : vector<1x16xf32> to vector<16xf32>
        %swap3A_120 = vector.shape_cast %get3A_102 : vector<16xf32> to vector<1x16xf32>
        tpu.vector_store %arg5[%swap3A_116, %swap3A_117], %swap3A_120 {add = true, strides = array<i32>} : memref<64x1024xf32, #tpu.memory_space<vmem>>, vector<1x16xf32>,
        %mul3A_121 = arith.constant 4 : i32
        %mul3A_122 = arith.muli %scan3A_20, %mul3A_121 : i32
        %add3A_123 = arith.constant 2 : i32
        %add3A_124 = arith.addi %mul3A_122, %add3A_123 : i32
        %swap3A_125 = arith.index_cast %add3A_124 : i32 to index
        %swap3A_126 = arith.constant 32 : index
        %swap3A_127 = tpu.vector_load %arg5[%swap3A_125, %swap3A_126] {strides = array<i32>} : memref<64x1024xf32, #tpu.memory_space<vmem>>, vector<1x16xf32>,
        %swap3A_128 = vector.shape_cast %swap3A_127 : vector<1x16xf32> to vector<16xf32>
        %swap3A_129 = vector.shape_cast %get3A_102 : vector<16xf32> to vector<1x16xf32>
        tpu.vector_store %arg5[%swap3A_125, %swap3A_126], %swap3A_129 {add = true, strides = array<i32>} : memref<64x1024xf32, #tpu.memory_space<vmem>>, vector<1x16xf32>,
        %mul3A_130 = arith.constant 4 : i32
        %mul3A_131 = arith.muli %scan3A_20, %mul3A_130 : i32
        %add3A_132 = arith.constant 3 : i32
        %add3A_133 = arith.addi %mul3A_131, %add3A_132 : i32
        %swap3A_134 = arith.index_cast %add3A_133 : i32 to index
        %swap3A_135 = arith.constant 32 : index
        %swap3A_136 = tpu.vector_load %arg5[%swap3A_134, %swap3A_135] {strides = array<i32>} : memref<64x1024xf32, #tpu.memory_space<vmem>>, vector<1x16xf32>,
        %swap3A_137 = vector.shape_cast %swap3A_136 : vector<1x16xf32> to vector<16xf32>
        %swap3A_138 = vector.shape_cast %get3A_102 : vector<16xf32> to vector<1x16xf32>
        tpu.vector_store %arg5[%swap3A_134, %swap3A_135], %swap3A_138 {add = true, strides = array<i32>} : memref<64x1024xf32, #tpu.memory_space<vmem>>, vector<1x16xf32>,
        %get3A_139 = arith.index_cast %scan3A_20 : i32 to index
        %get3A_140 = arith.constant 48 : index
        %get3A_141 = tpu.vector_load %arg6[%get3A_139, %get3A_140] {strides = array<i32>} : memref<16x1024xf32, #tpu.memory_space<vmem>>, vector<1x16xf32>,
        %get3A_142 = vector.shape_cast %get3A_141 : vector<1x16xf32> to vector<16xf32>
        %mul3A_143 = arith.constant 4 : i32
        %mul3A_144 = arith.muli %scan3A_20, %mul3A_143 : i32
        %add3A_145 = arith.constant 0 : i32
        %add3A_146 = arith.addi %mul3A_144, %add3A_145 : i32
        %swap3A_147 = arith.index_cast %add3A_146 : i32 to index
        %swap3A_148 = arith.constant 48 : index
        %swap3A_149 = tpu.vector_load %arg5[%swap3A_147, %swap3A_148] {strides = array<i32>} : memref<64x1024xf32, #tpu.memory_space<vmem>>, vector<1x16xf32>,
        %swap3A_150 = vector.shape_cast %swap3A_149 : vector<1x16xf32> to vector<16xf32>
        %swap3A_151 = vector.shape_cast %get3A_142 : vector<16xf32> to vector<1x16xf32>
        tpu.vector_store %arg5[%swap3A_147, %swap3A_148], %swap3A_151 {add = true, strides = array<i32>} : memref<64x1024xf32, #tpu.memory_space<vmem>>, vector<1x16xf32>,
        %mul3A_152 = arith.constant 4 : i32
        %mul3A_153 = arith.muli %scan3A_20, %mul3A_152 : i32
        %add3A_154 = arith.constant 1 : i32
        %add3A_155 = arith.addi %mul3A_153, %add3A_154 : i32
        %swap3A_156 = arith.index_cast %add3A_155 : i32 to index
        %swap3A_157 = arith.constant 48 : index
        %swap3A_158 = tpu.vector_load %arg5[%swap3A_156, %swap3A_157] {strides = array<i32>} : memref<64x1024xf32, #tpu.memory_space<vmem>>, vector<1x16xf32>,
        %swap3A_159 = vector.shape_cast %swap3A_158 : vector<1x16xf32> to vector<16xf32>
        %swap3A_160 = vector.shape_cast %get3A_142 : vector<16xf32> to vector<1x16xf32>
        tpu.vector_store %arg5[%swap3A_156, %swap3A_157], %swap3A_160 {add = true, strides = array<i32>} : memref<64x1024xf32, #tpu.memory_space<vmem>>, vector<1x16xf32>,
        %mul3A_161 = arith.constant 4 : i32
        %mul3A_162 = arith.muli %scan3A_20, %mul3A_161 : i32
        %add3A_163 = arith.constant 2 : i32
        %add3A_164 = arith.addi %mul3A_162, %add3A_163 : i32
        %swap3A_165 = arith.index_cast %add3A_164 : i32 to index
        %swap3A_166 = arith.constant 48 : index
        %swap3A_167 = tpu.vector_load %arg5[%swap3A_165, %swap3A_166] {strides = array<i32>} : memref<64x1024xf32, #tpu.memory_space<vmem>>, vector<1x16xf32>,
        %swap3A_168 = vector.shape_cast %swap3A_167 : vector<1x16xf32> to vector<16xf32>
        %swap3A_169 = vector.shape_cast %get3A_142 : vector<16xf32> to vector<1x16xf32>
        tpu.vector_store %arg5[%swap3A_165, %swap3A_166], %swap3A_169 {add = true, strides = array<i32>} : memref<64x1024xf32, #tpu.memory_space<vmem>>, vector<1x16xf32>,
        %mul3A_170 = arith.constant 4 : i32
        %mul3A_171 = arith.muli %scan3A_20, %mul3A_170 : i32
        %add3A_172 = arith.constant 3 : i32
        %add3A_173 = arith.addi %mul3A_171, %add3A_172 : i32
        %swap3A_174 = arith.index_cast %add3A_173 : i32 to index
        %swap3A_175 = arith.constant 48 : index
        %swap3A_176 = tpu.vector_load %arg5[%swap3A_174, %swap3A_175] {strides = array<i32>} : memref<64x1024xf32, #tpu.memory_space<vmem>>, vector<1x16xf32>,
        %swap3A_177 = vector.shape_cast %swap3A_176 : vector<1x16xf32> to vector<16xf32>
        %swap3A_178 = vector.shape_cast %get3A_142 : vector<16xf32> to vector<1x16xf32>
        tpu.vector_store %arg5[%swap3A_174, %swap3A_175], %swap3A_178 {add = true, strides = array<i32>} : memref<64x1024xf32, #tpu.memory_space<vmem>>, vector<1x16xf32>,
        %get3A_179 = arith.index_cast %scan3A_20 : i32 to index
        %get3A_180 = arith.constant 64 : index
        %get3A_181 = tpu.vector_load %arg6[%get3A_179, %get3A_180] {strides = array<i32>} : memref<16x1024xf32, #tpu.memory_space<vmem>>, vector<1x16xf32>,
        %get3A_182 = vector.shape_cast %get3A_181 : vector<1x16xf32> to vector<16xf32>
        %mul3A_183 = arith.constant 4 : i32
        %mul3A_184 = arith.muli %scan3A_20, %mul3A_183 : i32
        %add3A_185 = arith.constant 0 : i32
        %add3A_186 = arith.addi %mul3A_184, %add3A_185 : i32
        %swap3A_187 = arith.index_cast %add3A_186 : i32 to index
        %swap3A_188 = arith.constant 64 : index
        %swap3A_189 = tpu.vector_load %arg5[%swap3A_187, %swap3A_188] {strides = array<i32>} : memref<64x1024xf32, #tpu.memory_space<vmem>>, vector<1x16xf32>,
        %swap3A_190 = vector.shape_cast %swap3A_189 : vector<1x16xf32> to vector<16xf32>
        %swap3A_191 = vector.shape_cast %get3A_182 : vector<16xf32> to vector<1x16xf32>
        tpu.vector_store %arg5[%swap3A_187, %swap3A_188], %swap3A_191 {add = true, strides = array<i32>} : memref<64x1024xf32, #tpu.memory_space<vmem>>, vector<1x16xf32>,
        %mul3A_192 = arith.constant 4 : i32
        %mul3A_193 = arith.muli %scan3A_20, %mul3A_192 : i32
        %add3A_194 = arith.constant 1 : i32
        %add3A_195 = arith.addi %mul3A_193, %add3A_194 : i32
        %swap3A_196 = arith.index_cast %add3A_195 : i32 to index
        %swap3A_197 = arith.constant 64 : index
        %swap3A_198 = tpu.vector_load %arg5[%swap3A_196, %swap3A_197] {strides = array<i32>} : memref<64x1024xf32, #tpu.memory_space<vmem>>, vector<1x16xf32>,
        %swap3A_199 = vector.shape_cast %swap3A_198 : vector<1x16xf32> to vector<16xf32>
        %swap3A_200 = vector.shape_cast %get3A_182 : vector<16xf32> to vector<1x16xf32>
        tpu.vector_store %arg5[%swap3A_196, %swap3A_197], %swap3A_200 {add = true, strides = array<i32>} : memref<64x1024xf32, #tpu.memory_space<vmem>>, vector<1x16xf32>,
        %mul3A_201 = arith.constant 4 : i32
        %mul3A_202 = arith.muli %scan3A_20, %mul3A_201 : i32
        %add3A_203 = arith.constant 2 : i32
        %add3A_204 = arith.addi %mul3A_202, %add3A_203 : i32
        %swap3A_205 = arith.index_cast %add3A_204 : i32 to index
        %swap3A_206 = arith.constant 64 : index
        %swap3A_207 = tpu.vector_load %arg5[%swap3A_205, %swap3A_206] {strides = array<i32>} : memref<64x1024xf32, #tpu.memory_space<vmem>>, vector<1x16xf32>,
        %swap3A_208 = vector.shape_cast %swap3A_207 : vector<1x16xf32> to vector<16xf32>
        %swap3A_209 = vector.shape_cast %get3A_182 : vector<16xf32> to vector<1x16xf32>
        tpu.vector_store %arg5[%swap3A_205, %swap3A_206], %swap3A_209 {add = true, strides = array<i32>} : memref<64x1024xf32, #tpu.memory_space<vmem>>, vector<1x16xf32>,
        %mul3A_210 = arith.constant 4 : i32
        %mul3A_211 = arith.muli %scan3A_20, %mul3A_210 : i32
        %add3A_212 = arith.constant 3 : i32
        %add3A_213 = arith.addi %mul3A_211, %add3A_212 : i32
        %swap3A_214 = arith.index_cast %add3A_213 : i32 to index
        %swap3A_215 = arith.constant 64 : index
        %swap3A_216 = tpu.vector_load %arg5[%swap3A_214, %swap3A_215] {strides = array<i32>} : memref<64x1024xf32, #tpu.memory_space<vmem>>, vector<1x16xf32>,
        %swap3A_217 = vector.shape_cast %swap3A_216 : vector<1x16xf32> to vector<16xf32>
        %swap3A_218 = vector.shape_cast %get3A_182 : vector<16xf32> to vector<1x16xf32>
        tpu.vector_store %arg5[%swap3A_214, %swap3A_215], %swap3A_218 {add = true, strides = array<i32>} : memref<64x1024xf32, #tpu.memory_space<vmem>>, vector<1x16xf32>,
        %get3A_219 = arith.index_cast %scan3A_20 : i32 to index
        %get3A_220 = arith.constant 80 : index
        %get3A_221 = tpu.vector_load %arg6[%get3A_219, %get3A_220] {strides = array<i32>} : memref<16x1024xf32, #tpu.memory_space<vmem>>, vector<1x16xf32>,
        %get3A_222 = vector.shape_cast %get3A_221 : vector<1x16xf32> to vector<16xf32>
        %mul3A_223 = arith.constant 4 : i32
        %mul3A_224 = arith.muli %scan3A_20, %mul3A_223 : i32
        %add3A_225 = arith.constant 0 : i32
        %add3A_226 = arith.addi %mul3A_224, %add3A_225 : i32
        %swap3A_227 = arith.index_cast %add3A_226 : i32 to index
        %swap3A_228 = arith.constant 80 : index
        %swap3A_229 = tpu.vector_load %arg5[%swap3A_227, %swap3A_228] {strides = array<i32>} : memref<64x1024xf32, #tpu.memory_space<vmem>>, vector<1x16xf32>,
        %swap3A_230 = vector.shape_cast %swap3A_229 : vector<1x16xf32> to vector<16xf32>
        %swap3A_231 = vector.shape_cast %get3A_222 : vector<16xf32> to vector<1x16xf32>
        tpu.vector_store %arg5[%swap3A_227, %swap3A_228], %swap3A_231 {add = true, strides = array<i32>} : memref<64x1024xf32, #tpu.memory_space<vmem>>, vector<1x16xf32>,
        %mul3A_232 = arith.constant 4 : i32
        %mul3A_233 = arith.muli %scan3A_20, %mul3A_232 : i32
        %add3A_234 = arith.constant 1 : i32
        %add3A_235 = arith.addi %mul3A_233, %add3A_234 : i32
        %swap3A_236 = arith.index_cast %add3A_235 : i32 to index
        %swap3A_237 = arith.constant 80 : index
        %swap3A_238 = tpu.vector_load %arg5[%swap3A_236, %swap3A_237] {strides = array<i32>} : memref<64x1024xf32, #tpu.memory_space<vmem>>, vector<1x16xf32>,
        %swap3A_239 = vector.shape_cast %swap3A_238 : vector<1x16xf32> to vector<16xf32>
        %swap3A_240 = vector.shape_cast %get3A_222 : vector<16xf32> to vector<1x16xf32>
        tpu.vector_store %arg5[%swap3A_236, %swap3A_237], %swap3A_240 {add = true, strides = array<i32>} : memref<64x1024xf32, #tpu.memory_space<vmem>>, vector<1x16xf32>,
        %mul3A_241 = arith.constant 4 : i32
        %mul3A_242 = arith.muli %scan3A_20, %mul3A_241 : i32
        %add3A_243 = arith.constant 2 : i32
        %add3A_244 = arith.addi %mul3A_242, %add3A_243 : i32
        %swap3A_245 = arith.index_cast %add3A_244 : i32 to index
        %swap3A_246 = arith.constant 80 : index
        %swap3A_247 = tpu.vector_load %arg5[%swap3A_245, %swap3A_246] {strides = array<i32>} : memref<64x1024xf32, #tpu.memory_space<vmem>>, vector<1x16xf32>,
        %swap3A_248 = vector.shape_cast %swap3A_247 : vector<1x16xf32> to vector<16xf32>
        %swap3A_249 = vector.shape_cast %get3A_222 : vector<16xf32> to vector<1x16xf32>
        tpu.vector_store %arg5[%swap3A_245, %swap3A_246], %swap3A_249 {add = true, strides = array<i32>} : memref<64x1024xf32, #tpu.memory_space<vmem>>, vector<1x16xf32>,
        %mul3A_250 = arith.constant 4 : i32
        %mul3A_251 = arith.muli %scan3A_20, %mul3A_250 : i32
        %add3A_252 = arith.constant 3 : i32
        %add3A_253 = arith.addi %mul3A_251, %add3A_252 : i32
        %swap3A_254 = arith.index_cast %add3A_253 : i32 to index
        %swap3A_255 = arith.constant 80 : index
        %swap3A_256 = tpu.vector_load %arg5[%swap3A_254, %swap3A_255] {strides = array<i32>} : memref<64x1024xf32, #tpu.memory_space<vmem>>, vector<1x16xf32>,
        %swap3A_257 = vector.shape_cast %swap3A_256 : vector<1x16xf32> to vector<16xf32>
        %swap3A_258 = vector.shape_cast %get3A_222 : vector<16xf32> to vector<1x16xf32>
        tpu.vector_store %arg5[%swap3A_254, %swap3A_255], %swap3A_258 {add = true, strides = array<i32>} : memref<64x1024xf32, #tpu.memory_space<vmem>>, vector<1x16xf32>,
        %get3A_259 = arith.index_cast %scan3A_20 : i32 to index
        %get3A_260 = arith.constant 96 : index
        %get3A_261 = tpu.vector_load %arg6[%get3A_259, %get3A_260] {strides = array<i32>} : memref<16x1024xf32, #tpu.memory_space<vmem>>, vector<1x16xf32>,
        %get3A_262 = vector.shape_cast %get3A_261 : vector<1x16xf32> to vector<16xf32>
        %mul3A_263 = arith.constant 4 : i32
        %mul3A_264 = arith.muli %scan3A_20, %mul3A_263 : i32
        %add3A_265 = arith.constant 0 : i32
        %add3A_266 = arith.addi %mul3A_264, %add3A_265 : i32
        %swap3A_267 = arith.index_cast %add3A_266 : i32 to index
        %swap3A_268 = arith.constant 96 : index
        %swap3A_269 = tpu.vector_load %arg5[%swap3A_267, %swap3A_268] {strides = array<i32>} : memref<64x1024xf32, #tpu.memory_space<vmem>>, vector<1x16xf32>,
        %swap3A_270 = vector.shape_cast %swap3A_269 : vector<1x16xf32> to vector<16xf32>
        %swap3A_271 = vector.shape_cast %get3A_262 : vector<16xf32> to vector<1x16xf32>
        tpu.vector_store %arg5[%swap3A_267, %swap3A_268], %swap3A_271 {add = true, strides = array<i32>} : memref<64x1024xf32, #tpu.memory_space<vmem>>, vector<1x16xf32>,
        %mul3A_272 = arith.constant 4 : i32
        %mul3A_273 = arith.muli %scan3A_20, %mul3A_272 : i32
        %add3A_274 = arith.constant 1 : i32
        %add3A_275 = arith.addi %mul3A_273, %add3A_274 : i32
        %swap3A_276 = arith.index_cast %add3A_275 : i32 to index
        %swap3A_277 = arith.constant 96 : index
        %swap3A_278 = tpu.vector_load %arg5[%swap3A_276, %swap3A_277] {strides = array<i32>} : memref<64x1024xf32, #tpu.memory_space<vmem>>, vector<1x16xf32>,
        %swap3A_279 = vector.shape_cast %swap3A_278 : vector<1x16xf32> to vector<16xf32>
        %swap3A_280 = vector.shape_cast %get3A_262 : vector<16xf32> to vector<1x16xf32>
        tpu.vector_store %arg5[%swap3A_276, %swap3A_277], %swap3A_280 {add = true, strides = array<i32>} : memref<64x1024xf32, #tpu.memory_space<vmem>>, vector<1x16xf32>,
        %mul3A_281 = arith.constant 4 : i32
        %mul3A_282 = arith.muli %scan3A_20, %mul3A_281 : i32
        %add3A_283 = arith.constant 2 : i32
        %add3A_284 = arith.addi %mul3A_282, %add3A_283 : i32
        %swap3A_285 = arith.index_cast %add3A_284 : i32 to index
        %swap3A_286 = arith.constant 96 : index
        %swap3A_287 = tpu.vector_load %arg5[%swap3A_285, %swap3A_286] {strides = array<i32>} : memref<64x1024xf32, #tpu.memory_space<vmem>>, vector<1x16xf32>,
        %swap3A_288 = vector.shape_cast %swap3A_287 : vector<1x16xf32> to vector<16xf32>
        %swap3A_289 = vector.shape_cast %get3A_262 : vector<16xf32> to vector<1x16xf32>
        tpu.vector_store %arg5[%swap3A_285, %swap3A_286], %swap3A_289 {add = true, strides = array<i32>} : memref<64x1024xf32, #tpu.memory_space<vmem>>, vector<1x16xf32>,
        %mul3A_290 = arith.constant 4 : i32
        %mul3A_291 = arith.muli %scan3A_20, %mul3A_290 : i32
        %add3A_292 = arith.constant 3 : i32
        %add3A_293 = arith.addi %mul3A_291, %add3A_292 : i32
        %swap3A_294 = arith.index_cast %add3A_293 : i32 to index
        %swap3A_295 = arith.constant 96 : index
        %swap3A_296 = tpu.vector_load %arg5[%swap3A_294, %swap3A_295] {strides = array<i32>} : memref<64x1024xf32, #tpu.memory_space<vmem>>, vector<1x16xf32>,
        %swap3A_297 = vector.shape_cast %swap3A_296 : vector<1x16xf32> to vector<16xf32>
        %swap3A_298 = vector.shape_cast %get3A_262 : vector<16xf32> to vector<1x16xf32>
        tpu.vector_store %arg5[%swap3A_294, %swap3A_295], %swap3A_298 {add = true, strides = array<i32>} : memref<64x1024xf32, #tpu.memory_space<vmem>>, vector<1x16xf32>,
        %get3A_299 = arith.index_cast %scan3A_20 : i32 to index
        %get3A_300 = arith.constant 112 : index
        %get3A_301 = tpu.vector_load %arg6[%get3A_299, %get3A_300] {strides = array<i32>} : memref<16x1024xf32, #tpu.memory_space<vmem>>, vector<1x16xf32>,
        %get3A_302 = vector.shape_cast %get3A_301 : vector<1x16xf32> to vector<16xf32>
        %mul3A_303 = arith.constant 4 : i32
        %mul3A_304 = arith.muli %scan3A_20, %mul3A_303 : i32
        %add3A_305 = arith.constant 0 : i32
        %add3A_306 = arith.addi %mul3A_304, %add3A_305 : i32
        %swap3A_307 = arith.index_cast %add3A_306 : i32 to index
        %swap3A_308 = arith.constant 112 : index
        %swap3A_309 = tpu.vector_load %arg5[%swap3A_307, %swap3A_308] {strides = array<i32>} : memref<64x1024xf32, #tpu.memory_space<vmem>>, vector<1x16xf32>,
        %swap3A_310 = vector.shape_cast %swap3A_309 : vector<1x16xf32> to vector<16xf32>
        %swap3A_311 = vector.shape_cast %get3A_302 : vector<16xf32> to vector<1x16xf32>
        tpu.vector_store %arg5[%swap3A_307, %swap3A_308], %swap3A_311 {add = true, strides = array<i32>} : memref<64x1024xf32, #tpu.memory_space<vmem>>, vector<1x16xf32>,
        %mul3A_312 = arith.constant 4 : i32
        %mul3A_313 = arith.muli %scan3A_20, %mul3A_312 : i32
        %add3A_314 = arith.constant 1 : i32
        %add3A_315 = arith.addi %mul3A_313, %add3A_314 : i32
        %swap3A_316 = arith.index_cast %add3A_315 : i32 to index
        %swap3A_317 = arith.constant 112 : index
        %swap3A_318 = tpu.vector_load %arg5[%swap3A_316, %swap3A_317] {strides = array<i32>} : memref<64x1024xf32, #tpu.memory_space<vmem>>, vector<1x16xf32>,
        %swap3A_319 = vector.shape_cast %swap3A_318 : vector<1x16xf32> to vector<16xf32>
        %swap3A_320 = vector.shape_cast %get3A_302 : vector<16xf32> to vector<1x16xf32>
        tpu.vector_store %arg5[%swap3A_316, %swap3A_317], %swap3A_320 {add = true, strides = array<i32>} : memref<64x1024xf32, #tpu.memory_space<vmem>>, vector<1x16xf32>,
        %mul3A_321 = arith.constant 4 : i32
        %mul3A_322 = arith.muli %scan3A_20, %mul3A_321 : i32
        %add3A_323 = arith.constant 2 : i32
        %add3A_324 = arith.addi %mul3A_322, %add3A_323 : i32
        %swap3A_325 = arith.index_cast %add3A_324 : i32 to index
        %swap3A_326 = arith.constant 112 : index
        %swap3A_327 = tpu.vector_load %arg5[%swap3A_325, %swap3A_326] {strides = array<i32>} : memref<64x1024xf32, #tpu.memory_space<vmem>>, vector<1x16xf32>,
        %swap3A_328 = vector.shape_cast %swap3A_327 : vector<1x16xf32> to vector<16xf32>
        %swap3A_329 = vector.shape_cast %get3A_302 : vector<16xf32> to vector<1x16xf32>
        tpu.vector_store %arg5[%swap3A_325, %swap3A_326], %swap3A_329 {add = true, strides = array<i32>} : memref<64x1024xf32, #tpu.memory_space<vmem>>, vector<1x16xf32>,
        %mul3A_330 = arith.constant 4 : i32
        %mul3A_331 = arith.muli %scan3A_20, %mul3A_330 : i32
        %add3A_332 = arith.constant 3 : i32
        %add3A_333 = arith.addi %mul3A_331, %add3A_332 : i32
        %swap3A_334 = arith.index_cast %add3A_333 : i32 to index
        %swap3A_335 = arith.constant 112 : index
        %swap3A_336 = tpu.vector_load %arg5[%swap3A_334, %swap3A_335] {strides = array<i32>} : memref<64x1024xf32, #tpu.memory_space<vmem>>, vector<1x16xf32>,
        %swap3A_337 = vector.shape_cast %swap3A_336 : vector<1x16xf32> to vector<16xf32>
        %swap3A_338 = vector.shape_cast %get3A_302 : vector<16xf32> to vector<1x16xf32>
        tpu.vector_store %arg5[%swap3A_334, %swap3A_335], %swap3A_338 {add = true, strides = array<i32>} : memref<64x1024xf32, #tpu.memory_space<vmem>>, vector<1x16xf32>,
        %get3A_339 = arith.index_cast %scan3A_20 : i32 to index
        %get3A_340 = arith.constant 128 : index
        %get3A_341 = tpu.vector_load %arg6[%get3A_339, %get3A_340] {strides = array<i32>} : memref<16x1024xf32, #tpu.memory_space<vmem>>, vector<1x16xf32>,
        %get3A_342 = vector.shape_cast %get3A_341 : vector<1x16xf32> to vector<16xf32>
        %mul3A_343 = arith.constant 4 : i32
        %mul3A_344 = arith.muli %scan3A_20, %mul3A_343 : i32
        %add3A_345 = arith.constant 0 : i32
        %add3A_346 = arith.addi %mul3A_344, %add3A_345 : i32
        %swap3A_347 = arith.index_cast %add3A_346 : i32 to index
        %swap3A_348 = arith.constant 128 : index
        %swap3A_349 = tpu.vector_load %arg5[%swap3A_347, %swap3A_348] {strides = array<i32>} : memref<64x1024xf32, #tpu.memory_space<vmem>>, vector<1x16xf32>,
        %swap3A_350 = vector.shape_cast %swap3A_349 : vector<1x16xf32> to vector<16xf32>
        %swap3A_351 = vector.shape_cast %get3A_342 : vector<16xf32> to vector<1x16xf32>
        tpu.vector_store %arg5[%swap3A_347, %swap3A_348], %swap3A_351 {add = true, strides = array<i32>} : memref<64x1024xf32, #tpu.memory_space<vmem>>, vector<1x16xf32>,
        %mul3A_352 = arith.constant 4 : i32
        %mul3A_353 = arith.muli %scan3A_20, %mul3A_352 : i32
        %add3A_354 = arith.constant 1 : i32
        %add3A_355 = arith.addi %mul3A_353, %add3A_354 : i32
        %swap3A_356 = arith.index_cast %add3A_355 : i32 to index
        %swap3A_357 = arith.constant 128 : index
        %swap3A_358 = tpu.vector_load %arg5[%swap3A_356, %swap3A_357] {strides = array<i32>} : memref<64x1024xf32, #tpu.memory_space<vmem>>, vector<1x16xf32>,
        %swap3A_359 = vector.shape_cast %swap3A_358 : vector<1x16xf32> to vector<16xf32>
        %swap3A_360 = vector.shape_cast %get3A_342 : vector<16xf32> to vector<1x16xf32>
        tpu.vector_store %arg5[%swap3A_356, %swap3A_357], %swap3A_360 {add = true, strides = array<i32>} : memref<64x1024xf32, #tpu.memory_space<vmem>>, vector<1x16xf32>,
        %mul3A_361 = arith.constant 4 : i32
        %mul3A_362 = arith.muli %scan3A_20, %mul3A_361 : i32
        %add3A_363 = arith.constant 2 : i32
        %add3A_364 = arith.addi %mul3A_362, %add3A_363 : i32
        %swap3A_365 = arith.index_cast %add3A_364 : i32 to index
        %swap3A_366 = arith.constant 128 : index
        %swap3A_367 = tpu.vector_load %arg5[%swap3A_365, %swap3A_366] {strides = array<i32>} : memref<64x1024xf32, #tpu.memory_space<vmem>>, vector<1x16xf32>,
        %swap3A_368 = vector.shape_cast %swap3A_367 : vector<1x16xf32> to vector<16xf32>
        %swap3A_369 = vector.shape_cast %get3A_342 : vector<16xf32> to vector<1x16xf32>
        tpu.vector_store %arg5[%swap3A_365, %swap3A_366], %swap3A_369 {add = true, strides = array<i32>} : memref<64x1024xf32, #tpu.memory_space<vmem>>, vector<1x16xf32>,
        %mul3A_370 = arith.constant 4 : i32
        %mul3A_371 = arith.muli %scan3A_20, %mul3A_370 : i32
        %add3A_372 = arith.constant 3 : i32
        %add3A_373 = arith.addi %mul3A_371, %add3A_372 : i32
        %swap3A_374 = arith.index_cast %add3A_373 : i32 to index
        %swap3A_375 = arith.constant 128 : index
        %swap3A_376 = tpu.vector_load %arg5[%swap3A_374, %swap3A_375] {strides = array<i32>} : memref<64x1024xf32, #tpu.memory_space<vmem>>, vector<1x16xf32>,
        %swap3A_377 = vector.shape_cast %swap3A_376 : vector<1x16xf32> to vector<16xf32>
        %swap3A_378 = vector.shape_cast %get3A_342 : vector<16xf32> to vector<1x16xf32>
        tpu.vector_store %arg5[%swap3A_374, %swap3A_375], %swap3A_378 {add = true, strides = array<i32>} : memref<64x1024xf32, #tpu.memory_space<vmem>>, vector<1x16xf32>,
        %get3A_379 = arith.index_cast %scan3A_20 : i32 to index
        %get3A_380 = arith.constant 144 : index
        %get3A_381 = tpu.vector_load %arg6[%get3A_379, %get3A_380] {strides = array<i32>} : memref<16x1024xf32, #tpu.memory_space<vmem>>, vector<1x16xf32>,
        %get3A_382 = vector.shape_cast %get3A_381 : vector<1x16xf32> to vector<16xf32>
        %mul3A_383 = arith.constant 4 : i32
        %mul3A_384 = arith.muli %scan3A_20, %mul3A_383 : i32
        %add3A_385 = arith.constant 0 : i32
        %add3A_386 = arith.addi %mul3A_384, %add3A_385 : i32
        %swap3A_387 = arith.index_cast %add3A_386 : i32 to index
        %swap3A_388 = arith.constant 144 : index
        %swap3A_389 = tpu.vector_load %arg5[%swap3A_387, %swap3A_388] {strides = array<i32>} : memref<64x1024xf32, #tpu.memory_space<vmem>>, vector<1x16xf32>,
        %swap3A_390 = vector.shape_cast %swap3A_389 : vector<1x16xf32> to vector<16xf32>
        %swap3A_391 = vector.shape_cast %get3A_382 : vector<16xf32> to vector<1x16xf32>
        tpu.vector_store %arg5[%swap3A_387, %swap3A_388], %swap3A_391 {add = true, strides = array<i32>} : memref<64x1024xf32, #tpu.memory_space<vmem>>, vector<1x16xf32>,
        %mul3A_392 = arith.constant 4 : i32
        %mul3A_393 = arith.muli %scan3A_20, %mul3A_392 : i32
        %add3A_394 = arith.constant 1 : i32
        %add3A_395 = arith.addi %mul3A_393, %add3A_394 : i32
        %swap3A_396 = arith.index_cast %add3A_395 : i32 to index
        %swap3A_397 = arith.constant 144 : index
        %swap3A_398 = tpu.vector_load %arg5[%swap3A_396, %swap3A_397] {strides = array<i32>} : memref<64x1024xf32, #tpu.memory_space<vmem>>, vector<1x16xf32>,
        %swap3A_399 = vector.shape_cast %swap3A_398 : vector<1x16xf32> to vector<16xf32>
        %swap3A_400 = vector.shape_cast %get3A_382 : vector<16xf32> to vector<1x16xf32>
        tpu.vector_store %arg5[%swap3A_396, %swap3A_397], %swap3A_400 {add = true, strides = array<i32>} : memref<64x1024xf32, #tpu.memory_space<vmem>>, vector<1x16xf32>,
        %mul3A_401 = arith.constant 4 : i32
        %mul3A_402 = arith.muli %scan3A_20, %mul3A_401 : i32
        %add3A_403 = arith.constant 2 : i32
        %add3A_404 = arith.addi %mul3A_402, %add3A_403 : i32
        %swap3A_405 = arith.index_cast %add3A_404 : i32 to index
        %swap3A_406 = arith.constant 144 : index
        %swap3A_407 = tpu.vector_load %arg5[%swap3A_405, %swap3A_406] {strides = array<i32>} : memref<64x1024xf32, #tpu.memory_space<vmem>>, vector<1x16xf32>,
        %swap3A_408 = vector.shape_cast %swap3A_407 : vector<1x16xf32> to vector<16xf32>
        %swap3A_409 = vector.shape_cast %get3A_382 : vector<16xf32> to vector<1x16xf32>
        tpu.vector_store %arg5[%swap3A_405, %swap3A_406], %swap3A_409 {add = true, strides = array<i32>} : memref<64x1024xf32, #tpu.memory_space<vmem>>, vector<1x16xf32>,
        %mul3A_410 = arith.constant 4 : i32
        %mul3A_411 = arith.muli %scan3A_20, %mul3A_410 : i32
        %add3A_412 = arith.constant 3 : i32
        %add3A_413 = arith.addi %mul3A_411, %add3A_412 : i32
        %swap3A_414 = arith.index_cast %add3A_413 : i32 to index
        %swap3A_415 = arith.constant 144 : index
        %swap3A_416 = tpu.vector_load %arg5[%swap3A_414, %swap3A_415] {strides = array<i32>} : memref<64x1024xf32, #tpu.memory_space<vmem>>, vector<1x16xf32>,
        %swap3A_417 = vector.shape_cast %swap3A_416 : vector<1x16xf32> to vector<16xf32>
        %swap3A_418 = vector.shape_cast %get3A_382 : vector<16xf32> to vector<1x16xf32>
        tpu.vector_store %arg5[%swap3A_414, %swap3A_415], %swap3A_418 {add = true, strides = array<i32>} : memref<64x1024xf32, #tpu.memory_space<vmem>>, vector<1x16xf32>,
        %get3A_419 = arith.index_cast %scan3A_20 : i32 to index
        %get3A_420 = arith.constant 160 : index
        %get3A_421 = tpu.vector_load %arg6[%get3A_419, %get3A_420] {strides = array<i32>} : memref<16x1024xf32, #tpu.memory_space<vmem>>, vector<1x16xf32>,
        %get3A_422 = vector.shape_cast %get3A_421 : vector<1x16xf32> to vector<16xf32>
        %mul3A_423 = arith.constant 4 : i32
        %mul3A_424 = arith.muli %scan3A_20, %mul3A_423 : i32
        %add3A_425 = arith.constant 0 : i32
        %add3A_426 = arith.addi %mul3A_424, %add3A_425 : i32
        %swap3A_427 = arith.index_cast %add3A_426 : i32 to index
        %swap3A_428 = arith.constant 160 : index
        %swap3A_429 = tpu.vector_load %arg5[%swap3A_427, %swap3A_428] {strides = array<i32>} : memref<64x1024xf32, #tpu.memory_space<vmem>>, vector<1x16xf32>,
        %swap3A_430 = vector.shape_cast %swap3A_429 : vector<1x16xf32> to vector<16xf32>
        %swap3A_431 = vector.shape_cast %get3A_422 : vector<16xf32> to vector<1x16xf32>
        tpu.vector_store %arg5[%swap3A_427, %swap3A_428], %swap3A_431 {add = true, strides = array<i32>} : memref<64x1024xf32, #tpu.memory_space<vmem>>, vector<1x16xf32>,
        %mul3A_432 = arith.constant 4 : i32
        %mul3A_433 = arith.muli %scan3A_20, %mul3A_432 : i32
        %add3A_434 = arith.constant 1 : i32
        %add3A_435 = arith.addi %mul3A_433, %add3A_434 : i32
        %swap3A_436 = arith.index_cast %add3A_435 : i32 to index
        %swap3A_437 = arith.constant 160 : index
        %swap3A_438 = tpu.vector_load %arg5[%swap3A_436, %swap3A_437] {strides = array<i32>} : memref<64x1024xf32, #tpu.memory_space<vmem>>, vector<1x16xf32>,
        %swap3A_439 = vector.shape_cast %swap3A_438 : vector<1x16xf32> to vector<16xf32>
        %swap3A_440 = vector.shape_cast %get3A_422 : vector<16xf32> to vector<1x16xf32>
        tpu.vector_store %arg5[%swap3A_436, %swap3A_437], %swap3A_440 {add = true, strides = array<i32>} : memref<64x1024xf32, #tpu.memory_space<vmem>>, vector<1x16xf32>,
        %mul3A_441 = arith.constant 4 : i32
        %mul3A_442 = arith.muli %scan3A_20, %mul3A_441 : i32
        %add3A_443 = arith.constant 2 : i32
        %add3A_444 = arith.addi %mul3A_442, %add3A_443 : i32
        %swap3A_445 = arith.index_cast %add3A_444 : i32 to index
        %swap3A_446 = arith.constant 160 : index
        %swap3A_447 = tpu.vector_load %arg5[%swap3A_445, %swap3A_446] {strides = array<i32>} : memref<64x1024xf32, #tpu.memory_space<vmem>>, vector<1x16xf32>,
        %swap3A_448 = vector.shape_cast %swap3A_447 : vector<1x16xf32> to vector<16xf32>
        %swap3A_449 = vector.shape_cast %get3A_422 : vector<16xf32> to vector<1x16xf32>
        tpu.vector_store %arg5[%swap3A_445, %swap3A_446], %swap3A_449 {add = true, strides = array<i32>} : memref<64x1024xf32, #tpu.memory_space<vmem>>, vector<1x16xf32>,
        %mul3A_450 = arith.constant 4 : i32
        %mul3A_451 = arith.muli %scan3A_20, %mul3A_450 : i32
        %add3A_452 = arith.constant 3 : i32
        %add3A_453 = arith.addi %mul3A_451, %add3A_452 : i32
        %swap3A_454 = arith.index_cast %add3A_453 : i32 to index
        %swap3A_455 = arith.constant 160 : index
        %swap3A_456 = tpu.vector_load %arg5[%swap3A_454, %swap3A_455] {strides = array<i32>} : memref<64x1024xf32, #tpu.memory_space<vmem>>, vector<1x16xf32>,
        %swap3A_457 = vector.shape_cast %swap3A_456 : vector<1x16xf32> to vector<16xf32>
        %swap3A_458 = vector.shape_cast %get3A_422 : vector<16xf32> to vector<1x16xf32>
        tpu.vector_store %arg5[%swap3A_454, %swap3A_455], %swap3A_458 {add = true, strides = array<i32>} : memref<64x1024xf32, #tpu.memory_space<vmem>>, vector<1x16xf32>,
        %get3A_459 = arith.index_cast %scan3A_20 : i32 to index
        %get3A_460 = arith.constant 176 : index
        %get3A_461 = tpu.vector_load %arg6[%get3A_459, %get3A_460] {strides = array<i32>} : memref<16x1024xf32, #tpu.memory_space<vmem>>, vector<1x16xf32>,
        %get3A_462 = vector.shape_cast %get3A_461 : vector<1x16xf32> to vector<16xf32>
        %mul3A_463 = arith.constant 4 : i32
        %mul3A_464 = arith.muli %scan3A_20, %mul3A_463 : i32
        %add3A_465 = arith.constant 0 : i32
        %add3A_466 = arith.addi %mul3A_464, %add3A_465 : i32
        %swap3A_467 = arith.index_cast %add3A_466 : i32 to index
        %swap3A_468 = arith.constant 176 : index
        %swap3A_469 = tpu.vector_load %arg5[%swap3A_467, %swap3A_468] {strides = array<i32>} : memref<64x1024xf32, #tpu.memory_space<vmem>>, vector<1x16xf32>,
        %swap3A_470 = vector.shape_cast %swap3A_469 : vector<1x16xf32> to vector<16xf32>
        %swap3A_471 = vector.shape_cast %get3A_462 : vector<16xf32> to vector<1x16xf32>
        tpu.vector_store %arg5[%swap3A_467, %swap3A_468], %swap3A_471 {add = true, strides = array<i32>} : memref<64x1024xf32, #tpu.memory_space<vmem>>, vector<1x16xf32>,
        %mul3A_472 = arith.constant 4 : i32
        %mul3A_473 = arith.muli %scan3A_20, %mul3A_472 : i32
        %add3A_474 = arith.constant 1 : i32
        %add3A_475 = arith.addi %mul3A_473, %add3A_474 : i32
        %swap3A_476 = arith.index_cast %add3A_475 : i32 to index
        %swap3A_477 = arith.constant 176 : index
        %swap3A_478 = tpu.vector_load %arg5[%swap3A_476, %swap3A_477] {strides = array<i32>} : memref<64x1024xf32, #tpu.memory_space<vmem>>, vector<1x16xf32>,
        %swap3A_479 = vector.shape_cast %swap3A_478 : vector<1x16xf32> to vector<16xf32>
        %swap3A_480 = vector.shape_cast %get3A_462 : vector<16xf32> to vector<1x16xf32>
        tpu.vector_store %arg5[%swap3A_476, %swap3A_477], %swap3A_480 {add = true, strides = array<i32>} : memref<64x1024xf32, #tpu.memory_space<vmem>>, vector<1x16xf32>,
        %mul3A_481 = arith.constant 4 : i32
        %mul3A_482 = arith.muli %scan3A_20, %mul3A_481 : i32
        %add3A_483 = arith.constant 2 : i32
        %add3A_484 = arith.addi %mul3A_482, %add3A_483 : i32
        %swap3A_485 = arith.index_cast %add3A_484 : i32 to index
        %swap3A_486 = arith.constant 176 : index
        %swap3A_487 = tpu.vector_load %arg5[%swap3A_485, %swap3A_486] {strides = array<i32>} : memref<64x1024xf32, #tpu.memory_space<vmem>>, vector<1x16xf32>,
        %swap3A_488 = vector.shape_cast %swap3A_487 : vector<1x16xf32> to vector<16xf32>
        %swap3A_489 = vector.shape_cast %get3A_462 : vector<16xf32> to vector<1x16xf32>
        tpu.vector_store %arg5[%swap3A_485, %swap3A_486], %swap3A_489 {add = true, strides = array<i32>} : memref<64x1024xf32, #tpu.memory_space<vmem>>, vector<1x16xf32>,
        %mul3A_490 = arith.constant 4 : i32
        %mul3A_491 = arith.muli %scan3A_20, %mul3A_490 : i32
        %add3A_492 = arith.constant 3 : i32
        %add3A_493 = arith.addi %mul3A_491, %add3A_492 : i32
        %swap3A_494 = arith.index_cast %add3A_493 : i32 to index
        %swap3A_495 = arith.constant 176 : index
        %swap3A_496 = tpu.vector_load %arg5[%swap3A_494, %swap3A_495] {strides = array<i32>} : memref<64x1024xf32, #tpu.memory_space<vmem>>, vector<1x16xf32>,
        %swap3A_497 = vector.shape_cast %swap3A_496 : vector<1x16xf32> to vector<16xf32>
        %swap3A_498 = vector.shape_cast %get3A_462 : vector<16xf32> to vector<1x16xf32>
        tpu.vector_store %arg5[%swap3A_494, %swap3A_495], %swap3A_498 {add = true, strides = array<i32>} : memref<64x1024xf32, #tpu.memory_space<vmem>>, vector<1x16xf32>,
        %get3A_499 = arith.index_cast %scan3A_20 : i32 to index
        %get3A_500 = arith.constant 192 : index
        %get3A_501 = tpu.vector_load %arg6[%get3A_499, %get3A_500] {strides = array<i32>} : memref<16x1024xf32, #tpu.memory_space<vmem>>, vector<1x16xf32>,
        %get3A_502 = vector.shape_cast %get3A_501 : vector<1x16xf32> to vector<16xf32>
        %mul3A_503 = arith.constant 4 : i32
        %mul3A_504 = arith.muli %scan3A_20, %mul3A_503 : i32
        %add3A_505 = arith.constant 0 : i32
        %add3A_506 = arith.addi %mul3A_504, %add3A_505 : i32
        %swap3A_507 = arith.index_cast %add3A_506 : i32 to index
        %swap3A_508 = arith.constant 192 : index
        %swap3A_509 = tpu.vector_load %arg5[%swap3A_507, %swap3A_508] {strides = array<i32>} : memref<64x1024xf32, #tpu.memory_space<vmem>>, vector<1x16xf32>,
        %swap3A_510 = vector.shape_cast %swap3A_509 : vector<1x16xf32> to vector<16xf32>
        %swap3A_511 = vector.shape_cast %get3A_502 : vector<16xf32> to vector<1x16xf32>
        tpu.vector_store %arg5[%swap3A_507, %swap3A_508], %swap3A_511 {add = true, strides = array<i32>} : memref<64x1024xf32, #tpu.memory_space<vmem>>, vector<1x16xf32>,
        %mul3A_512 = arith.constant 4 : i32
        %mul3A_513 = arith.muli %scan3A_20, %mul3A_512 : i32
        %add3A_514 = arith.constant 1 : i32
        %add3A_515 = arith.addi %mul3A_513, %add3A_514 : i32
        %swap3A_516 = arith.index_cast %add3A_515 : i32 to index
        %swap3A_517 = arith.constant 192 : index
        %swap3A_518 = tpu.vector_load %arg5[%swap3A_516, %swap3A_517] {strides = array<i32>} : memref<64x1024xf32, #tpu.memory_space<vmem>>, vector<1x16xf32>,
        %swap3A_519 = vector.shape_cast %swap3A_518 : vector<1x16xf32> to vector<16xf32>
        %swap3A_520 = vector.shape_cast %get3A_502 : vector<16xf32> to vector<1x16xf32>
        tpu.vector_store %arg5[%swap3A_516, %swap3A_517], %swap3A_520 {add = true, strides = array<i32>} : memref<64x1024xf32, #tpu.memory_space<vmem>>, vector<1x16xf32>,
        %mul3A_521 = arith.constant 4 : i32
        %mul3A_522 = arith.muli %scan3A_20, %mul3A_521 : i32
        %add3A_523 = arith.constant 2 : i32
        %add3A_524 = arith.addi %mul3A_522, %add3A_523 : i32
        %swap3A_525 = arith.index_cast %add3A_524 : i32 to index
        %swap3A_526 = arith.constant 192 : index
        %swap3A_527 = tpu.vector_load %arg5[%swap3A_525, %swap3A_526] {strides = array<i32>} : memref<64x1024xf32, #tpu.memory_space<vmem>>, vector<1x16xf32>,
        %swap3A_528 = vector.shape_cast %swap3A_527 : vector<1x16xf32> to vector<16xf32>
        %swap3A_529 = vector.shape_cast %get3A_502 : vector<16xf32> to vector<1x16xf32>
        tpu.vector_store %arg5[%swap3A_525, %swap3A_526], %swap3A_529 {add = true, strides = array<i32>} : memref<64x1024xf32, #tpu.memory_space<vmem>>, vector<1x16xf32>,
        %mul3A_530 = arith.constant 4 : i32
        %mul3A_531 = arith.muli %scan3A_20, %mul3A_530 : i32
        %add3A_532 = arith.constant 3 : i32
        %add3A_533 = arith.addi %mul3A_531, %add3A_532 : i32
        %swap3A_534 = arith.index_cast %add3A_533 : i32 to index
        %swap3A_535 = arith.constant 192 : index
        %swap3A_536 = tpu.vector_load %arg5[%swap3A_534, %swap3A_535] {strides = array<i32>} : memref<64x1024xf32, #tpu.memory_space<vmem>>, vector<1x16xf32>,
        %swap3A_537 = vector.shape_cast %swap3A_536 : vector<1x16xf32> to vector<16xf32>
        %swap3A_538 = vector.shape_cast %get3A_502 : vector<16xf32> to vector<1x16xf32>
        tpu.vector_store %arg5[%swap3A_534, %swap3A_535], %swap3A_538 {add = true, strides = array<i32>} : memref<64x1024xf32, #tpu.memory_space<vmem>>, vector<1x16xf32>,
        %get3A_539 = arith.index_cast %scan3A_20 : i32 to index
        %get3A_540 = arith.constant 208 : index
        %get3A_541 = tpu.vector_load %arg6[%get3A_539, %get3A_540] {strides = array<i32>} : memref<16x1024xf32, #tpu.memory_space<vmem>>, vector<1x16xf32>,
        %get3A_542 = vector.shape_cast %get3A_541 : vector<1x16xf32> to vector<16xf32>
        %mul3A_543 = arith.constant 4 : i32
        %mul3A_544 = arith.muli %scan3A_20, %mul3A_543 : i32
        %add3A_545 = arith.constant 0 : i32
        %add3A_546 = arith.addi %mul3A_544, %add3A_545 : i32
        %swap3A_547 = arith.index_cast %add3A_546 : i32 to index
        %swap3A_548 = arith.constant 208 : index
        %swap3A_549 = tpu.vector_load %arg5[%swap3A_547, %swap3A_548] {strides = array<i32>} : memref<64x1024xf32, #tpu.memory_space<vmem>>, vector<1x16xf32>,
        %swap3A_550 = vector.shape_cast %swap3A_549 : vector<1x16xf32> to vector<16xf32>
        %swap3A_551 = vector.shape_cast %get3A_542 : vector<16xf32> to vector<1x16xf32>
        tpu.vector_store %arg5[%swap3A_547, %swap3A_548], %swap3A_551 {add = true, strides = array<i32>} : memref<64x1024xf32, #tpu.memory_space<vmem>>, vector<1x16xf32>,
        %mul3A_552 = arith.constant 4 : i32
        %mul3A_553 = arith.muli %scan3A_20, %mul3A_552 : i32
        %add3A_554 = arith.constant 1 : i32
        %add3A_555 = arith.addi %mul3A_553, %add3A_554 : i32
        %swap3A_556 = arith.index_cast %add3A_555 : i32 to index
        %swap3A_557 = arith.constant 208 : index
        %swap3A_558 = tpu.vector_load %arg5[%swap3A_556, %swap3A_557] {strides = array<i32>} : memref<64x1024xf32, #tpu.memory_space<vmem>>, vector<1x16xf32>,
        %swap3A_559 = vector.shape_cast %swap3A_558 : vector<1x16xf32> to vector<16xf32>
        %swap3A_560 = vector.shape_cast %get3A_542 : vector<16xf32> to vector<1x16xf32>
        tpu.vector_store %arg5[%swap3A_556, %swap3A_557], %swap3A_560 {add = true, strides = array<i32>} : memref<64x1024xf32, #tpu.memory_space<vmem>>, vector<1x16xf32>,
        %mul3A_561 = arith.constant 4 : i32
        %mul3A_562 = arith.muli %scan3A_20, %mul3A_561 : i32
        %add3A_563 = arith.constant 2 : i32
        %add3A_564 = arith.addi %mul3A_562, %add3A_563 : i32
        %swap3A_565 = arith.index_cast %add3A_564 : i32 to index
        %swap3A_566 = arith.constant 208 : index
        %swap3A_567 = tpu.vector_load %arg5[%swap3A_565, %swap3A_566] {strides = array<i32>} : memref<64x1024xf32, #tpu.memory_space<vmem>>, vector<1x16xf32>,
        %swap3A_568 = vector.shape_cast %swap3A_567 : vector<1x16xf32> to vector<16xf32>
        %swap3A_569 = vector.shape_cast %get3A_542 : vector<16xf32> to vector<1x16xf32>
        tpu.vector_store %arg5[%swap3A_565, %swap3A_566], %swap3A_569 {add = true, strides = array<i32>} : memref<64x1024xf32, #tpu.memory_space<vmem>>, vector<1x16xf32>,
        %mul3A_570 = arith.constant 4 : i32
        %mul3A_571 = arith.muli %scan3A_20, %mul3A_570 : i32
        %add3A_572 = arith.constant 3 : i32
        %add3A_573 = arith.addi %mul3A_571, %add3A_572 : i32
        %swap3A_574 = arith.index_cast %add3A_573 : i32 to index
        %swap3A_575 = arith.constant 208 : index
        %swap3A_576 = tpu.vector_load %arg5[%swap3A_574, %swap3A_575] {strides = array<i32>} : memref<64x1024xf32, #tpu.memory_space<vmem>>, vector<1x16xf32>,
        %swap3A_577 = vector.shape_cast %swap3A_576 : vector<1x16xf32> to vector<16xf32>
        %swap3A_578 = vector.shape_cast %get3A_542 : vector<16xf32> to vector<1x16xf32>
        tpu.vector_store %arg5[%swap3A_574, %swap3A_575], %swap3A_578 {add = true, strides = array<i32>} : memref<64x1024xf32, #tpu.memory_space<vmem>>, vector<1x16xf32>,
        %get3A_579 = arith.index_cast %scan3A_20 : i32 to index
        %get3A_580 = arith.constant 224 : index
        %get3A_581 = tpu.vector_load %arg6[%get3A_579, %get3A_580] {strides = array<i32>} : memref<16x1024xf32, #tpu.memory_space<vmem>>, vector<1x16xf32>,
        %get3A_582 = vector.shape_cast %get3A_581 : vector<1x16xf32> to vector<16xf32>
        %mul3A_583 = arith.constant 4 : i32
        %mul3A_584 = arith.muli %scan3A_20, %mul3A_583 : i32
        %add3A_585 = arith.constant 0 : i32
        %add3A_586 = arith.addi %mul3A_584, %add3A_585 : i32
        %swap3A_587 = arith.index_cast %add3A_586 : i32 to index
        %swap3A_588 = arith.constant 224 : index
        %swap3A_589 = tpu.vector_load %arg5[%swap3A_587, %swap3A_588] {strides = array<i32>} : memref<64x1024xf32, #tpu.memory_space<vmem>>, vector<1x16xf32>,
        %swap3A_590 = vector.shape_cast %swap3A_589 : vector<1x16xf32> to vector<16xf32>
        %swap3A_591 = vector.shape_cast %get3A_582 : vector<16xf32> to vector<1x16xf32>
        tpu.vector_store %arg5[%swap3A_587, %swap3A_588], %swap3A_591 {add = true, strides = array<i32>} : memref<64x1024xf32, #tpu.memory_space<vmem>>, vector<1x16xf32>,
        %mul3A_592 = arith.constant 4 : i32
        %mul3A_593 = arith.muli %scan3A_20, %mul3A_592 : i32
        %add3A_594 = arith.constant 1 : i32
        %add3A_595 = arith.addi %mul3A_593, %add3A_594 : i32
        %swap3A_596 = arith.index_cast %add3A_595 : i32 to index
        %swap3A_597 = arith.constant 224 : index
        %swap3A_598 = tpu.vector_load %arg5[%swap3A_596, %swap3A_597] {strides = array<i32>} : memref<64x1024xf32, #tpu.memory_space<vmem>>, vector<1x16xf32>,
        %swap3A_599 = vector.shape_cast %swap3A_598 : vector<1x16xf32> to vector<16xf32>
        %swap3A_600 = vector.shape_cast %get3A_582 : vector<16xf32> to vector<1x16xf32>
        tpu.vector_store %arg5[%swap3A_596, %swap3A_597], %swap3A_600 {add = true, strides = array<i32>} : memref<64x1024xf32, #tpu.memory_space<vmem>>, vector<1x16xf32>,
        %mul3A_601 = arith.constant 4 : i32
        %mul3A_602 = arith.muli %scan3A_20, %mul3A_601 : i32
        %add3A_603 = arith.constant 2 : i32
        %add3A_604 = arith.addi %mul3A_602, %add3A_603 : i32
        %swap3A_605 = arith.index_cast %add3A_604 : i32 to index
        %swap3A_606 = arith.constant 224 : index
        %swap3A_607 = tpu.vector_load %arg5[%swap3A_605, %swap3A_606] {strides = array<i32>} : memref<64x1024xf32, #tpu.memory_space<vmem>>, vector<1x16xf32>,
        %swap3A_608 = vector.shape_cast %swap3A_607 : vector<1x16xf32> to vector<16xf32>
        %swap3A_609 = vector.shape_cast %get3A_582 : vector<16xf32> to vector<1x16xf32>
        tpu.vector_store %arg5[%swap3A_605, %swap3A_606], %swap3A_609 {add = true, strides = array<i32>} : memref<64x1024xf32, #tpu.memory_space<vmem>>, vector<1x16xf32>,
        %mul3A_610 = arith.constant 4 : i32
        %mul3A_611 = arith.muli %scan3A_20, %mul3A_610 : i32
        %add3A_612 = arith.constant 3 : i32
        %add3A_613 = arith.addi %mul3A_611, %add3A_612 : i32
        %swap3A_614 = arith.index_cast %add3A_613 : i32 to index
        %swap3A_615 = arith.constant 224 : index
        %swap3A_616 = tpu.vector_load %arg5[%swap3A_614, %swap3A_615] {strides = array<i32>} : memref<64x1024xf32, #tpu.memory_space<vmem>>, vector<1x16xf32>,
        %swap3A_617 = vector.shape_cast %swap3A_616 : vector<1x16xf32> to vector<16xf32>
        %swap3A_618 = vector.shape_cast %get3A_582 : vector<16xf32> to vector<1x16xf32>
        tpu.vector_store %arg5[%swap3A_614, %swap3A_615], %swap3A_618 {add = true, strides = array<i32>} : memref<64x1024xf32, #tpu.memory_space<vmem>>, vector<1x16xf32>,
        %get3A_619 = arith.index_cast %scan3A_20 : i32 to index
        %get3A_620 = arith.constant 240 : index
        %get3A_621 = tpu.vector_load %arg6[%get3A_619, %get3A_620] {strides = array<i32>} : memref<16x1024xf32, #tpu.memory_space<vmem>>, vector<1x16xf32>,
        %get3A_622 = vector.shape_cast %get3A_621 : vector<1x16xf32> to vector<16xf32>
        %mul3A_623 = arith.constant 4 : i32
        %mul3A_624 = arith.muli %scan3A_20, %mul3A_623 : i32
        %add3A_625 = arith.constant 0 : i32
        %add3A_626 = arith.addi %mul3A_624, %add3A_625 : i32
        %swap3A_627 = arith.index_cast %add3A_626 : i32 to index
        %swap3A_628 = arith.constant 240 : index
        %swap3A_629 = tpu.vector_load %arg5[%swap3A_627, %swap3A_628] {strides = array<i32>} : memref<64x1024xf32, #tpu.memory_space<vmem>>, vector<1x16xf32>,
        %swap3A_630 = vector.shape_cast %swap3A_629 : vector<1x16xf32> to vector<16xf32>
        %swap3A_631 = vector.shape_cast %get3A_622 : vector<16xf32> to vector<1x16xf32>
        tpu.vector_store %arg5[%swap3A_627, %swap3A_628], %swap3A_631 {add = true, strides = array<i32>} : memref<64x1024xf32, #tpu.memory_space<vmem>>, vector<1x16xf32>,
        %mul3A_632 = arith.constant 4 : i32
        %mul3A_633 = arith.muli %scan3A_20, %mul3A_632 : i32
        %add3A_634 = arith.constant 1 : i32
        %add3A_635 = arith.addi %mul3A_633, %add3A_634 : i32
        %swap3A_636 = arith.index_cast %add3A_635 : i32 to index
        %swap3A_637 = arith.constant 240 : index
        %swap3A_638 = tpu.vector_load %arg5[%swap3A_636, %swap3A_637] {strides = array<i32>} : memref<64x1024xf32, #tpu.memory_space<vmem>>, vector<1x16xf32>,
        %swap3A_639 = vector.shape_cast %swap3A_638 : vector<1x16xf32> to vector<16xf32>
        %swap3A_640 = vector.shape_cast %get3A_622 : vector<16xf32> to vector<1x16xf32>
        tpu.vector_store %arg5[%swap3A_636, %swap3A_637], %swap3A_640 {add = true, strides = array<i32>} : memref<64x1024xf32, #tpu.memory_space<vmem>>, vector<1x16xf32>,
        %mul3A_641 = arith.constant 4 : i32
        %mul3A_642 = arith.muli %scan3A_20, %mul3A_641 : i32
        %add3A_643 = arith.constant 2 : i32
        %add3A_644 = arith.addi %mul3A_642, %add3A_643 : i32
        %swap3A_645 = arith.index_cast %add3A_644 : i32 to index
        %swap3A_646 = arith.constant 240 : index
        %swap3A_647 = tpu.vector_load %arg5[%swap3A_645, %swap3A_646] {strides = array<i32>} : memref<64x1024xf32, #tpu.memory_space<vmem>>, vector<1x16xf32>,
        %swap3A_648 = vector.shape_cast %swap3A_647 : vector<1x16xf32> to vector<16xf32>
        %swap3A_649 = vector.shape_cast %get3A_622 : vector<16xf32> to vector<1x16xf32>
        tpu.vector_store %arg5[%swap3A_645, %swap3A_646], %swap3A_649 {add = true, strides = array<i32>} : memref<64x1024xf32, #tpu.memory_space<vmem>>, vector<1x16xf32>,
        %mul3A_650 = arith.constant 4 : i32
        %mul3A_651 = arith.muli %scan3A_20, %mul3A_650 : i32
        %add3A_652 = arith.constant 3 : i32
        %add3A_653 = arith.addi %mul3A_651, %add3A_652 : i32
        %swap3A_654 = arith.index_cast %add3A_653 : i32 to index
        %swap3A_655 = arith.constant 240 : index
        %swap3A_656 = tpu.vector_load %arg5[%swap3A_654, %swap3A_655] {strides = array<i32>} : memref<64x1024xf32, #tpu.memory_space<vmem>>, vector<1x16xf32>,
        %swap3A_657 = vector.shape_cast %swap3A_656 : vector<1x16xf32> to vector<16xf32>
        %swap3A_658 = vector.shape_cast %get3A_622 : vector<16xf32> to vector<1x16xf32>
        tpu.vector_store %arg5[%swap3A_654, %swap3A_655], %swap3A_658 {add = true, strides = array<i32>} : memref<64x1024xf32, #tpu.memory_space<vmem>>, vector<1x16xf32>,
        %get3A_659 = arith.index_cast %scan3A_20 : i32 to index
        %get3A_660 = arith.constant 256 : index
        %get3A_661 = tpu.vector_load %arg6[%get3A_659, %get3A_660] {strides = array<i32>} : memref<16x1024xf32, #tpu.memory_space<vmem>>, vector<1x16xf32>,
        %get3A_662 = vector.shape_cast %get3A_661 : vector<1x16xf32> to vector<16xf32>
        %mul3A_663 = arith.constant 4 : i32
        %mul3A_664 = arith.muli %scan3A_20, %mul3A_663 : i32
        %add3A_665 = arith.constant 0 : i32
        %add3A_666 = arith.addi %mul3A_664, %add3A_665 : i32
        %swap3A_667 = arith.index_cast %add3A_666 : i32 to index
        %swap3A_668 = arith.constant 256 : index
        %swap3A_669 = tpu.vector_load %arg5[%swap3A_667, %swap3A_668] {strides = array<i32>} : memref<64x1024xf32, #tpu.memory_space<vmem>>, vector<1x16xf32>,
        %swap3A_670 = vector.shape_cast %swap3A_669 : vector<1x16xf32> to vector<16xf32>
        %swap3A_671 = vector.shape_cast %get3A_662 : vector<16xf32> to vector<1x16xf32>
        tpu.vector_store %arg5[%swap3A_667, %swap3A_668], %swap3A_671 {add = true, strides = array<i32>} : memref<64x1024xf32, #tpu.memory_space<vmem>>, vector<1x16xf32>,
        %mul3A_672 = arith.constant 4 : i32
        %mul3A_673 = arith.muli %scan3A_20, %mul3A_672 : i32
        %add3A_674 = arith.constant 1 : i32
        %add3A_675 = arith.addi %mul3A_673, %add3A_674 : i32
        %swap3A_676 = arith.index_cast %add3A_675 : i32 to index
        %swap3A_677 = arith.constant 256 : index
        %swap3A_678 = tpu.vector_load %arg5[%swap3A_676, %swap3A_677] {strides = array<i32>} : memref<64x1024xf32, #tpu.memory_space<vmem>>, vector<1x16xf32>,
        %swap3A_679 = vector.shape_cast %swap3A_678 : vector<1x16xf32> to vector<16xf32>
        %swap3A_680 = vector.shape_cast %get3A_662 : vector<16xf32> to vector<1x16xf32>
        tpu.vector_store %arg5[%swap3A_676, %swap3A_677], %swap3A_680 {add = true, strides = array<i32>} : memref<64x1024xf32, #tpu.memory_space<vmem>>, vector<1x16xf32>,
        %mul3A_681 = arith.constant 4 : i32
        %mul3A_682 = arith.muli %scan3A_20, %mul3A_681 : i32
        %add3A_683 = arith.constant 2 : i32
        %add3A_684 = arith.addi %mul3A_682, %add3A_683 : i32
        %swap3A_685 = arith.index_cast %add3A_684 : i32 to index
        %swap3A_686 = arith.constant 256 : index
        %swap3A_687 = tpu.vector_load %arg5[%swap3A_685, %swap3A_686] {strides = array<i32>} : memref<64x1024xf32, #tpu.memory_space<vmem>>, vector<1x16xf32>,
        %swap3A_688 = vector.shape_cast %swap3A_687 : vector<1x16xf32> to vector<16xf32>
        %swap3A_689 = vector.shape_cast %get3A_662 : vector<16xf32> to vector<1x16xf32>
        tpu.vector_store %arg5[%swap3A_685, %swap3A_686], %swap3A_689 {add = true, strides = array<i32>} : memref<64x1024xf32, #tpu.memory_space<vmem>>, vector<1x16xf32>,
        %mul3A_690 = arith.constant 4 : i32
        %mul3A_691 = arith.muli %scan3A_20, %mul3A_690 : i32
        %add3A_692 = arith.constant 3 : i32
        %add3A_693 = arith.addi %mul3A_691, %add3A_692 : i32
        %swap3A_694 = arith.index_cast %add3A_693 : i32 to index
        %swap3A_695 = arith.constant 256 : index
        %swap3A_696 = tpu.vector_load %arg5[%swap3A_694, %swap3A_695] {strides = array<i32>} : memref<64x1024xf32, #tpu.memory_space<vmem>>, vector<1x16xf32>,
        %swap3A_697 = vector.shape_cast %swap3A_696 : vector<1x16xf32> to vector<16xf32>
        %swap3A_698 = vector.shape_cast %get3A_662 : vector<16xf32> to vector<1x16xf32>
        tpu.vector_store %arg5[%swap3A_694, %swap3A_695], %swap3A_698 {add = true, strides = array<i32>} : memref<64x1024xf32, #tpu.memory_space<vmem>>, vector<1x16xf32>,
        %get3A_699 = arith.index_cast %scan3A_20 : i32 to index
        %get3A_700 = arith.constant 272 : index
        %get3A_701 = tpu.vector_load %arg6[%get3A_699, %get3A_700] {strides = array<i32>} : memref<16x1024xf32, #tpu.memory_space<vmem>>, vector<1x16xf32>,
        %get3A_702 = vector.shape_cast %get3A_701 : vector<1x16xf32> to vector<16xf32>
        %mul3A_703 = arith.constant 4 : i32
        %mul3A_704 = arith.muli %scan3A_20, %mul3A_703 : i32
        %add3A_705 = arith.constant 0 : i32
        %add3A_706 = arith.addi %mul3A_704, %add3A_705 : i32
        %swap3A_707 = arith.index_cast %add3A_706 : i32 to index
        %swap3A_708 = arith.constant 272 : index
        %swap3A_709 = tpu.vector_load %arg5[%swap3A_707, %swap3A_708] {strides = array<i32>} : memref<64x1024xf32, #tpu.memory_space<vmem>>, vector<1x16xf32>,
        %swap3A_710 = vector.shape_cast %swap3A_709 : vector<1x16xf32> to vector<16xf32>
        %swap3A_711 = vector.shape_cast %get3A_702 : vector<16xf32> to vector<1x16xf32>
        tpu.vector_store %arg5[%swap3A_707, %swap3A_708], %swap3A_711 {add = true, strides = array<i32>} : memref<64x1024xf32, #tpu.memory_space<vmem>>, vector<1x16xf32>,
        %mul3A_712 = arith.constant 4 : i32
        %mul3A_713 = arith.muli %scan3A_20, %mul3A_712 : i32
        %add3A_714 = arith.constant 1 : i32
        %add3A_715 = arith.addi %mul3A_713, %add3A_714 : i32
        %swap3A_716 = arith.index_cast %add3A_715 : i32 to index
        %swap3A_717 = arith.constant 272 : index
        %swap3A_718 = tpu.vector_load %arg5[%swap3A_716, %swap3A_717] {strides = array<i32>} : memref<64x1024xf32, #tpu.memory_space<vmem>>, vector<1x16xf32>,
        %swap3A_719 = vector.shape_cast %swap3A_718 : vector<1x16xf32> to vector<16xf32>
        %swap3A_720 = vector.shape_cast %get3A_702 : vector<16xf32> to vector<1x16xf32>
        tpu.vector_store %arg5[%swap3A_716, %swap3A_717], %swap3A_720 {add = true, strides = array<i32>} : memref<64x1024xf32, #tpu.memory_space<vmem>>, vector<1x16xf32>,
        %mul3A_721 = arith.constant 4 : i32
        %mul3A_722 = arith.muli %scan3A_20, %mul3A_721 : i32
        %add3A_723 = arith.constant 2 : i32
        %add3A_724 = arith.addi %mul3A_722, %add3A_723 : i32
        %swap3A_725 = arith.index_cast %add3A_724 : i32 to index
        %swap3A_726 = arith.constant 272 : index
        %swap3A_727 = tpu.vector_load %arg5[%swap3A_725, %swap3A_726] {strides = array<i32>} : memref<64x1024xf32, #tpu.memory_space<vmem>>, vector<1x16xf32>,
        %swap3A_728 = vector.shape_cast %swap3A_727 : vector<1x16xf32> to vector<16xf32>
        %swap3A_729 = vector.shape_cast %get3A_702 : vector<16xf32> to vector<1x16xf32>
        tpu.vector_store %arg5[%swap3A_725, %swap3A_726], %swap3A_729 {add = true, strides = array<i32>} : memref<64x1024xf32, #tpu.memory_space<vmem>>, vector<1x16xf32>,
        %mul3A_730 = arith.constant 4 : i32
        %mul3A_731 = arith.muli %scan3A_20, %mul3A_730 : i32
        %add3A_732 = arith.constant 3 : i32
        %add3A_733 = arith.addi %mul3A_731, %add3A_732 : i32
        %swap3A_734 = arith.index_cast %add3A_733 : i32 to index
        %swap3A_735 = arith.constant 272 : index
        %swap3A_736 = tpu.vector_load %arg5[%swap3A_734, %swap3A_735] {strides = array<i32>} : memref<64x1024xf32, #tpu.memory_space<vmem>>, vector<1x16xf32>,
        %swap3A_737 = vector.shape_cast %swap3A_736 : vector<1x16xf32> to vector<16xf32>
        %swap3A_738 = vector.shape_cast %get3A_702 : vector<16xf32> to vector<1x16xf32>
        tpu.vector_store %arg5[%swap3A_734, %swap3A_735], %swap3A_738 {add = true, strides = array<i32>} : memref<64x1024xf32, #tpu.memory_space<vmem>>, vector<1x16xf32>,
        %get3A_739 = arith.index_cast %scan3A_20 : i32 to index
        %get3A_740 = arith.constant 288 : index
        %get3A_741 = tpu.vector_load %arg6[%get3A_739, %get3A_740] {strides = array<i32>} : memref<16x1024xf32, #tpu.memory_space<vmem>>, vector<1x16xf32>,
        %get3A_742 = vector.shape_cast %get3A_741 : vector<1x16xf32> to vector<16xf32>
        %mul3A_743 = arith.constant 4 : i32
        %mul3A_744 = arith.muli %scan3A_20, %mul3A_743 : i32
        %add3A_745 = arith.constant 0 : i32
        %add3A_746 = arith.addi %mul3A_744, %add3A_745 : i32
        %swap3A_747 = arith.index_cast %add3A_746 : i32 to index
        %swap3A_748 = arith.constant 288 : index
        %swap3A_749 = tpu.vector_load %arg5[%swap3A_747, %swap3A_748] {strides = array<i32>} : memref<64x1024xf32, #tpu.memory_space<vmem>>, vector<1x16xf32>,
        %swap3A_750 = vector.shape_cast %swap3A_749 : vector<1x16xf32> to vector<16xf32>
        %swap3A_751 = vector.shape_cast %get3A_742 : vector<16xf32> to vector<1x16xf32>
        tpu.vector_store %arg5[%swap3A_747, %swap3A_748], %swap3A_751 {add = true, strides = array<i32>} : memref<64x1024xf32, #tpu.memory_space<vmem>>, vector<1x16xf32>,
        %mul3A_752 = arith.constant 4 : i32
        %mul3A_753 = arith.muli %scan3A_20, %mul3A_752 : i32
        %add3A_754 = arith.constant 1 : i32
        %add3A_755 = arith.addi %mul3A_753, %add3A_754 : i32
        %swap3A_756 = arith.index_cast %add3A_755 : i32 to index
        %swap3A_757 = arith.constant 288 : index
        %swap3A_758 = tpu.vector_load %arg5[%swap3A_756, %swap3A_757] {strides = array<i32>} : memref<64x1024xf32, #tpu.memory_space<vmem>>, vector<1x16xf32>,
        %swap3A_759 = vector.shape_cast %swap3A_758 : vector<1x16xf32> to vector<16xf32>
        %swap3A_760 = vector.shape_cast %get3A_742 : vector<16xf32> to vector<1x16xf32>
        tpu.vector_store %arg5[%swap3A_756, %swap3A_757], %swap3A_760 {add = true, strides = array<i32>} : memref<64x1024xf32, #tpu.memory_space<vmem>>, vector<1x16xf32>,
        %mul3A_761 = arith.constant 4 : i32
        %mul3A_762 = arith.muli %scan3A_20, %mul3A_761 : i32
        %add3A_763 = arith.constant 2 : i32
        %add3A_764 = arith.addi %mul3A_762, %add3A_763 : i32
        %swap3A_765 = arith.index_cast %add3A_764 : i32 to index
        %swap3A_766 = arith.constant 288 : index
        %swap3A_767 = tpu.vector_load %arg5[%swap3A_765, %swap3A_766] {strides = array<i32>} : memref<64x1024xf32, #tpu.memory_space<vmem>>, vector<1x16xf32>,
        %swap3A_768 = vector.shape_cast %swap3A_767 : vector<1x16xf32> to vector<16xf32>
        %swap3A_769 = vector.shape_cast %get3A_742 : vector<16xf32> to vector<1x16xf32>
        tpu.vector_store %arg5[%swap3A_765, %swap3A_766], %swap3A_769 {add = true, strides = array<i32>} : memref<64x1024xf32, #tpu.memory_space<vmem>>, vector<1x16xf32>,
        %mul3A_770 = arith.constant 4 : i32
        %mul3A_771 = arith.muli %scan3A_20, %mul3A_770 : i32
        %add3A_772 = arith.constant 3 : i32
        %add3A_773 = arith.addi %mul3A_771, %add3A_772 : i32
        %swap3A_774 = arith.index_cast %add3A_773 : i32 to index
        %swap3A_775 = arith.constant 288 : index
        %swap3A_776 = tpu.vector_load %arg5[%swap3A_774, %swap3A_775] {strides = array<i32>} : memref<64x1024xf32, #tpu.memory_space<vmem>>, vector<1x16xf32>,
        %swap3A_777 = vector.shape_cast %swap3A_776 : vector<1x16xf32> to vector<16xf32>
        %swap3A_778 = vector.shape_cast %get3A_742 : vector<16xf32> to vector<1x16xf32>
        tpu.vector_store %arg5[%swap3A_774, %swap3A_775], %swap3A_778 {add = true, strides = array<i32>} : memref<64x1024xf32, #tpu.memory_space<vmem>>, vector<1x16xf32>,
        %get3A_779 = arith.index_cast %scan3A_20 : i32 to index
        %get3A_780 = arith.constant 304 : index
        %get3A_781 = tpu.vector_load %arg6[%get3A_779, %get3A_780] {strides = array<i32>} : memref<16x1024xf32, #tpu.memory_space<vmem>>, vector<1x16xf32>,
        %get3A_782 = vector.shape_cast %get3A_781 : vector<1x16xf32> to vector<16xf32>
        %mul3A_783 = arith.constant 4 : i32
        %mul3A_784 = arith.muli %scan3A_20, %mul3A_783 : i32
        %add3A_785 = arith.constant 0 : i32
        %add3A_786 = arith.addi %mul3A_784, %add3A_785 : i32
        %swap3A_787 = arith.index_cast %add3A_786 : i32 to index
        %swap3A_788 = arith.constant 304 : index
        %swap3A_789 = tpu.vector_load %arg5[%swap3A_787, %swap3A_788] {strides = array<i32>} : memref<64x1024xf32, #tpu.memory_space<vmem>>, vector<1x16xf32>,
        %swap3A_790 = vector.shape_cast %swap3A_789 : vector<1x16xf32> to vector<16xf32>
        %swap3A_791 = vector.shape_cast %get3A_782 : vector<16xf32> to vector<1x16xf32>
        tpu.vector_store %arg5[%swap3A_787, %swap3A_788], %swap3A_791 {add = true, strides = array<i32>} : memref<64x1024xf32, #tpu.memory_space<vmem>>, vector<1x16xf32>,
        %mul3A_792 = arith.constant 4 : i32
        %mul3A_793 = arith.muli %scan3A_20, %mul3A_792 : i32
        %add3A_794 = arith.constant 1 : i32
        %add3A_795 = arith.addi %mul3A_793, %add3A_794 : i32
        %swap3A_796 = arith.index_cast %add3A_795 : i32 to index
        %swap3A_797 = arith.constant 304 : index
        %swap3A_798 = tpu.vector_load %arg5[%swap3A_796, %swap3A_797] {strides = array<i32>} : memref<64x1024xf32, #tpu.memory_space<vmem>>, vector<1x16xf32>,
        %swap3A_799 = vector.shape_cast %swap3A_798 : vector<1x16xf32> to vector<16xf32>
        %swap3A_800 = vector.shape_cast %get3A_782 : vector<16xf32> to vector<1x16xf32>
        tpu.vector_store %arg5[%swap3A_796, %swap3A_797], %swap3A_800 {add = true, strides = array<i32>} : memref<64x1024xf32, #tpu.memory_space<vmem>>, vector<1x16xf32>,
        %mul3A_801 = arith.constant 4 : i32
        %mul3A_802 = arith.muli %scan3A_20, %mul3A_801 : i32
        %add3A_803 = arith.constant 2 : i32
        %add3A_804 = arith.addi %mul3A_802, %add3A_803 : i32
        %swap3A_805 = arith.index_cast %add3A_804 : i32 to index
        %swap3A_806 = arith.constant 304 : index
        %swap3A_807 = tpu.vector_load %arg5[%swap3A_805, %swap3A_806] {strides = array<i32>} : memref<64x1024xf32, #tpu.memory_space<vmem>>, vector<1x16xf32>,
        %swap3A_808 = vector.shape_cast %swap3A_807 : vector<1x16xf32> to vector<16xf32>
        %swap3A_809 = vector.shape_cast %get3A_782 : vector<16xf32> to vector<1x16xf32>
        tpu.vector_store %arg5[%swap3A_805, %swap3A_806], %swap3A_809 {add = true, strides = array<i32>} : memref<64x1024xf32, #tpu.memory_space<vmem>>, vector<1x16xf32>,
        %mul3A_810 = arith.constant 4 : i32
        %mul3A_811 = arith.muli %scan3A_20, %mul3A_810 : i32
        %add3A_812 = arith.constant 3 : i32
        %add3A_813 = arith.addi %mul3A_811, %add3A_812 : i32
        %swap3A_814 = arith.index_cast %add3A_813 : i32 to index
        %swap3A_815 = arith.constant 304 : index
        %swap3A_816 = tpu.vector_load %arg5[%swap3A_814, %swap3A_815] {strides = array<i32>} : memref<64x1024xf32, #tpu.memory_space<vmem>>, vector<1x16xf32>,
        %swap3A_817 = vector.shape_cast %swap3A_816 : vector<1x16xf32> to vector<16xf32>
        %swap3A_818 = vector.shape_cast %get3A_782 : vector<16xf32> to vector<1x16xf32>
        tpu.vector_store %arg5[%swap3A_814, %swap3A_815], %swap3A_818 {add = true, strides = array<i32>} : memref<64x1024xf32, #tpu.memory_space<vmem>>, vector<1x16xf32>,
        %get3A_819 = arith.index_cast %scan3A_20 : i32 to index
        %get3A_820 = arith.constant 320 : index
        %get3A_821 = tpu.vector_load %arg6[%get3A_819, %get3A_820] {strides = array<i32>} : memref<16x1024xf32, #tpu.memory_space<vmem>>, vector<1x16xf32>,
        %get3A_822 = vector.shape_cast %get3A_821 : vector<1x16xf32> to vector<16xf32>
        %mul3A_823 = arith.constant 4 : i32
        %mul3A_824 = arith.muli %scan3A_20, %mul3A_823 : i32
        %add3A_825 = arith.constant 0 : i32
        %add3A_826 = arith.addi %mul3A_824, %add3A_825 : i32
        %swap3A_827 = arith.index_cast %add3A_826 : i32 to index
        %swap3A_828 = arith.constant 320 : index
        %swap3A_829 = tpu.vector_load %arg5[%swap3A_827, %swap3A_828] {strides = array<i32>} : memref<64x1024xf32, #tpu.memory_space<vmem>>, vector<1x16xf32>,
        %swap3A_830 = vector.shape_cast %swap3A_829 : vector<1x16xf32> to vector<16xf32>
        %swap3A_831 = vector.shape_cast %get3A_822 : vector<16xf32> to vector<1x16xf32>
        tpu.vector_store %arg5[%swap3A_827, %swap3A_828], %swap3A_831 {add = true, strides = array<i32>} : memref<64x1024xf32, #tpu.memory_space<vmem>>, vector<1x16xf32>,
        %mul3A_832 = arith.constant 4 : i32
        %mul3A_833 = arith.muli %scan3A_20, %mul3A_832 : i32
        %add3A_834 = arith.constant 1 : i32
        %add3A_835 = arith.addi %mul3A_833, %add3A_834 : i32
        %swap3A_836 = arith.index_cast %add3A_835 : i32 to index
        %swap3A_837 = arith.constant 320 : index
        %swap3A_838 = tpu.vector_load %arg5[%swap3A_836, %swap3A_837] {strides = array<i32>} : memref<64x1024xf32, #tpu.memory_space<vmem>>, vector<1x16xf32>,
        %swap3A_839 = vector.shape_cast %swap3A_838 : vector<1x16xf32> to vector<16xf32>
        %swap3A_840 = vector.shape_cast %get3A_822 : vector<16xf32> to vector<1x16xf32>
        tpu.vector_store %arg5[%swap3A_836, %swap3A_837], %swap3A_840 {add = true, strides = array<i32>} : memref<64x1024xf32, #tpu.memory_space<vmem>>, vector<1x16xf32>,
        %mul3A_841 = arith.constant 4 : i32
        %mul3A_842 = arith.muli %scan3A_20, %mul3A_841 : i32
        %add3A_843 = arith.constant 2 : i32
        %add3A_844 = arith.addi %mul3A_842, %add3A_843 : i32
        %swap3A_845 = arith.index_cast %add3A_844 : i32 to index
        %swap3A_846 = arith.constant 320 : index
        %swap3A_847 = tpu.vector_load %arg5[%swap3A_845, %swap3A_846] {strides = array<i32>} : memref<64x1024xf32, #tpu.memory_space<vmem>>, vector<1x16xf32>,
        %swap3A_848 = vector.shape_cast %swap3A_847 : vector<1x16xf32> to vector<16xf32>
        %swap3A_849 = vector.shape_cast %get3A_822 : vector<16xf32> to vector<1x16xf32>
        tpu.vector_store %arg5[%swap3A_845, %swap3A_846], %swap3A_849 {add = true, strides = array<i32>} : memref<64x1024xf32, #tpu.memory_space<vmem>>, vector<1x16xf32>,
        %mul3A_850 = arith.constant 4 : i32
        %mul3A_851 = arith.muli %scan3A_20, %mul3A_850 : i32
        %add3A_852 = arith.constant 3 : i32
        %add3A_853 = arith.addi %mul3A_851, %add3A_852 : i32
        %swap3A_854 = arith.index_cast %add3A_853 : i32 to index
        %swap3A_855 = arith.constant 320 : index
        %swap3A_856 = tpu.vector_load %arg5[%swap3A_854, %swap3A_855] {strides = array<i32>} : memref<64x1024xf32, #tpu.memory_space<vmem>>, vector<1x16xf32>,
        %swap3A_857 = vector.shape_cast %swap3A_856 : vector<1x16xf32> to vector<16xf32>
        %swap3A_858 = vector.shape_cast %get3A_822 : vector<16xf32> to vector<1x16xf32>
        tpu.vector_store %arg5[%swap3A_854, %swap3A_855], %swap3A_858 {add = true, strides = array<i32>} : memref<64x1024xf32, #tpu.memory_space<vmem>>, vector<1x16xf32>,
        %get3A_859 = arith.index_cast %scan3A_20 : i32 to index
        %get3A_860 = arith.constant 336 : index
        %get3A_861 = tpu.vector_load %arg6[%get3A_859, %get3A_860] {strides = array<i32>} : memref<16x1024xf32, #tpu.memory_space<vmem>>, vector<1x16xf32>,
        %get3A_862 = vector.shape_cast %get3A_861 : vector<1x16xf32> to vector<16xf32>
        %mul3A_863 = arith.constant 4 : i32
        %mul3A_864 = arith.muli %scan3A_20, %mul3A_863 : i32
        %add3A_865 = arith.constant 0 : i32
        %add3A_866 = arith.addi %mul3A_864, %add3A_865 : i32
        %swap3A_867 = arith.index_cast %add3A_866 : i32 to index
        %swap3A_868 = arith.constant 336 : index
        %swap3A_869 = tpu.vector_load %arg5[%swap3A_867, %swap3A_868] {strides = array<i32>} : memref<64x1024xf32, #tpu.memory_space<vmem>>, vector<1x16xf32>,
        %swap3A_870 = vector.shape_cast %swap3A_869 : vector<1x16xf32> to vector<16xf32>
        %swap3A_871 = vector.shape_cast %get3A_862 : vector<16xf32> to vector<1x16xf32>
        tpu.vector_store %arg5[%swap3A_867, %swap3A_868], %swap3A_871 {add = true, strides = array<i32>} : memref<64x1024xf32, #tpu.memory_space<vmem>>, vector<1x16xf32>,
        %mul3A_872 = arith.constant 4 : i32
        %mul3A_873 = arith.muli %scan3A_20, %mul3A_872 : i32
        %add3A_874 = arith.constant 1 : i32
        %add3A_875 = arith.addi %mul3A_873, %add3A_874 : i32
        %swap3A_876 = arith.index_cast %add3A_875 : i32 to index
        %swap3A_877 = arith.constant 336 : index
        %swap3A_878 = tpu.vector_load %arg5[%swap3A_876, %swap3A_877] {strides = array<i32>} : memref<64x1024xf32, #tpu.memory_space<vmem>>, vector<1x16xf32>,
        %swap3A_879 = vector.shape_cast %swap3A_878 : vector<1x16xf32> to vector<16xf32>
        %swap3A_880 = vector.shape_cast %get3A_862 : vector<16xf32> to vector<1x16xf32>
        tpu.vector_store %arg5[%swap3A_876, %swap3A_877], %swap3A_880 {add = true, strides = array<i32>} : memref<64x1024xf32, #tpu.memory_space<vmem>>, vector<1x16xf32>,
        %mul3A_881 = arith.constant 4 : i32
        %mul3A_882 = arith.muli %scan3A_20, %mul3A_881 : i32
        %add3A_883 = arith.constant 2 : i32
        %add3A_884 = arith.addi %mul3A_882, %add3A_883 : i32
        %swap3A_885 = arith.index_cast %add3A_884 : i32 to index
        %swap3A_886 = arith.constant 336 : index
        %swap3A_887 = tpu.vector_load %arg5[%swap3A_885, %swap3A_886] {strides = array<i32>} : memref<64x1024xf32, #tpu.memory_space<vmem>>, vector<1x16xf32>,
        %swap3A_888 = vector.shape_cast %swap3A_887 : vector<1x16xf32> to vector<16xf32>
        %swap3A_889 = vector.shape_cast %get3A_862 : vector<16xf32> to vector<1x16xf32>
        tpu.vector_store %arg5[%swap3A_885, %swap3A_886], %swap3A_889 {add = true, strides = array<i32>} : memref<64x1024xf32, #tpu.memory_space<vmem>>, vector<1x16xf32>,
        %mul3A_890 = arith.constant 4 : i32
        %mul3A_891 = arith.muli %scan3A_20, %mul3A_890 : i32
        %add3A_892 = arith.constant 3 : i32
        %add3A_893 = arith.addi %mul3A_891, %add3A_892 : i32
        %swap3A_894 = arith.index_cast %add3A_893 : i32 to index
        %swap3A_895 = arith.constant 336 : index
        %swap3A_896 = tpu.vector_load %arg5[%swap3A_894, %swap3A_895] {strides = array<i32>} : memref<64x1024xf32, #tpu.memory_space<vmem>>, vector<1x16xf32>,
        %swap3A_897 = vector.shape_cast %swap3A_896 : vector<1x16xf32> to vector<16xf32>
        %swap3A_898 = vector.shape_cast %get3A_862 : vector<16xf32> to vector<1x16xf32>
        tpu.vector_store %arg5[%swap3A_894, %swap3A_895], %swap3A_898 {add = true, strides = array<i32>} : memref<64x1024xf32, #tpu.memory_space<vmem>>, vector<1x16xf32>,
        %get3A_899 = arith.index_cast %scan3A_20 : i32 to index
        %get3A_900 = arith.constant 352 : index
        %get3A_901 = tpu.vector_load %arg6[%get3A_899, %get3A_900] {strides = array<i32>} : memref<16x1024xf32, #tpu.memory_space<vmem>>, vector<1x16xf32>,
        %get3A_902 = vector.shape_cast %get3A_901 : vector<1x16xf32> to vector<16xf32>
        %mul3A_903 = arith.constant 4 : i32
        %mul3A_904 = arith.muli %scan3A_20, %mul3A_903 : i32
        %add3A_905 = arith.constant 0 : i32
        %add3A_906 = arith.addi %mul3A_904, %add3A_905 : i32
        %swap3A_907 = arith.index_cast %add3A_906 : i32 to index
        %swap3A_908 = arith.constant 352 : index
        %swap3A_909 = tpu.vector_load %arg5[%swap3A_907, %swap3A_908] {strides = array<i32>} : memref<64x1024xf32, #tpu.memory_space<vmem>>, vector<1x16xf32>,
        %swap3A_910 = vector.shape_cast %swap3A_909 : vector<1x16xf32> to vector<16xf32>
        %swap3A_911 = vector.shape_cast %get3A_902 : vector<16xf32> to vector<1x16xf32>
        tpu.vector_store %arg5[%swap3A_907, %swap3A_908], %swap3A_911 {add = true, strides = array<i32>} : memref<64x1024xf32, #tpu.memory_space<vmem>>, vector<1x16xf32>,
        %mul3A_912 = arith.constant 4 : i32
        %mul3A_913 = arith.muli %scan3A_20, %mul3A_912 : i32
        %add3A_914 = arith.constant 1 : i32
        %add3A_915 = arith.addi %mul3A_913, %add3A_914 : i32
        %swap3A_916 = arith.index_cast %add3A_915 : i32 to index
        %swap3A_917 = arith.constant 352 : index
        %swap3A_918 = tpu.vector_load %arg5[%swap3A_916, %swap3A_917] {strides = array<i32>} : memref<64x1024xf32, #tpu.memory_space<vmem>>, vector<1x16xf32>,
        %swap3A_919 = vector.shape_cast %swap3A_918 : vector<1x16xf32> to vector<16xf32>
        %swap3A_920 = vector.shape_cast %get3A_902 : vector<16xf32> to vector<1x16xf32>
        tpu.vector_store %arg5[%swap3A_916, %swap3A_917], %swap3A_920 {add = true, strides = array<i32>} : memref<64x1024xf32, #tpu.memory_space<vmem>>, vector<1x16xf32>,
        %mul3A_921 = arith.constant 4 : i32
        %mul3A_922 = arith.muli %scan3A_20, %mul3A_921 : i32
        %add3A_923 = arith.constant 2 : i32
        %add3A_924 = arith.addi %mul3A_922, %add3A_923 : i32
        %swap3A_925 = arith.index_cast %add3A_924 : i32 to index
        %swap3A_926 = arith.constant 352 : index
        %swap3A_927 = tpu.vector_load %arg5[%swap3A_925, %swap3A_926] {strides = array<i32>} : memref<64x1024xf32, #tpu.memory_space<vmem>>, vector<1x16xf32>,
        %swap3A_928 = vector.shape_cast %swap3A_927 : vector<1x16xf32> to vector<16xf32>
        %swap3A_929 = vector.shape_cast %get3A_902 : vector<16xf32> to vector<1x16xf32>
        tpu.vector_store %arg5[%swap3A_925, %swap3A_926], %swap3A_929 {add = true, strides = array<i32>} : memref<64x1024xf32, #tpu.memory_space<vmem>>, vector<1x16xf32>,
        %mul3A_930 = arith.constant 4 : i32
        %mul3A_931 = arith.muli %scan3A_20, %mul3A_930 : i32
        %add3A_932 = arith.constant 3 : i32
        %add3A_933 = arith.addi %mul3A_931, %add3A_932 : i32
        %swap3A_934 = arith.index_cast %add3A_933 : i32 to index
        %swap3A_935 = arith.constant 352 : index
        %swap3A_936 = tpu.vector_load %arg5[%swap3A_934, %swap3A_935] {strides = array<i32>} : memref<64x1024xf32, #tpu.memory_space<vmem>>, vector<1x16xf32>,
        %swap3A_937 = vector.shape_cast %swap3A_936 : vector<1x16xf32> to vector<16xf32>
        %swap3A_938 = vector.shape_cast %get3A_902 : vector<16xf32> to vector<1x16xf32>
        tpu.vector_store %arg5[%swap3A_934, %swap3A_935], %swap3A_938 {add = true, strides = array<i32>} : memref<64x1024xf32, #tpu.memory_space<vmem>>, vector<1x16xf32>,
        %get3A_939 = arith.index_cast %scan3A_20 : i32 to index
        %get3A_940 = arith.constant 368 : index
        %get3A_941 = tpu.vector_load %arg6[%get3A_939, %get3A_940] {strides = array<i32>} : memref<16x1024xf32, #tpu.memory_space<vmem>>, vector<1x16xf32>,
        %get3A_942 = vector.shape_cast %get3A_941 : vector<1x16xf32> to vector<16xf32>
        %mul3A_943 = arith.constant 4 : i32
        %mul3A_944 = arith.muli %scan3A_20, %mul3A_943 : i32
        %add3A_945 = arith.constant 0 : i32
        %add3A_946 = arith.addi %mul3A_944, %add3A_945 : i32
        %swap3A_947 = arith.index_cast %add3A_946 : i32 to index
        %swap3A_948 = arith.constant 368 : index
        %swap3A_949 = tpu.vector_load %arg5[%swap3A_947, %swap3A_948] {strides = array<i32>} : memref<64x1024xf32, #tpu.memory_space<vmem>>, vector<1x16xf32>,
        %swap3A_950 = vector.shape_cast %swap3A_949 : vector<1x16xf32> to vector<16xf32>
        %swap3A_951 = vector.shape_cast %get3A_942 : vector<16xf32> to vector<1x16xf32>
        tpu.vector_store %arg5[%swap3A_947, %swap3A_948], %swap3A_951 {add = true, strides = array<i32>} : memref<64x1024xf32, #tpu.memory_space<vmem>>, vector<1x16xf32>,
        %mul3A_952 = arith.constant 4 : i32
        %mul3A_953 = arith.muli %scan3A_20, %mul3A_952 : i32
        %add3A_954 = arith.constant 1 : i32
        %add3A_955 = arith.addi %mul3A_953, %add3A_954 : i32
        %swap3A_956 = arith.index_cast %add3A_955 : i32 to index
        %swap3A_957 = arith.constant 368 : index
        %swap3A_958 = tpu.vector_load %arg5[%swap3A_956, %swap3A_957] {strides = array<i32>} : memref<64x1024xf32, #tpu.memory_space<vmem>>, vector<1x16xf32>,
        %swap3A_959 = vector.shape_cast %swap3A_958 : vector<1x16xf32> to vector<16xf32>
        %swap3A_960 = vector.shape_cast %get3A_942 : vector<16xf32> to vector<1x16xf32>
        tpu.vector_store %arg5[%swap3A_956, %swap3A_957], %swap3A_960 {add = true, strides = array<i32>} : memref<64x1024xf32, #tpu.memory_space<vmem>>, vector<1x16xf32>,
        %mul3A_961 = arith.constant 4 : i32
        %mul3A_962 = arith.muli %scan3A_20, %mul3A_961 : i32
        %add3A_963 = arith.constant 2 : i32
        %add3A_964 = arith.addi %mul3A_962, %add3A_963 : i32
        %swap3A_965 = arith.index_cast %add3A_964 : i32 to index
        %swap3A_966 = arith.constant 368 : index
        %swap3A_967 = tpu.vector_load %arg5[%swap3A_965, %swap3A_966] {strides = array<i32>} : memref<64x1024xf32, #tpu.memory_space<vmem>>, vector<1x16xf32>,
        %swap3A_968 = vector.shape_cast %swap3A_967 : vector<1x16xf32> to vector<16xf32>
        %swap3A_969 = vector.shape_cast %get3A_942 : vector<16xf32> to vector<1x16xf32>
        tpu.vector_store %arg5[%swap3A_965, %swap3A_966], %swap3A_969 {add = true, strides = array<i32>} : memref<64x1024xf32, #tpu.memory_space<vmem>>, vector<1x16xf32>,
        %mul3A_970 = arith.constant 4 : i32
        %mul3A_971 = arith.muli %scan3A_20, %mul3A_970 : i32
        %add3A_972 = arith.constant 3 : i32
        %add3A_973 = arith.addi %mul3A_971, %add3A_972 : i32
        %swap3A_974 = arith.index_cast %add3A_973 : i32 to index
        %swap3A_975 = arith.constant 368 : index
        %swap3A_976 = tpu.vector_load %arg5[%swap3A_974, %swap3A_975] {strides = array<i32>} : memref<64x1024xf32, #tpu.memory_space<vmem>>, vector<1x16xf32>,
        %swap3A_977 = vector.shape_cast %swap3A_976 : vector<1x16xf32> to vector<16xf32>
        %swap3A_978 = vector.shape_cast %get3A_942 : vector<16xf32> to vector<1x16xf32>
        tpu.vector_store %arg5[%swap3A_974, %swap3A_975], %swap3A_978 {add = true, strides = array<i32>} : memref<64x1024xf32, #tpu.memory_space<vmem>>, vector<1x16xf32>,
        %get3A_979 = arith.index_cast %scan3A_20 : i32 to index
        %get3A_980 = arith.constant 384 : index
        %get3A_981 = tpu.vector_load %arg6[%get3A_979, %get3A_980] {strides = array<i32>} : memref<16x1024xf32, #tpu.memory_space<vmem>>, vector<1x16xf32>,
        %get3A_982 = vector.shape_cast %get3A_981 : vector<1x16xf32> to vector<16xf32>
        %mul3A_983 = arith.constant 4 : i32
        %mul3A_984 = arith.muli %scan3A_20, %mul3A_983 : i32
        %add3A_985 = arith.constant 0 : i32
        %add3A_986 = arith.addi %mul3A_984, %add3A_985 : i32
        %swap3A_987 = arith.index_cast %add3A_986 : i32 to index
        %swap3A_988 = arith.constant 384 : index
        %swap3A_989 = tpu.vector_load %arg5[%swap3A_987, %swap3A_988] {strides = array<i32>} : memref<64x1024xf32, #tpu.memory_space<vmem>>, vector<1x16xf32>,
        %swap3A_990 = vector.shape_cast %swap3A_989 : vector<1x16xf32> to vector<16xf32>
        %swap3A_991 = vector.shape_cast %get3A_982 : vector<16xf32> to vector<1x16xf32>
        tpu.vector_store %arg5[%swap3A_987, %swap3A_988], %swap3A_991 {add = true, strides = array<i32>} : memref<64x1024xf32, #tpu.memory_space<vmem>>, vector<1x16xf32>,
        %mul3A_992 = arith.constant 4 : i32
        %mul3A_993 = arith.muli %scan3A_20, %mul3A_992 : i32
        %add3A_994 = arith.constant 1 : i32
        %add3A_995 = arith.addi %mul3A_993, %add3A_994 : i32
        %swap3A_996 = arith.index_cast %add3A_995 : i32 to index
        %swap3A_997 = arith.constant 384 : index
        %swap3A_998 = tpu.vector_load %arg5[%swap3A_996, %swap3A_997] {strides = array<i32>} : memref<64x1024xf32, #tpu.memory_space<vmem>>, vector<1x16xf32>,
        %swap3A_999 = vector.shape_cast %swap3A_998 : vector<1x16xf32> to vector<16xf32>
        %swap3A_1000 = vector.shape_cast %get3A_982 : vector<16xf32> to vector<1x16xf32>
        tpu.vector_store %arg5[%swap3A_996, %swap3A_997], %swap3A_1000 {add = true, strides = array<i32>} : memref<64x1024xf32, #tpu.memory_space<vmem>>, vector<1x16xf32>,
        %mul3A_1001 = arith.constant 4 : i32
        %mul3A_1002 = arith.muli %scan3A_20, %mul3A_1001 : i32
        %add3A_1003 = arith.constant 2 : i32
        %add3A_1004 = arith.addi %mul3A_1002, %add3A_1003 : i32
        %swap3A_1005 = arith.index_cast %add3A_1004 : i32 to index
        %swap3A_1006 = arith.constant 384 : index
        %swap3A_1007 = tpu.vector_load %arg5[%swap3A_1005, %swap3A_1006] {strides = array<i32>} : memref<64x1024xf32, #tpu.memory_space<vmem>>, vector<1x16xf32>,
        %swap3A_1008 = vector.shape_cast %swap3A_1007 : vector<1x16xf32> to vector<16xf32>
        %swap3A_1009 = vector.shape_cast %get3A_982 : vector<16xf32> to vector<1x16xf32>
        tpu.vector_store %arg5[%swap3A_1005, %swap3A_1006], %swap3A_1009 {add = true, strides = array<i32>} : memref<64x1024xf32, #tpu.memory_space<vmem>>, vector<1x16xf32>,
        %mul3A_1010 = arith.constant 4 : i32
        %mul3A_1011 = arith.muli %scan3A_20, %mul3A_1010 : i32
        %add3A_1012 = arith.constant 3 : i32
        %add3A_1013 = arith.addi %mul3A_1011, %add3A_1012 : i32
        %swap3A_1014 = arith.index_cast %add3A_1013 : i32 to index
        %swap3A_1015 = arith.constant 384 : index
        %swap3A_1016 = tpu.vector_load %arg5[%swap3A_1014, %swap3A_1015] {strides = array<i32>} : memref<64x1024xf32, #tpu.memory_space<vmem>>, vector<1x16xf32>,
        %swap3A_1017 = vector.shape_cast %swap3A_1016 : vector<1x16xf32> to vector<16xf32>
        %swap3A_1018 = vector.shape_cast %get3A_982 : vector<16xf32> to vector<1x16xf32>
        tpu.vector_store %arg5[%swap3A_1014, %swap3A_1015], %swap3A_1018 {add = true, strides = array<i32>} : memref<64x1024xf32, #tpu.memory_space<vmem>>, vector<1x16xf32>,
        %get3A_1019 = arith.index_cast %scan3A_20 : i32 to index
        %get3A_1020 = arith.constant 400 : index
        %get3A_1021 = tpu.vector_load %arg6[%get3A_1019, %get3A_1020] {strides = array<i32>} : memref<16x1024xf32, #tpu.memory_space<vmem>>, vector<1x16xf32>,
        %get3A_1022 = vector.shape_cast %get3A_1021 : vector<1x16xf32> to vector<16xf32>
        %mul3A_1023 = arith.constant 4 : i32
        %mul3A_1024 = arith.muli %scan3A_20, %mul3A_1023 : i32
        %add3A_1025 = arith.constant 0 : i32
        %add3A_1026 = arith.addi %mul3A_1024, %add3A_1025 : i32
        %swap3A_1027 = arith.index_cast %add3A_1026 : i32 to index
        %swap3A_1028 = arith.constant 400 : index
        %swap3A_1029 = tpu.vector_load %arg5[%swap3A_1027, %swap3A_1028] {strides = array<i32>} : memref<64x1024xf32, #tpu.memory_space<vmem>>, vector<1x16xf32>,
        %swap3A_1030 = vector.shape_cast %swap3A_1029 : vector<1x16xf32> to vector<16xf32>
        %swap3A_1031 = vector.shape_cast %get3A_1022 : vector<16xf32> to vector<1x16xf32>
        tpu.vector_store %arg5[%swap3A_1027, %swap3A_1028], %swap3A_1031 {add = true, strides = array<i32>} : memref<64x1024xf32, #tpu.memory_space<vmem>>, vector<1x16xf32>,
        %mul3A_1032 = arith.constant 4 : i32
        %mul3A_1033 = arith.muli %scan3A_20, %mul3A_1032 : i32
        %add3A_1034 = arith.constant 1 : i32
        %add3A_1035 = arith.addi %mul3A_1033, %add3A_1034 : i32
        %swap3A_1036 = arith.index_cast %add3A_1035 : i32 to index
        %swap3A_1037 = arith.constant 400 : index
        %swap3A_1038 = tpu.vector_load %arg5[%swap3A_1036, %swap3A_1037] {strides = array<i32>} : memref<64x1024xf32, #tpu.memory_space<vmem>>, vector<1x16xf32>,
        %swap3A_1039 = vector.shape_cast %swap3A_1038 : vector<1x16xf32> to vector<16xf32>
        %swap3A_1040 = vector.shape_cast %get3A_1022 : vector<16xf32> to vector<1x16xf32>
        tpu.vector_store %arg5[%swap3A_1036, %swap3A_1037], %swap3A_1040 {add = true, strides = array<i32>} : memref<64x1024xf32, #tpu.memory_space<vmem>>, vector<1x16xf32>,
        %mul3A_1041 = arith.constant 4 : i32
        %mul3A_1042 = arith.muli %scan3A_20, %mul3A_1041 : i32
        %add3A_1043 = arith.constant 2 : i32
        %add3A_1044 = arith.addi %mul3A_1042, %add3A_1043 : i32
        %swap3A_1045 = arith.index_cast %add3A_1044 : i32 to index
        %swap3A_1046 = arith.constant 400 : index
        %swap3A_1047 = tpu.vector_load %arg5[%swap3A_1045, %swap3A_1046] {strides = array<i32>} : memref<64x1024xf32, #tpu.memory_space<vmem>>, vector<1x16xf32>,
        %swap3A_1048 = vector.shape_cast %swap3A_1047 : vector<1x16xf32> to vector<16xf32>
        %swap3A_1049 = vector.shape_cast %get3A_1022 : vector<16xf32> to vector<1x16xf32>
        tpu.vector_store %arg5[%swap3A_1045, %swap3A_1046], %swap3A_1049 {add = true, strides = array<i32>} : memref<64x1024xf32, #tpu.memory_space<vmem>>, vector<1x16xf32>,
        %mul3A_1050 = arith.constant 4 : i32
        %mul3A_1051 = arith.muli %scan3A_20, %mul3A_1050 : i32
        %add3A_1052 = arith.constant 3 : i32
        %add3A_1053 = arith.addi %mul3A_1051, %add3A_1052 : i32
        %swap3A_1054 = arith.index_cast %add3A_1053 : i32 to index
        %swap3A_1055 = arith.constant 400 : index
        %swap3A_1056 = tpu.vector_load %arg5[%swap3A_1054, %swap3A_1055] {strides = array<i32>} : memref<64x1024xf32, #tpu.memory_space<vmem>>, vector<1x16xf32>,
        %swap3A_1057 = vector.shape_cast %swap3A_1056 : vector<1x16xf32> to vector<16xf32>
        %swap3A_1058 = vector.shape_cast %get3A_1022 : vector<16xf32> to vector<1x16xf32>
        tpu.vector_store %arg5[%swap3A_1054, %swap3A_1055], %swap3A_1058 {add = true, strides = array<i32>} : memref<64x1024xf32, #tpu.memory_space<vmem>>, vector<1x16xf32>,
        %get3A_1059 = arith.index_cast %scan3A_20 : i32 to index
        %get3A_1060 = arith.constant 416 : index
        %get3A_1061 = tpu.vector_load %arg6[%get3A_1059, %get3A_1060] {strides = array<i32>} : memref<16x1024xf32, #tpu.memory_space<vmem>>, vector<1x16xf32>,
        %get3A_1062 = vector.shape_cast %get3A_1061 : vector<1x16xf32> to vector<16xf32>
        %mul3A_1063 = arith.constant 4 : i32
        %mul3A_1064 = arith.muli %scan3A_20, %mul3A_1063 : i32
        %add3A_1065 = arith.constant 0 : i32
        %add3A_1066 = arith.addi %mul3A_1064, %add3A_1065 : i32
        %swap3A_1067 = arith.index_cast %add3A_1066 : i32 to index
        %swap3A_1068 = arith.constant 416 : index
        %swap3A_1069 = tpu.vector_load %arg5[%swap3A_1067, %swap3A_1068] {strides = array<i32>} : memref<64x1024xf32, #tpu.memory_space<vmem>>, vector<1x16xf32>,
        %swap3A_1070 = vector.shape_cast %swap3A_1069 : vector<1x16xf32> to vector<16xf32>
        %swap3A_1071 = vector.shape_cast %get3A_1062 : vector<16xf32> to vector<1x16xf32>
        tpu.vector_store %arg5[%swap3A_1067, %swap3A_1068], %swap3A_1071 {add = true, strides = array<i32>} : memref<64x1024xf32, #tpu.memory_space<vmem>>, vector<1x16xf32>,
        %mul3A_1072 = arith.constant 4 : i32
        %mul3A_1073 = arith.muli %scan3A_20, %mul3A_1072 : i32
        %add3A_1074 = arith.constant 1 : i32
        %add3A_1075 = arith.addi %mul3A_1073, %add3A_1074 : i32
        %swap3A_1076 = arith.index_cast %add3A_1075 : i32 to index
        %swap3A_1077 = arith.constant 416 : index
        %swap3A_1078 = tpu.vector_load %arg5[%swap3A_1076, %swap3A_1077] {strides = array<i32>} : memref<64x1024xf32, #tpu.memory_space<vmem>>, vector<1x16xf32>,
        %swap3A_1079 = vector.shape_cast %swap3A_1078 : vector<1x16xf32> to vector<16xf32>
        %swap3A_1080 = vector.shape_cast %get3A_1062 : vector<16xf32> to vector<1x16xf32>
        tpu.vector_store %arg5[%swap3A_1076, %swap3A_1077], %swap3A_1080 {add = true, strides = array<i32>} : memref<64x1024xf32, #tpu.memory_space<vmem>>, vector<1x16xf32>,
        %mul3A_1081 = arith.constant 4 : i32
        %mul3A_1082 = arith.muli %scan3A_20, %mul3A_1081 : i32
        %add3A_1083 = arith.constant 2 : i32
        %add3A_1084 = arith.addi %mul3A_1082, %add3A_1083 : i32
        %swap3A_1085 = arith.index_cast %add3A_1084 : i32 to index
        %swap3A_1086 = arith.constant 416 : index
        %swap3A_1087 = tpu.vector_load %arg5[%swap3A_1085, %swap3A_1086] {strides = array<i32>} : memref<64x1024xf32, #tpu.memory_space<vmem>>, vector<1x16xf32>,
        %swap3A_1088 = vector.shape_cast %swap3A_1087 : vector<1x16xf32> to vector<16xf32>
        %swap3A_1089 = vector.shape_cast %get3A_1062 : vector<16xf32> to vector<1x16xf32>
        tpu.vector_store %arg5[%swap3A_1085, %swap3A_1086], %swap3A_1089 {add = true, strides = array<i32>} : memref<64x1024xf32, #tpu.memory_space<vmem>>, vector<1x16xf32>,
        %mul3A_1090 = arith.constant 4 : i32
        %mul3A_1091 = arith.muli %scan3A_20, %mul3A_1090 : i32
        %add3A_1092 = arith.constant 3 : i32
        %add3A_1093 = arith.addi %mul3A_1091, %add3A_1092 : i32
        %swap3A_1094 = arith.index_cast %add3A_1093 : i32 to index
        %swap3A_1095 = arith.constant 416 : index
        %swap3A_1096 = tpu.vector_load %arg5[%swap3A_1094, %swap3A_1095] {strides = array<i32>} : memref<64x1024xf32, #tpu.memory_space<vmem>>, vector<1x16xf32>,
        %swap3A_1097 = vector.shape_cast %swap3A_1096 : vector<1x16xf32> to vector<16xf32>
        %swap3A_1098 = vector.shape_cast %get3A_1062 : vector<16xf32> to vector<1x16xf32>
        tpu.vector_store %arg5[%swap3A_1094, %swap3A_1095], %swap3A_1098 {add = true, strides = array<i32>} : memref<64x1024xf32, #tpu.memory_space<vmem>>, vector<1x16xf32>,
        %get3A_1099 = arith.index_cast %scan3A_20 : i32 to index
        %get3A_1100 = arith.constant 432 : index
        %get3A_1101 = tpu.vector_load %arg6[%get3A_1099, %get3A_1100] {strides = array<i32>} : memref<16x1024xf32, #tpu.memory_space<vmem>>, vector<1x16xf32>,
        %get3A_1102 = vector.shape_cast %get3A_1101 : vector<1x16xf32> to vector<16xf32>
        %mul3A_1103 = arith.constant 4 : i32
        %mul3A_1104 = arith.muli %scan3A_20, %mul3A_1103 : i32
        %add3A_1105 = arith.constant 0 : i32
        %add3A_1106 = arith.addi %mul3A_1104, %add3A_1105 : i32
        %swap3A_1107 = arith.index_cast %add3A_1106 : i32 to index
        %swap3A_1108 = arith.constant 432 : index
        %swap3A_1109 = tpu.vector_load %arg5[%swap3A_1107, %swap3A_1108] {strides = array<i32>} : memref<64x1024xf32, #tpu.memory_space<vmem>>, vector<1x16xf32>,
        %swap3A_1110 = vector.shape_cast %swap3A_1109 : vector<1x16xf32> to vector<16xf32>
        %swap3A_1111 = vector.shape_cast %get3A_1102 : vector<16xf32> to vector<1x16xf32>
        tpu.vector_store %arg5[%swap3A_1107, %swap3A_1108], %swap3A_1111 {add = true, strides = array<i32>} : memref<64x1024xf32, #tpu.memory_space<vmem>>, vector<1x16xf32>,
        %mul3A_1112 = arith.constant 4 : i32
        %mul3A_1113 = arith.muli %scan3A_20, %mul3A_1112 : i32
        %add3A_1114 = arith.constant 1 : i32
        %add3A_1115 = arith.addi %mul3A_1113, %add3A_1114 : i32
        %swap3A_1116 = arith.index_cast %add3A_1115 : i32 to index
        %swap3A_1117 = arith.constant 432 : index
        %swap3A_1118 = tpu.vector_load %arg5[%swap3A_1116, %swap3A_1117] {strides = array<i32>} : memref<64x1024xf32, #tpu.memory_space<vmem>>, vector<1x16xf32>,
        %swap3A_1119 = vector.shape_cast %swap3A_1118 : vector<1x16xf32> to vector<16xf32>
        %swap3A_1120 = vector.shape_cast %get3A_1102 : vector<16xf32> to vector<1x16xf32>
        tpu.vector_store %arg5[%swap3A_1116, %swap3A_1117], %swap3A_1120 {add = true, strides = array<i32>} : memref<64x1024xf32, #tpu.memory_space<vmem>>, vector<1x16xf32>,
        %mul3A_1121 = arith.constant 4 : i32
        %mul3A_1122 = arith.muli %scan3A_20, %mul3A_1121 : i32
        %add3A_1123 = arith.constant 2 : i32
        %add3A_1124 = arith.addi %mul3A_1122, %add3A_1123 : i32
        %swap3A_1125 = arith.index_cast %add3A_1124 : i32 to index
        %swap3A_1126 = arith.constant 432 : index
        %swap3A_1127 = tpu.vector_load %arg5[%swap3A_1125, %swap3A_1126] {strides = array<i32>} : memref<64x1024xf32, #tpu.memory_space<vmem>>, vector<1x16xf32>,
        %swap3A_1128 = vector.shape_cast %swap3A_1127 : vector<1x16xf32> to vector<16xf32>
        %swap3A_1129 = vector.shape_cast %get3A_1102 : vector<16xf32> to vector<1x16xf32>
        tpu.vector_store %arg5[%swap3A_1125, %swap3A_1126], %swap3A_1129 {add = true, strides = array<i32>} : memref<64x1024xf32, #tpu.memory_space<vmem>>, vector<1x16xf32>,
        %mul3A_1130 = arith.constant 4 : i32
        %mul3A_1131 = arith.muli %scan3A_20, %mul3A_1130 : i32
        %add3A_1132 = arith.constant 3 : i32
        %add3A_1133 = arith.addi %mul3A_1131, %add3A_1132 : i32
        %swap3A_1134 = arith.index_cast %add3A_1133 : i32 to index
        %swap3A_1135 = arith.constant 432 : index
        %swap3A_1136 = tpu.vector_load %arg5[%swap3A_1134, %swap3A_1135] {strides = array<i32>} : memref<64x1024xf32, #tpu.memory_space<vmem>>, vector<1x16xf32>,
        %swap3A_1137 = vector.shape_cast %swap3A_1136 : vector<1x16xf32> to vector<16xf32>
        %swap3A_1138 = vector.shape_cast %get3A_1102 : vector<16xf32> to vector<1x16xf32>
        tpu.vector_store %arg5[%swap3A_1134, %swap3A_1135], %swap3A_1138 {add = true, strides = array<i32>} : memref<64x1024xf32, #tpu.memory_space<vmem>>, vector<1x16xf32>,
        %get3A_1139 = arith.index_cast %scan3A_20 : i32 to index
        %get3A_1140 = arith.constant 448 : index
        %get3A_1141 = tpu.vector_load %arg6[%get3A_1139, %get3A_1140] {strides = array<i32>} : memref<16x1024xf32, #tpu.memory_space<vmem>>, vector<1x16xf32>,
        %get3A_1142 = vector.shape_cast %get3A_1141 : vector<1x16xf32> to vector<16xf32>
        %mul3A_1143 = arith.constant 4 : i32
        %mul3A_1144 = arith.muli %scan3A_20, %mul3A_1143 : i32
        %add3A_1145 = arith.constant 0 : i32
        %add3A_1146 = arith.addi %mul3A_1144, %add3A_1145 : i32
        %swap3A_1147 = arith.index_cast %add3A_1146 : i32 to index
        %swap3A_1148 = arith.constant 448 : index
        %swap3A_1149 = tpu.vector_load %arg5[%swap3A_1147, %swap3A_1148] {strides = array<i32>} : memref<64x1024xf32, #tpu.memory_space<vmem>>, vector<1x16xf32>,
        %swap3A_1150 = vector.shape_cast %swap3A_1149 : vector<1x16xf32> to vector<16xf32>
        %swap3A_1151 = vector.shape_cast %get3A_1142 : vector<16xf32> to vector<1x16xf32>
        tpu.vector_store %arg5[%swap3A_1147, %swap3A_1148], %swap3A_1151 {add = true, strides = array<i32>} : memref<64x1024xf32, #tpu.memory_space<vmem>>, vector<1x16xf32>,
        %mul3A_1152 = arith.constant 4 : i32
        %mul3A_1153 = arith.muli %scan3A_20, %mul3A_1152 : i32
        %add3A_1154 = arith.constant 1 : i32
        %add3A_1155 = arith.addi %mul3A_1153, %add3A_1154 : i32
        %swap3A_1156 = arith.index_cast %add3A_1155 : i32 to index
        %swap3A_1157 = arith.constant 448 : index
        %swap3A_1158 = tpu.vector_load %arg5[%swap3A_1156, %swap3A_1157] {strides = array<i32>} : memref<64x1024xf32, #tpu.memory_space<vmem>>, vector<1x16xf32>,
        %swap3A_1159 = vector.shape_cast %swap3A_1158 : vector<1x16xf32> to vector<16xf32>
        %swap3A_1160 = vector.shape_cast %get3A_1142 : vector<16xf32> to vector<1x16xf32>
        tpu.vector_store %arg5[%swap3A_1156, %swap3A_1157], %swap3A_1160 {add = true, strides = array<i32>} : memref<64x1024xf32, #tpu.memory_space<vmem>>, vector<1x16xf32>,
        %mul3A_1161 = arith.constant 4 : i32
        %mul3A_1162 = arith.muli %scan3A_20, %mul3A_1161 : i32
        %add3A_1163 = arith.constant 2 : i32
        %add3A_1164 = arith.addi %mul3A_1162, %add3A_1163 : i32
        %swap3A_1165 = arith.index_cast %add3A_1164 : i32 to index
        %swap3A_1166 = arith.constant 448 : index
        %swap3A_1167 = tpu.vector_load %arg5[%swap3A_1165, %swap3A_1166] {strides = array<i32>} : memref<64x1024xf32, #tpu.memory_space<vmem>>, vector<1x16xf32>,
        %swap3A_1168 = vector.shape_cast %swap3A_1167 : vector<1x16xf32> to vector<16xf32>
        %swap3A_1169 = vector.shape_cast %get3A_1142 : vector<16xf32> to vector<1x16xf32>
        tpu.vector_store %arg5[%swap3A_1165, %swap3A_1166], %swap3A_1169 {add = true, strides = array<i32>} : memref<64x1024xf32, #tpu.memory_space<vmem>>, vector<1x16xf32>,
        %mul3A_1170 = arith.constant 4 : i32
        %mul3A_1171 = arith.muli %scan3A_20, %mul3A_1170 : i32
        %add3A_1172 = arith.constant 3 : i32
        %add3A_1173 = arith.addi %mul3A_1171, %add3A_1172 : i32
        %swap3A_1174 = arith.index_cast %add3A_1173 : i32 to index
        %swap3A_1175 = arith.constant 448 : index
        %swap3A_1176 = tpu.vector_load %arg5[%swap3A_1174, %swap3A_1175] {strides = array<i32>} : memref<64x1024xf32, #tpu.memory_space<vmem>>, vector<1x16xf32>,
        %swap3A_1177 = vector.shape_cast %swap3A_1176 : vector<1x16xf32> to vector<16xf32>
        %swap3A_1178 = vector.shape_cast %get3A_1142 : vector<16xf32> to vector<1x16xf32>
        tpu.vector_store %arg5[%swap3A_1174, %swap3A_1175], %swap3A_1178 {add = true, strides = array<i32>} : memref<64x1024xf32, #tpu.memory_space<vmem>>, vector<1x16xf32>,
        %get3A_1179 = arith.index_cast %scan3A_20 : i32 to index
        %get3A_1180 = arith.constant 464 : index
        %get3A_1181 = tpu.vector_load %arg6[%get3A_1179, %get3A_1180] {strides = array<i32>} : memref<16x1024xf32, #tpu.memory_space<vmem>>, vector<1x16xf32>,
        %get3A_1182 = vector.shape_cast %get3A_1181 : vector<1x16xf32> to vector<16xf32>
        %mul3A_1183 = arith.constant 4 : i32
        %mul3A_1184 = arith.muli %scan3A_20, %mul3A_1183 : i32
        %add3A_1185 = arith.constant 0 : i32
        %add3A_1186 = arith.addi %mul3A_1184, %add3A_1185 : i32
        %swap3A_1187 = arith.index_cast %add3A_1186 : i32 to index
        %swap3A_1188 = arith.constant 464 : index
        %swap3A_1189 = tpu.vector_load %arg5[%swap3A_1187, %swap3A_1188] {strides = array<i32>} : memref<64x1024xf32, #tpu.memory_space<vmem>>, vector<1x16xf32>,
        %swap3A_1190 = vector.shape_cast %swap3A_1189 : vector<1x16xf32> to vector<16xf32>
        %swap3A_1191 = vector.shape_cast %get3A_1182 : vector<16xf32> to vector<1x16xf32>
        tpu.vector_store %arg5[%swap3A_1187, %swap3A_1188], %swap3A_1191 {add = true, strides = array<i32>} : memref<64x1024xf32, #tpu.memory_space<vmem>>, vector<1x16xf32>,
        %mul3A_1192 = arith.constant 4 : i32
        %mul3A_1193 = arith.muli %scan3A_20, %mul3A_1192 : i32
        %add3A_1194 = arith.constant 1 : i32
        %add3A_1195 = arith.addi %mul3A_1193, %add3A_1194 : i32
        %swap3A_1196 = arith.index_cast %add3A_1195 : i32 to index
        %swap3A_1197 = arith.constant 464 : index
        %swap3A_1198 = tpu.vector_load %arg5[%swap3A_1196, %swap3A_1197] {strides = array<i32>} : memref<64x1024xf32, #tpu.memory_space<vmem>>, vector<1x16xf32>,
        %swap3A_1199 = vector.shape_cast %swap3A_1198 : vector<1x16xf32> to vector<16xf32>
        %swap3A_1200 = vector.shape_cast %get3A_1182 : vector<16xf32> to vector<1x16xf32>
        tpu.vector_store %arg5[%swap3A_1196, %swap3A_1197], %swap3A_1200 {add = true, strides = array<i32>} : memref<64x1024xf32, #tpu.memory_space<vmem>>, vector<1x16xf32>,
        %mul3A_1201 = arith.constant 4 : i32
        %mul3A_1202 = arith.muli %scan3A_20, %mul3A_1201 : i32
        %add3A_1203 = arith.constant 2 : i32
        %add3A_1204 = arith.addi %mul3A_1202, %add3A_1203 : i32
        %swap3A_1205 = arith.index_cast %add3A_1204 : i32 to index
        %swap3A_1206 = arith.constant 464 : index
        %swap3A_1207 = tpu.vector_load %arg5[%swap3A_1205, %swap3A_1206] {strides = array<i32>} : memref<64x1024xf32, #tpu.memory_space<vmem>>, vector<1x16xf32>,
        %swap3A_1208 = vector.shape_cast %swap3A_1207 : vector<1x16xf32> to vector<16xf32>
        %swap3A_1209 = vector.shape_cast %get3A_1182 : vector<16xf32> to vector<1x16xf32>
        tpu.vector_store %arg5[%swap3A_1205, %swap3A_1206], %swap3A_1209 {add = true, strides = array<i32>} : memref<64x1024xf32, #tpu.memory_space<vmem>>, vector<1x16xf32>,
        %mul3A_1210 = arith.constant 4 : i32
        %mul3A_1211 = arith.muli %scan3A_20, %mul3A_1210 : i32
        %add3A_1212 = arith.constant 3 : i32
        %add3A_1213 = arith.addi %mul3A_1211, %add3A_1212 : i32
        %swap3A_1214 = arith.index_cast %add3A_1213 : i32 to index
        %swap3A_1215 = arith.constant 464 : index
        %swap3A_1216 = tpu.vector_load %arg5[%swap3A_1214, %swap3A_1215] {strides = array<i32>} : memref<64x1024xf32, #tpu.memory_space<vmem>>, vector<1x16xf32>,
        %swap3A_1217 = vector.shape_cast %swap3A_1216 : vector<1x16xf32> to vector<16xf32>
        %swap3A_1218 = vector.shape_cast %get3A_1182 : vector<16xf32> to vector<1x16xf32>
        tpu.vector_store %arg5[%swap3A_1214, %swap3A_1215], %swap3A_1218 {add = true, strides = array<i32>} : memref<64x1024xf32, #tpu.memory_space<vmem>>, vector<1x16xf32>,
        %get3A_1219 = arith.index_cast %scan3A_20 : i32 to index
        %get3A_1220 = arith.constant 480 : index
        %get3A_1221 = tpu.vector_load %arg6[%get3A_1219, %get3A_1220] {strides = array<i32>} : memref<16x1024xf32, #tpu.memory_space<vmem>>, vector<1x16xf32>,
        %get3A_1222 = vector.shape_cast %get3A_1221 : vector<1x16xf32> to vector<16xf32>
        %mul3A_1223 = arith.constant 4 : i32
        %mul3A_1224 = arith.muli %scan3A_20, %mul3A_1223 : i32
        %add3A_1225 = arith.constant 0 : i32
        %add3A_1226 = arith.addi %mul3A_1224, %add3A_1225 : i32
        %swap3A_1227 = arith.index_cast %add3A_1226 : i32 to index
        %swap3A_1228 = arith.constant 480 : index
        %swap3A_1229 = tpu.vector_load %arg5[%swap3A_1227, %swap3A_1228] {strides = array<i32>} : memref<64x1024xf32, #tpu.memory_space<vmem>>, vector<1x16xf32>,
        %swap3A_1230 = vector.shape_cast %swap3A_1229 : vector<1x16xf32> to vector<16xf32>
        %swap3A_1231 = vector.shape_cast %get3A_1222 : vector<16xf32> to vector<1x16xf32>
        tpu.vector_store %arg5[%swap3A_1227, %swap3A_1228], %swap3A_1231 {add = true, strides = array<i32>} : memref<64x1024xf32, #tpu.memory_space<vmem>>, vector<1x16xf32>,
        %mul3A_1232 = arith.constant 4 : i32
        %mul3A_1233 = arith.muli %scan3A_20, %mul3A_1232 : i32
        %add3A_1234 = arith.constant 1 : i32
        %add3A_1235 = arith.addi %mul3A_1233, %add3A_1234 : i32
        %swap3A_1236 = arith.index_cast %add3A_1235 : i32 to index
        %swap3A_1237 = arith.constant 480 : index
        %swap3A_1238 = tpu.vector_load %arg5[%swap3A_1236, %swap3A_1237] {strides = array<i32>} : memref<64x1024xf32, #tpu.memory_space<vmem>>, vector<1x16xf32>,
        %swap3A_1239 = vector.shape_cast %swap3A_1238 : vector<1x16xf32> to vector<16xf32>
        %swap3A_1240 = vector.shape_cast %get3A_1222 : vector<16xf32> to vector<1x16xf32>
        tpu.vector_store %arg5[%swap3A_1236, %swap3A_1237], %swap3A_1240 {add = true, strides = array<i32>} : memref<64x1024xf32, #tpu.memory_space<vmem>>, vector<1x16xf32>,
        %mul3A_1241 = arith.constant 4 : i32
        %mul3A_1242 = arith.muli %scan3A_20, %mul3A_1241 : i32
        %add3A_1243 = arith.constant 2 : i32
        %add3A_1244 = arith.addi %mul3A_1242, %add3A_1243 : i32
        %swap3A_1245 = arith.index_cast %add3A_1244 : i32 to index
        %swap3A_1246 = arith.constant 480 : index
        %swap3A_1247 = tpu.vector_load %arg5[%swap3A_1245, %swap3A_1246] {strides = array<i32>} : memref<64x1024xf32, #tpu.memory_space<vmem>>, vector<1x16xf32>,
        %swap3A_1248 = vector.shape_cast %swap3A_1247 : vector<1x16xf32> to vector<16xf32>
        %swap3A_1249 = vector.shape_cast %get3A_1222 : vector<16xf32> to vector<1x16xf32>
        tpu.vector_store %arg5[%swap3A_1245, %swap3A_1246], %swap3A_1249 {add = true, strides = array<i32>} : memref<64x1024xf32, #tpu.memory_space<vmem>>, vector<1x16xf32>,
        %mul3A_1250 = arith.constant 4 : i32
        %mul3A_1251 = arith.muli %scan3A_20, %mul3A_1250 : i32
        %add3A_1252 = arith.constant 3 : i32
        %add3A_1253 = arith.addi %mul3A_1251, %add3A_1252 : i32
        %swap3A_1254 = arith.index_cast %add3A_1253 : i32 to index
        %swap3A_1255 = arith.constant 480 : index
        %swap3A_1256 = tpu.vector_load %arg5[%swap3A_1254, %swap3A_1255] {strides = array<i32>} : memref<64x1024xf32, #tpu.memory_space<vmem>>, vector<1x16xf32>,
        %swap3A_1257 = vector.shape_cast %swap3A_1256 : vector<1x16xf32> to vector<16xf32>
        %swap3A_1258 = vector.shape_cast %get3A_1222 : vector<16xf32> to vector<1x16xf32>
        tpu.vector_store %arg5[%swap3A_1254, %swap3A_1255], %swap3A_1258 {add = true, strides = array<i32>} : memref<64x1024xf32, #tpu.memory_space<vmem>>, vector<1x16xf32>,
        %get3A_1259 = arith.index_cast %scan3A_20 : i32 to index
        %get3A_1260 = arith.constant 496 : index
        %get3A_1261 = tpu.vector_load %arg6[%get3A_1259, %get3A_1260] {strides = array<i32>} : memref<16x1024xf32, #tpu.memory_space<vmem>>, vector<1x16xf32>,
        %get3A_1262 = vector.shape_cast %get3A_1261 : vector<1x16xf32> to vector<16xf32>
        %mul3A_1263 = arith.constant 4 : i32
        %mul3A_1264 = arith.muli %scan3A_20, %mul3A_1263 : i32
        %add3A_1265 = arith.constant 0 : i32
        %add3A_1266 = arith.addi %mul3A_1264, %add3A_1265 : i32
        %swap3A_1267 = arith.index_cast %add3A_1266 : i32 to index
        %swap3A_1268 = arith.constant 496 : index
        %swap3A_1269 = tpu.vector_load %arg5[%swap3A_1267, %swap3A_1268] {strides = array<i32>} : memref<64x1024xf32, #tpu.memory_space<vmem>>, vector<1x16xf32>,
        %swap3A_1270 = vector.shape_cast %swap3A_1269 : vector<1x16xf32> to vector<16xf32>
        %swap3A_1271 = vector.shape_cast %get3A_1262 : vector<16xf32> to vector<1x16xf32>
        tpu.vector_store %arg5[%swap3A_1267, %swap3A_1268], %swap3A_1271 {add = true, strides = array<i32>} : memref<64x1024xf32, #tpu.memory_space<vmem>>, vector<1x16xf32>,
        %mul3A_1272 = arith.constant 4 : i32
        %mul3A_1273 = arith.muli %scan3A_20, %mul3A_1272 : i32
        %add3A_1274 = arith.constant 1 : i32
        %add3A_1275 = arith.addi %mul3A_1273, %add3A_1274 : i32
        %swap3A_1276 = arith.index_cast %add3A_1275 : i32 to index
        %swap3A_1277 = arith.constant 496 : index
        %swap3A_1278 = tpu.vector_load %arg5[%swap3A_1276, %swap3A_1277] {strides = array<i32>} : memref<64x1024xf32, #tpu.memory_space<vmem>>, vector<1x16xf32>,
        %swap3A_1279 = vector.shape_cast %swap3A_1278 : vector<1x16xf32> to vector<16xf32>
        %swap3A_1280 = vector.shape_cast %get3A_1262 : vector<16xf32> to vector<1x16xf32>
        tpu.vector_store %arg5[%swap3A_1276, %swap3A_1277], %swap3A_1280 {add = true, strides = array<i32>} : memref<64x1024xf32, #tpu.memory_space<vmem>>, vector<1x16xf32>,
        %mul3A_1281 = arith.constant 4 : i32
        %mul3A_1282 = arith.muli %scan3A_20, %mul3A_1281 : i32
        %add3A_1283 = arith.constant 2 : i32
        %add3A_1284 = arith.addi %mul3A_1282, %add3A_1283 : i32
        %swap3A_1285 = arith.index_cast %add3A_1284 : i32 to index
        %swap3A_1286 = arith.constant 496 : index
        %swap3A_1287 = tpu.vector_load %arg5[%swap3A_1285, %swap3A_1286] {strides = array<i32>} : memref<64x1024xf32, #tpu.memory_space<vmem>>, vector<1x16xf32>,
        %swap3A_1288 = vector.shape_cast %swap3A_1287 : vector<1x16xf32> to vector<16xf32>
        %swap3A_1289 = vector.shape_cast %get3A_1262 : vector<16xf32> to vector<1x16xf32>
        tpu.vector_store %arg5[%swap3A_1285, %swap3A_1286], %swap3A_1289 {add = true, strides = array<i32>} : memref<64x1024xf32, #tpu.memory_space<vmem>>, vector<1x16xf32>,
        %mul3A_1290 = arith.constant 4 : i32
        %mul3A_1291 = arith.muli %scan3A_20, %mul3A_1290 : i32
        %add3A_1292 = arith.constant 3 : i32
        %add3A_1293 = arith.addi %mul3A_1291, %add3A_1292 : i32
        %swap3A_1294 = arith.index_cast %add3A_1293 : i32 to index
        %swap3A_1295 = arith.constant 496 : index
        %swap3A_1296 = tpu.vector_load %arg5[%swap3A_1294, %swap3A_1295] {strides = array<i32>} : memref<64x1024xf32, #tpu.memory_space<vmem>>, vector<1x16xf32>,
        %swap3A_1297 = vector.shape_cast %swap3A_1296 : vector<1x16xf32> to vector<16xf32>
        %swap3A_1298 = vector.shape_cast %get3A_1262 : vector<16xf32> to vector<1x16xf32>
        tpu.vector_store %arg5[%swap3A_1294, %swap3A_1295], %swap3A_1298 {add = true, strides = array<i32>} : memref<64x1024xf32, #tpu.memory_space<vmem>>, vector<1x16xf32>,
        %get3A_1299 = arith.index_cast %scan3A_20 : i32 to index
        %get3A_1300 = arith.constant 512 : index
        %get3A_1301 = tpu.vector_load %arg6[%get3A_1299, %get3A_1300] {strides = array<i32>} : memref<16x1024xf32, #tpu.memory_space<vmem>>, vector<1x16xf32>,
        %get3A_1302 = vector.shape_cast %get3A_1301 : vector<1x16xf32> to vector<16xf32>
        %mul3A_1303 = arith.constant 4 : i32
        %mul3A_1304 = arith.muli %scan3A_20, %mul3A_1303 : i32
        %add3A_1305 = arith.constant 0 : i32
        %add3A_1306 = arith.addi %mul3A_1304, %add3A_1305 : i32
        %swap3A_1307 = arith.index_cast %add3A_1306 : i32 to index
        %swap3A_1308 = arith.constant 512 : index
        %swap3A_1309 = tpu.vector_load %arg5[%swap3A_1307, %swap3A_1308] {strides = array<i32>} : memref<64x1024xf32, #tpu.memory_space<vmem>>, vector<1x16xf32>,
        %swap3A_1310 = vector.shape_cast %swap3A_1309 : vector<1x16xf32> to vector<16xf32>
        %swap3A_1311 = vector.shape_cast %get3A_1302 : vector<16xf32> to vector<1x16xf32>
        tpu.vector_store %arg5[%swap3A_1307, %swap3A_1308], %swap3A_1311 {add = true, strides = array<i32>} : memref<64x1024xf32, #tpu.memory_space<vmem>>, vector<1x16xf32>,
        %mul3A_1312 = arith.constant 4 : i32
        %mul3A_1313 = arith.muli %scan3A_20, %mul3A_1312 : i32
        %add3A_1314 = arith.constant 1 : i32
        %add3A_1315 = arith.addi %mul3A_1313, %add3A_1314 : i32
        %swap3A_1316 = arith.index_cast %add3A_1315 : i32 to index
        %swap3A_1317 = arith.constant 512 : index
        %swap3A_1318 = tpu.vector_load %arg5[%swap3A_1316, %swap3A_1317] {strides = array<i32>} : memref<64x1024xf32, #tpu.memory_space<vmem>>, vector<1x16xf32>,
        %swap3A_1319 = vector.shape_cast %swap3A_1318 : vector<1x16xf32> to vector<16xf32>
        %swap3A_1320 = vector.shape_cast %get3A_1302 : vector<16xf32> to vector<1x16xf32>
        tpu.vector_store %arg5[%swap3A_1316, %swap3A_1317], %swap3A_1320 {add = true, strides = array<i32>} : memref<64x1024xf32, #tpu.memory_space<vmem>>, vector<1x16xf32>,
        %mul3A_1321 = arith.constant 4 : i32
        %mul3A_1322 = arith.muli %scan3A_20, %mul3A_1321 : i32
        %add3A_1323 = arith.constant 2 : i32
        %add3A_1324 = arith.addi %mul3A_1322, %add3A_1323 : i32
        %swap3A_1325 = arith.index_cast %add3A_1324 : i32 to index
        %swap3A_1326 = arith.constant 512 : index
        %swap3A_1327 = tpu.vector_load %arg5[%swap3A_1325, %swap3A_1326] {strides = array<i32>} : memref<64x1024xf32, #tpu.memory_space<vmem>>, vector<1x16xf32>,
        %swap3A_1328 = vector.shape_cast %swap3A_1327 : vector<1x16xf32> to vector<16xf32>
        %swap3A_1329 = vector.shape_cast %get3A_1302 : vector<16xf32> to vector<1x16xf32>
        tpu.vector_store %arg5[%swap3A_1325, %swap3A_1326], %swap3A_1329 {add = true, strides = array<i32>} : memref<64x1024xf32, #tpu.memory_space<vmem>>, vector<1x16xf32>,
        %mul3A_1330 = arith.constant 4 : i32
        %mul3A_1331 = arith.muli %scan3A_20, %mul3A_1330 : i32
        %add3A_1332 = arith.constant 3 : i32
        %add3A_1333 = arith.addi %mul3A_1331, %add3A_1332 : i32
        %swap3A_1334 = arith.index_cast %add3A_1333 : i32 to index
        %swap3A_1335 = arith.constant 512 : index
        %swap3A_1336 = tpu.vector_load %arg5[%swap3A_1334, %swap3A_1335] {strides = array<i32>} : memref<64x1024xf32, #tpu.memory_space<vmem>>, vector<1x16xf32>,
        %swap3A_1337 = vector.shape_cast %swap3A_1336 : vector<1x16xf32> to vector<16xf32>
        %swap3A_1338 = vector.shape_cast %get3A_1302 : vector<16xf32> to vector<1x16xf32>
        tpu.vector_store %arg5[%swap3A_1334, %swap3A_1335], %swap3A_1338 {add = true, strides = array<i32>} : memref<64x1024xf32, #tpu.memory_space<vmem>>, vector<1x16xf32>,
        %get3A_1339 = arith.index_cast %scan3A_20 : i32 to index
        %get3A_1340 = arith.constant 528 : index
        %get3A_1341 = tpu.vector_load %arg6[%get3A_1339, %get3A_1340] {strides = array<i32>} : memref<16x1024xf32, #tpu.memory_space<vmem>>, vector<1x16xf32>,
        %get3A_1342 = vector.shape_cast %get3A_1341 : vector<1x16xf32> to vector<16xf32>
        %mul3A_1343 = arith.constant 4 : i32
        %mul3A_1344 = arith.muli %scan3A_20, %mul3A_1343 : i32
        %add3A_1345 = arith.constant 0 : i32
        %add3A_1346 = arith.addi %mul3A_1344, %add3A_1345 : i32
        %swap3A_1347 = arith.index_cast %add3A_1346 : i32 to index
        %swap3A_1348 = arith.constant 528 : index
        %swap3A_1349 = tpu.vector_load %arg5[%swap3A_1347, %swap3A_1348] {strides = array<i32>} : memref<64x1024xf32, #tpu.memory_space<vmem>>, vector<1x16xf32>,
        %swap3A_1350 = vector.shape_cast %swap3A_1349 : vector<1x16xf32> to vector<16xf32>
        %swap3A_1351 = vector.shape_cast %get3A_1342 : vector<16xf32> to vector<1x16xf32>
        tpu.vector_store %arg5[%swap3A_1347, %swap3A_1348], %swap3A_1351 {add = true, strides = array<i32>} : memref<64x1024xf32, #tpu.memory_space<vmem>>, vector<1x16xf32>,
        %mul3A_1352 = arith.constant 4 : i32
        %mul3A_1353 = arith.muli %scan3A_20, %mul3A_1352 : i32
        %add3A_1354 = arith.constant 1 : i32
        %add3A_1355 = arith.addi %mul3A_1353, %add3A_1354 : i32
        %swap3A_1356 = arith.index_cast %add3A_1355 : i32 to index
        %swap3A_1357 = arith.constant 528 : index
        %swap3A_1358 = tpu.vector_load %arg5[%swap3A_1356, %swap3A_1357] {strides = array<i32>} : memref<64x1024xf32, #tpu.memory_space<vmem>>, vector<1x16xf32>,
        %swap3A_1359 = vector.shape_cast %swap3A_1358 : vector<1x16xf32> to vector<16xf32>
        %swap3A_1360 = vector.shape_cast %get3A_1342 : vector<16xf32> to vector<1x16xf32>
        tpu.vector_store %arg5[%swap3A_1356, %swap3A_1357], %swap3A_1360 {add = true, strides = array<i32>} : memref<64x1024xf32, #tpu.memory_space<vmem>>, vector<1x16xf32>,
        %mul3A_1361 = arith.constant 4 : i32
        %mul3A_1362 = arith.muli %scan3A_20, %mul3A_1361 : i32
        %add3A_1363 = arith.constant 2 : i32
        %add3A_1364 = arith.addi %mul3A_1362, %add3A_1363 : i32
        %swap3A_1365 = arith.index_cast %add3A_1364 : i32 to index
        %swap3A_1366 = arith.constant 528 : index
        %swap3A_1367 = tpu.vector_load %arg5[%swap3A_1365, %swap3A_1366] {strides = array<i32>} : memref<64x1024xf32, #tpu.memory_space<vmem>>, vector<1x16xf32>,
        %swap3A_1368 = vector.shape_cast %swap3A_1367 : vector<1x16xf32> to vector<16xf32>
        %swap3A_1369 = vector.shape_cast %get3A_1342 : vector<16xf32> to vector<1x16xf32>
        tpu.vector_store %arg5[%swap3A_1365, %swap3A_1366], %swap3A_1369 {add = true, strides = array<i32>} : memref<64x1024xf32, #tpu.memory_space<vmem>>, vector<1x16xf32>,
        %mul3A_1370 = arith.constant 4 : i32
        %mul3A_1371 = arith.muli %scan3A_20, %mul3A_1370 : i32
        %add3A_1372 = arith.constant 3 : i32
        %add3A_1373 = arith.addi %mul3A_1371, %add3A_1372 : i32
        %swap3A_1374 = arith.index_cast %add3A_1373 : i32 to index
        %swap3A_1375 = arith.constant 528 : index
        %swap3A_1376 = tpu.vector_load %arg5[%swap3A_1374, %swap3A_1375] {strides = array<i32>} : memref<64x1024xf32, #tpu.memory_space<vmem>>, vector<1x16xf32>,
        %swap3A_1377 = vector.shape_cast %swap3A_1376 : vector<1x16xf32> to vector<16xf32>
        %swap3A_1378 = vector.shape_cast %get3A_1342 : vector<16xf32> to vector<1x16xf32>
        tpu.vector_store %arg5[%swap3A_1374, %swap3A_1375], %swap3A_1378 {add = true, strides = array<i32>} : memref<64x1024xf32, #tpu.memory_space<vmem>>, vector<1x16xf32>,
        %get3A_1379 = arith.index_cast %scan3A_20 : i32 to index
        %get3A_1380 = arith.constant 544 : index
        %get3A_1381 = tpu.vector_load %arg6[%get3A_1379, %get3A_1380] {strides = array<i32>} : memref<16x1024xf32, #tpu.memory_space<vmem>>, vector<1x16xf32>,
        %get3A_1382 = vector.shape_cast %get3A_1381 : vector<1x16xf32> to vector<16xf32>
        %mul3A_1383 = arith.constant 4 : i32
        %mul3A_1384 = arith.muli %scan3A_20, %mul3A_1383 : i32
        %add3A_1385 = arith.constant 0 : i32
        %add3A_1386 = arith.addi %mul3A_1384, %add3A_1385 : i32
        %swap3A_1387 = arith.index_cast %add3A_1386 : i32 to index
        %swap3A_1388 = arith.constant 544 : index
        %swap3A_1389 = tpu.vector_load %arg5[%swap3A_1387, %swap3A_1388] {strides = array<i32>} : memref<64x1024xf32, #tpu.memory_space<vmem>>, vector<1x16xf32>,
        %swap3A_1390 = vector.shape_cast %swap3A_1389 : vector<1x16xf32> to vector<16xf32>
        %swap3A_1391 = vector.shape_cast %get3A_1382 : vector<16xf32> to vector<1x16xf32>
        tpu.vector_store %arg5[%swap3A_1387, %swap3A_1388], %swap3A_1391 {add = true, strides = array<i32>} : memref<64x1024xf32, #tpu.memory_space<vmem>>, vector<1x16xf32>,
        %mul3A_1392 = arith.constant 4 : i32
        %mul3A_1393 = arith.muli %scan3A_20, %mul3A_1392 : i32
        %add3A_1394 = arith.constant 1 : i32
        %add3A_1395 = arith.addi %mul3A_1393, %add3A_1394 : i32
        %swap3A_1396 = arith.index_cast %add3A_1395 : i32 to index
        %swap3A_1397 = arith.constant 544 : index
        %swap3A_1398 = tpu.vector_load %arg5[%swap3A_1396, %swap3A_1397] {strides = array<i32>} : memref<64x1024xf32, #tpu.memory_space<vmem>>, vector<1x16xf32>,
        %swap3A_1399 = vector.shape_cast %swap3A_1398 : vector<1x16xf32> to vector<16xf32>
        %swap3A_1400 = vector.shape_cast %get3A_1382 : vector<16xf32> to vector<1x16xf32>
        tpu.vector_store %arg5[%swap3A_1396, %swap3A_1397], %swap3A_1400 {add = true, strides = array<i32>} : memref<64x1024xf32, #tpu.memory_space<vmem>>, vector<1x16xf32>,
        %mul3A_1401 = arith.constant 4 : i32
        %mul3A_1402 = arith.muli %scan3A_20, %mul3A_1401 : i32
        %add3A_1403 = arith.constant 2 : i32
        %add3A_1404 = arith.addi %mul3A_1402, %add3A_1403 : i32
        %swap3A_1405 = arith.index_cast %add3A_1404 : i32 to index
        %swap3A_1406 = arith.constant 544 : index
        %swap3A_1407 = tpu.vector_load %arg5[%swap3A_1405, %swap3A_1406] {strides = array<i32>} : memref<64x1024xf32, #tpu.memory_space<vmem>>, vector<1x16xf32>,
        %swap3A_1408 = vector.shape_cast %swap3A_1407 : vector<1x16xf32> to vector<16xf32>
        %swap3A_1409 = vector.shape_cast %get3A_1382 : vector<16xf32> to vector<1x16xf32>
        tpu.vector_store %arg5[%swap3A_1405, %swap3A_1406], %swap3A_1409 {add = true, strides = array<i32>} : memref<64x1024xf32, #tpu.memory_space<vmem>>, vector<1x16xf32>,
        %mul3A_1410 = arith.constant 4 : i32
        %mul3A_1411 = arith.muli %scan3A_20, %mul3A_1410 : i32
        %add3A_1412 = arith.constant 3 : i32
        %add3A_1413 = arith.addi %mul3A_1411, %add3A_1412 : i32
        %swap3A_1414 = arith.index_cast %add3A_1413 : i32 to index
        %swap3A_1415 = arith.constant 544 : index
        %swap3A_1416 = tpu.vector_load %arg5[%swap3A_1414, %swap3A_1415] {strides = array<i32>} : memref<64x1024xf32, #tpu.memory_space<vmem>>, vector<1x16xf32>,
        %swap3A_1417 = vector.shape_cast %swap3A_1416 : vector<1x16xf32> to vector<16xf32>
        %swap3A_1418 = vector.shape_cast %get3A_1382 : vector<16xf32> to vector<1x16xf32>
        tpu.vector_store %arg5[%swap3A_1414, %swap3A_1415], %swap3A_1418 {add = true, strides = array<i32>} : memref<64x1024xf32, #tpu.memory_space<vmem>>, vector<1x16xf32>,
        %get3A_1419 = arith.index_cast %scan3A_20 : i32 to index
        %get3A_1420 = arith.constant 560 : index
        %get3A_1421 = tpu.vector_load %arg6[%get3A_1419, %get3A_1420] {strides = array<i32>} : memref<16x1024xf32, #tpu.memory_space<vmem>>, vector<1x16xf32>,
        %get3A_1422 = vector.shape_cast %get3A_1421 : vector<1x16xf32> to vector<16xf32>
        %mul3A_1423 = arith.constant 4 : i32
        %mul3A_1424 = arith.muli %scan3A_20, %mul3A_1423 : i32
        %add3A_1425 = arith.constant 0 : i32
        %add3A_1426 = arith.addi %mul3A_1424, %add3A_1425 : i32
        %swap3A_1427 = arith.index_cast %add3A_1426 : i32 to index
        %swap3A_1428 = arith.constant 560 : index
        %swap3A_1429 = tpu.vector_load %arg5[%swap3A_1427, %swap3A_1428] {strides = array<i32>} : memref<64x1024xf32, #tpu.memory_space<vmem>>, vector<1x16xf32>,
        %swap3A_1430 = vector.shape_cast %swap3A_1429 : vector<1x16xf32> to vector<16xf32>
        %swap3A_1431 = vector.shape_cast %get3A_1422 : vector<16xf32> to vector<1x16xf32>
        tpu.vector_store %arg5[%swap3A_1427, %swap3A_1428], %swap3A_1431 {add = true, strides = array<i32>} : memref<64x1024xf32, #tpu.memory_space<vmem>>, vector<1x16xf32>,
        %mul3A_1432 = arith.constant 4 : i32
        %mul3A_1433 = arith.muli %scan3A_20, %mul3A_1432 : i32
        %add3A_1434 = arith.constant 1 : i32
        %add3A_1435 = arith.addi %mul3A_1433, %add3A_1434 : i32
        %swap3A_1436 = arith.index_cast %add3A_1435 : i32 to index
        %swap3A_1437 = arith.constant 560 : index
        %swap3A_1438 = tpu.vector_load %arg5[%swap3A_1436, %swap3A_1437] {strides = array<i32>} : memref<64x1024xf32, #tpu.memory_space<vmem>>, vector<1x16xf32>,
        %swap3A_1439 = vector.shape_cast %swap3A_1438 : vector<1x16xf32> to vector<16xf32>
        %swap3A_1440 = vector.shape_cast %get3A_1422 : vector<16xf32> to vector<1x16xf32>
        tpu.vector_store %arg5[%swap3A_1436, %swap3A_1437], %swap3A_1440 {add = true, strides = array<i32>} : memref<64x1024xf32, #tpu.memory_space<vmem>>, vector<1x16xf32>,
        %mul3A_1441 = arith.constant 4 : i32
        %mul3A_1442 = arith.muli %scan3A_20, %mul3A_1441 : i32
        %add3A_1443 = arith.constant 2 : i32
        %add3A_1444 = arith.addi %mul3A_1442, %add3A_1443 : i32
        %swap3A_1445 = arith.index_cast %add3A_1444 : i32 to index
        %swap3A_1446 = arith.constant 560 : index
        %swap3A_1447 = tpu.vector_load %arg5[%swap3A_1445, %swap3A_1446] {strides = array<i32>} : memref<64x1024xf32, #tpu.memory_space<vmem>>, vector<1x16xf32>,
        %swap3A_1448 = vector.shape_cast %swap3A_1447 : vector<1x16xf32> to vector<16xf32>
        %swap3A_1449 = vector.shape_cast %get3A_1422 : vector<16xf32> to vector<1x16xf32>
        tpu.vector_store %arg5[%swap3A_1445, %swap3A_1446], %swap3A_1449 {add = true, strides = array<i32>} : memref<64x1024xf32, #tpu.memory_space<vmem>>, vector<1x16xf32>,
        %mul3A_1450 = arith.constant 4 : i32
        %mul3A_1451 = arith.muli %scan3A_20, %mul3A_1450 : i32
        %add3A_1452 = arith.constant 3 : i32
        %add3A_1453 = arith.addi %mul3A_1451, %add3A_1452 : i32
        %swap3A_1454 = arith.index_cast %add3A_1453 : i32 to index
        %swap3A_1455 = arith.constant 560 : index
        %swap3A_1456 = tpu.vector_load %arg5[%swap3A_1454, %swap3A_1455] {strides = array<i32>} : memref<64x1024xf32, #tpu.memory_space<vmem>>, vector<1x16xf32>,
        %swap3A_1457 = vector.shape_cast %swap3A_1456 : vector<1x16xf32> to vector<16xf32>
        %swap3A_1458 = vector.shape_cast %get3A_1422 : vector<16xf32> to vector<1x16xf32>
        tpu.vector_store %arg5[%swap3A_1454, %swap3A_1455], %swap3A_1458 {add = true, strides = array<i32>} : memref<64x1024xf32, #tpu.memory_space<vmem>>, vector<1x16xf32>,
        %get3A_1459 = arith.index_cast %scan3A_20 : i32 to index
        %get3A_1460 = arith.constant 576 : index
        %get3A_1461 = tpu.vector_load %arg6[%get3A_1459, %get3A_1460] {strides = array<i32>} : memref<16x1024xf32, #tpu.memory_space<vmem>>, vector<1x16xf32>,
        %get3A_1462 = vector.shape_cast %get3A_1461 : vector<1x16xf32> to vector<16xf32>
        %mul3A_1463 = arith.constant 4 : i32
        %mul3A_1464 = arith.muli %scan3A_20, %mul3A_1463 : i32
        %add3A_1465 = arith.constant 0 : i32
        %add3A_1466 = arith.addi %mul3A_1464, %add3A_1465 : i32
        %swap3A_1467 = arith.index_cast %add3A_1466 : i32 to index
        %swap3A_1468 = arith.constant 576 : index
        %swap3A_1469 = tpu.vector_load %arg5[%swap3A_1467, %swap3A_1468] {strides = array<i32>} : memref<64x1024xf32, #tpu.memory_space<vmem>>, vector<1x16xf32>,
        %swap3A_1470 = vector.shape_cast %swap3A_1469 : vector<1x16xf32> to vector<16xf32>
        %swap3A_1471 = vector.shape_cast %get3A_1462 : vector<16xf32> to vector<1x16xf32>
        tpu.vector_store %arg5[%swap3A_1467, %swap3A_1468], %swap3A_1471 {add = true, strides = array<i32>} : memref<64x1024xf32, #tpu.memory_space<vmem>>, vector<1x16xf32>,
        %mul3A_1472 = arith.constant 4 : i32
        %mul3A_1473 = arith.muli %scan3A_20, %mul3A_1472 : i32
        %add3A_1474 = arith.constant 1 : i32
        %add3A_1475 = arith.addi %mul3A_1473, %add3A_1474 : i32
        %swap3A_1476 = arith.index_cast %add3A_1475 : i32 to index
        %swap3A_1477 = arith.constant 576 : index
        %swap3A_1478 = tpu.vector_load %arg5[%swap3A_1476, %swap3A_1477] {strides = array<i32>} : memref<64x1024xf32, #tpu.memory_space<vmem>>, vector<1x16xf32>,
        %swap3A_1479 = vector.shape_cast %swap3A_1478 : vector<1x16xf32> to vector<16xf32>
        %swap3A_1480 = vector.shape_cast %get3A_1462 : vector<16xf32> to vector<1x16xf32>
        tpu.vector_store %arg5[%swap3A_1476, %swap3A_1477], %swap3A_1480 {add = true, strides = array<i32>} : memref<64x1024xf32, #tpu.memory_space<vmem>>, vector<1x16xf32>,
        %mul3A_1481 = arith.constant 4 : i32
        %mul3A_1482 = arith.muli %scan3A_20, %mul3A_1481 : i32
        %add3A_1483 = arith.constant 2 : i32
        %add3A_1484 = arith.addi %mul3A_1482, %add3A_1483 : i32
        %swap3A_1485 = arith.index_cast %add3A_1484 : i32 to index
        %swap3A_1486 = arith.constant 576 : index
        %swap3A_1487 = tpu.vector_load %arg5[%swap3A_1485, %swap3A_1486] {strides = array<i32>} : memref<64x1024xf32, #tpu.memory_space<vmem>>, vector<1x16xf32>,
        %swap3A_1488 = vector.shape_cast %swap3A_1487 : vector<1x16xf32> to vector<16xf32>
        %swap3A_1489 = vector.shape_cast %get3A_1462 : vector<16xf32> to vector<1x16xf32>
        tpu.vector_store %arg5[%swap3A_1485, %swap3A_1486], %swap3A_1489 {add = true, strides = array<i32>} : memref<64x1024xf32, #tpu.memory_space<vmem>>, vector<1x16xf32>,
        %mul3A_1490 = arith.constant 4 : i32
        %mul3A_1491 = arith.muli %scan3A_20, %mul3A_1490 : i32
        %add3A_1492 = arith.constant 3 : i32
        %add3A_1493 = arith.addi %mul3A_1491, %add3A_1492 : i32
        %swap3A_1494 = arith.index_cast %add3A_1493 : i32 to index
        %swap3A_1495 = arith.constant 576 : index
        %swap3A_1496 = tpu.vector_load %arg5[%swap3A_1494, %swap3A_1495] {strides = array<i32>} : memref<64x1024xf32, #tpu.memory_space<vmem>>, vector<1x16xf32>,
        %swap3A_1497 = vector.shape_cast %swap3A_1496 : vector<1x16xf32> to vector<16xf32>
        %swap3A_1498 = vector.shape_cast %get3A_1462 : vector<16xf32> to vector<1x16xf32>
        tpu.vector_store %arg5[%swap3A_1494, %swap3A_1495], %swap3A_1498 {add = true, strides = array<i32>} : memref<64x1024xf32, #tpu.memory_space<vmem>>, vector<1x16xf32>,
        %get3A_1499 = arith.index_cast %scan3A_20 : i32 to index
        %get3A_1500 = arith.constant 592 : index
        %get3A_1501 = tpu.vector_load %arg6[%get3A_1499, %get3A_1500] {strides = array<i32>} : memref<16x1024xf32, #tpu.memory_space<vmem>>, vector<1x16xf32>,
        %get3A_1502 = vector.shape_cast %get3A_1501 : vector<1x16xf32> to vector<16xf32>
        %mul3A_1503 = arith.constant 4 : i32
        %mul3A_1504 = arith.muli %scan3A_20, %mul3A_1503 : i32
        %add3A_1505 = arith.constant 0 : i32
        %add3A_1506 = arith.addi %mul3A_1504, %add3A_1505 : i32
        %swap3A_1507 = arith.index_cast %add3A_1506 : i32 to index
        %swap3A_1508 = arith.constant 592 : index
        %swap3A_1509 = tpu.vector_load %arg5[%swap3A_1507, %swap3A_1508] {strides = array<i32>} : memref<64x1024xf32, #tpu.memory_space<vmem>>, vector<1x16xf32>,
        %swap3A_1510 = vector.shape_cast %swap3A_1509 : vector<1x16xf32> to vector<16xf32>
        %swap3A_1511 = vector.shape_cast %get3A_1502 : vector<16xf32> to vector<1x16xf32>
        tpu.vector_store %arg5[%swap3A_1507, %swap3A_1508], %swap3A_1511 {add = true, strides = array<i32>} : memref<64x1024xf32, #tpu.memory_space<vmem>>, vector<1x16xf32>,
        %mul3A_1512 = arith.constant 4 : i32
        %mul3A_1513 = arith.muli %scan3A_20, %mul3A_1512 : i32
        %add3A_1514 = arith.constant 1 : i32
        %add3A_1515 = arith.addi %mul3A_1513, %add3A_1514 : i32
        %swap3A_1516 = arith.index_cast %add3A_1515 : i32 to index
        %swap3A_1517 = arith.constant 592 : index
        %swap3A_1518 = tpu.vector_load %arg5[%swap3A_1516, %swap3A_1517] {strides = array<i32>} : memref<64x1024xf32, #tpu.memory_space<vmem>>, vector<1x16xf32>,
        %swap3A_1519 = vector.shape_cast %swap3A_1518 : vector<1x16xf32> to vector<16xf32>
        %swap3A_1520 = vector.shape_cast %get3A_1502 : vector<16xf32> to vector<1x16xf32>
        tpu.vector_store %arg5[%swap3A_1516, %swap3A_1517], %swap3A_1520 {add = true, strides = array<i32>} : memref<64x1024xf32, #tpu.memory_space<vmem>>, vector<1x16xf32>,
        %mul3A_1521 = arith.constant 4 : i32
        %mul3A_1522 = arith.muli %scan3A_20, %mul3A_1521 : i32
        %add3A_1523 = arith.constant 2 : i32
        %add3A_1524 = arith.addi %mul3A_1522, %add3A_1523 : i32
        %swap3A_1525 = arith.index_cast %add3A_1524 : i32 to index
        %swap3A_1526 = arith.constant 592 : index
        %swap3A_1527 = tpu.vector_load %arg5[%swap3A_1525, %swap3A_1526] {strides = array<i32>} : memref<64x1024xf32, #tpu.memory_space<vmem>>, vector<1x16xf32>,
        %swap3A_1528 = vector.shape_cast %swap3A_1527 : vector<1x16xf32> to vector<16xf32>
        %swap3A_1529 = vector.shape_cast %get3A_1502 : vector<16xf32> to vector<1x16xf32>
        tpu.vector_store %arg5[%swap3A_1525, %swap3A_1526], %swap3A_1529 {add = true, strides = array<i32>} : memref<64x1024xf32, #tpu.memory_space<vmem>>, vector<1x16xf32>,
        %mul3A_1530 = arith.constant 4 : i32
        %mul3A_1531 = arith.muli %scan3A_20, %mul3A_1530 : i32
        %add3A_1532 = arith.constant 3 : i32
        %add3A_1533 = arith.addi %mul3A_1531, %add3A_1532 : i32
        %swap3A_1534 = arith.index_cast %add3A_1533 : i32 to index
        %swap3A_1535 = arith.constant 592 : index
        %swap3A_1536 = tpu.vector_load %arg5[%swap3A_1534, %swap3A_1535] {strides = array<i32>} : memref<64x1024xf32, #tpu.memory_space<vmem>>, vector<1x16xf32>,
        %swap3A_1537 = vector.shape_cast %swap3A_1536 : vector<1x16xf32> to vector<16xf32>
        %swap3A_1538 = vector.shape_cast %get3A_1502 : vector<16xf32> to vector<1x16xf32>
        tpu.vector_store %arg5[%swap3A_1534, %swap3A_1535], %swap3A_1538 {add = true, strides = array<i32>} : memref<64x1024xf32, #tpu.memory_space<vmem>>, vector<1x16xf32>,
        %get3A_1539 = arith.index_cast %scan3A_20 : i32 to index
        %get3A_1540 = arith.constant 608 : index
        %get3A_1541 = tpu.vector_load %arg6[%get3A_1539, %get3A_1540] {strides = array<i32>} : memref<16x1024xf32, #tpu.memory_space<vmem>>, vector<1x16xf32>,
        %get3A_1542 = vector.shape_cast %get3A_1541 : vector<1x16xf32> to vector<16xf32>
        %mul3A_1543 = arith.constant 4 : i32
        %mul3A_1544 = arith.muli %scan3A_20, %mul3A_1543 : i32
        %add3A_1545 = arith.constant 0 : i32
        %add3A_1546 = arith.addi %mul3A_1544, %add3A_1545 : i32
        %swap3A_1547 = arith.index_cast %add3A_1546 : i32 to index
        %swap3A_1548 = arith.constant 608 : index
        %swap3A_1549 = tpu.vector_load %arg5[%swap3A_1547, %swap3A_1548] {strides = array<i32>} : memref<64x1024xf32, #tpu.memory_space<vmem>>, vector<1x16xf32>,
        %swap3A_1550 = vector.shape_cast %swap3A_1549 : vector<1x16xf32> to vector<16xf32>
        %swap3A_1551 = vector.shape_cast %get3A_1542 : vector<16xf32> to vector<1x16xf32>
        tpu.vector_store %arg5[%swap3A_1547, %swap3A_1548], %swap3A_1551 {add = true, strides = array<i32>} : memref<64x1024xf32, #tpu.memory_space<vmem>>, vector<1x16xf32>,
        %mul3A_1552 = arith.constant 4 : i32
        %mul3A_1553 = arith.muli %scan3A_20, %mul3A_1552 : i32
        %add3A_1554 = arith.constant 1 : i32
        %add3A_1555 = arith.addi %mul3A_1553, %add3A_1554 : i32
        %swap3A_1556 = arith.index_cast %add3A_1555 : i32 to index
        %swap3A_1557 = arith.constant 608 : index
        %swap3A_1558 = tpu.vector_load %arg5[%swap3A_1556, %swap3A_1557] {strides = array<i32>} : memref<64x1024xf32, #tpu.memory_space<vmem>>, vector<1x16xf32>,
        %swap3A_1559 = vector.shape_cast %swap3A_1558 : vector<1x16xf32> to vector<16xf32>
        %swap3A_1560 = vector.shape_cast %get3A_1542 : vector<16xf32> to vector<1x16xf32>
        tpu.vector_store %arg5[%swap3A_1556, %swap3A_1557], %swap3A_1560 {add = true, strides = array<i32>} : memref<64x1024xf32, #tpu.memory_space<vmem>>, vector<1x16xf32>,
        %mul3A_1561 = arith.constant 4 : i32
        %mul3A_1562 = arith.muli %scan3A_20, %mul3A_1561 : i32
        %add3A_1563 = arith.constant 2 : i32
        %add3A_1564 = arith.addi %mul3A_1562, %add3A_1563 : i32
        %swap3A_1565 = arith.index_cast %add3A_1564 : i32 to index
        %swap3A_1566 = arith.constant 608 : index
        %swap3A_1567 = tpu.vector_load %arg5[%swap3A_1565, %swap3A_1566] {strides = array<i32>} : memref<64x1024xf32, #tpu.memory_space<vmem>>, vector<1x16xf32>,
        %swap3A_1568 = vector.shape_cast %swap3A_1567 : vector<1x16xf32> to vector<16xf32>
        %swap3A_1569 = vector.shape_cast %get3A_1542 : vector<16xf32> to vector<1x16xf32>
        tpu.vector_store %arg5[%swap3A_1565, %swap3A_1566], %swap3A_1569 {add = true, strides = array<i32>} : memref<64x1024xf32, #tpu.memory_space<vmem>>, vector<1x16xf32>,
        %mul3A_1570 = arith.constant 4 : i32
        %mul3A_1571 = arith.muli %scan3A_20, %mul3A_1570 : i32
        %add3A_1572 = arith.constant 3 : i32
        %add3A_1573 = arith.addi %mul3A_1571, %add3A_1572 : i32
        %swap3A_1574 = arith.index_cast %add3A_1573 : i32 to index
        %swap3A_1575 = arith.constant 608 : index
        %swap3A_1576 = tpu.vector_load %arg5[%swap3A_1574, %swap3A_1575] {strides = array<i32>} : memref<64x1024xf32, #tpu.memory_space<vmem>>, vector<1x16xf32>,
        %swap3A_1577 = vector.shape_cast %swap3A_1576 : vector<1x16xf32> to vector<16xf32>
        %swap3A_1578 = vector.shape_cast %get3A_1542 : vector<16xf32> to vector<1x16xf32>
        tpu.vector_store %arg5[%swap3A_1574, %swap3A_1575], %swap3A_1578 {add = true, strides = array<i32>} : memref<64x1024xf32, #tpu.memory_space<vmem>>, vector<1x16xf32>,
        %get3A_1579 = arith.index_cast %scan3A_20 : i32 to index
        %get3A_1580 = arith.constant 624 : index
        %get3A_1581 = tpu.vector_load %arg6[%get3A_1579, %get3A_1580] {strides = array<i32>} : memref<16x1024xf32, #tpu.memory_space<vmem>>, vector<1x16xf32>,
        %get3A_1582 = vector.shape_cast %get3A_1581 : vector<1x16xf32> to vector<16xf32>
        %mul3A_1583 = arith.constant 4 : i32
        %mul3A_1584 = arith.muli %scan3A_20, %mul3A_1583 : i32
        %add3A_1585 = arith.constant 0 : i32
        %add3A_1586 = arith.addi %mul3A_1584, %add3A_1585 : i32
        %swap3A_1587 = arith.index_cast %add3A_1586 : i32 to index
        %swap3A_1588 = arith.constant 624 : index
        %swap3A_1589 = tpu.vector_load %arg5[%swap3A_1587, %swap3A_1588] {strides = array<i32>} : memref<64x1024xf32, #tpu.memory_space<vmem>>, vector<1x16xf32>,
        %swap3A_1590 = vector.shape_cast %swap3A_1589 : vector<1x16xf32> to vector<16xf32>
        %swap3A_1591 = vector.shape_cast %get3A_1582 : vector<16xf32> to vector<1x16xf32>
        tpu.vector_store %arg5[%swap3A_1587, %swap3A_1588], %swap3A_1591 {add = true, strides = array<i32>} : memref<64x1024xf32, #tpu.memory_space<vmem>>, vector<1x16xf32>,
        %mul3A_1592 = arith.constant 4 : i32
        %mul3A_1593 = arith.muli %scan3A_20, %mul3A_1592 : i32
        %add3A_1594 = arith.constant 1 : i32
        %add3A_1595 = arith.addi %mul3A_1593, %add3A_1594 : i32
        %swap3A_1596 = arith.index_cast %add3A_1595 : i32 to index
        %swap3A_1597 = arith.constant 624 : index
        %swap3A_1598 = tpu.vector_load %arg5[%swap3A_1596, %swap3A_1597] {strides = array<i32>} : memref<64x1024xf32, #tpu.memory_space<vmem>>, vector<1x16xf32>,
        %swap3A_1599 = vector.shape_cast %swap3A_1598 : vector<1x16xf32> to vector<16xf32>
        %swap3A_1600 = vector.shape_cast %get3A_1582 : vector<16xf32> to vector<1x16xf32>
        tpu.vector_store %arg5[%swap3A_1596, %swap3A_1597], %swap3A_1600 {add = true, strides = array<i32>} : memref<64x1024xf32, #tpu.memory_space<vmem>>, vector<1x16xf32>,
        %mul3A_1601 = arith.constant 4 : i32
        %mul3A_1602 = arith.muli %scan3A_20, %mul3A_1601 : i32
        %add3A_1603 = arith.constant 2 : i32
        %add3A_1604 = arith.addi %mul3A_1602, %add3A_1603 : i32
        %swap3A_1605 = arith.index_cast %add3A_1604 : i32 to index
        %swap3A_1606 = arith.constant 624 : index
        %swap3A_1607 = tpu.vector_load %arg5[%swap3A_1605, %swap3A_1606] {strides = array<i32>} : memref<64x1024xf32, #tpu.memory_space<vmem>>, vector<1x16xf32>,
        %swap3A_1608 = vector.shape_cast %swap3A_1607 : vector<1x16xf32> to vector<16xf32>
        %swap3A_1609 = vector.shape_cast %get3A_1582 : vector<16xf32> to vector<1x16xf32>
        tpu.vector_store %arg5[%swap3A_1605, %swap3A_1606], %swap3A_1609 {add = true, strides = array<i32>} : memref<64x1024xf32, #tpu.memory_space<vmem>>, vector<1x16xf32>,
        %mul3A_1610 = arith.constant 4 : i32
        %mul3A_1611 = arith.muli %scan3A_20, %mul3A_1610 : i32
        %add3A_1612 = arith.constant 3 : i32
        %add3A_1613 = arith.addi %mul3A_1611, %add3A_1612 : i32
        %swap3A_1614 = arith.index_cast %add3A_1613 : i32 to index
        %swap3A_1615 = arith.constant 624 : index
        %swap3A_1616 = tpu.vector_load %arg5[%swap3A_1614, %swap3A_1615] {strides = array<i32>} : memref<64x1024xf32, #tpu.memory_space<vmem>>, vector<1x16xf32>,
        %swap3A_1617 = vector.shape_cast %swap3A_1616 : vector<1x16xf32> to vector<16xf32>
        %swap3A_1618 = vector.shape_cast %get3A_1582 : vector<16xf32> to vector<1x16xf32>
        tpu.vector_store %arg5[%swap3A_1614, %swap3A_1615], %swap3A_1618 {add = true, strides = array<i32>} : memref<64x1024xf32, #tpu.memory_space<vmem>>, vector<1x16xf32>,
        %get3A_1619 = arith.index_cast %scan3A_20 : i32 to index
        %get3A_1620 = arith.constant 640 : index
        %get3A_1621 = tpu.vector_load %arg6[%get3A_1619, %get3A_1620] {strides = array<i32>} : memref<16x1024xf32, #tpu.memory_space<vmem>>, vector<1x16xf32>,
        %get3A_1622 = vector.shape_cast %get3A_1621 : vector<1x16xf32> to vector<16xf32>
        %mul3A_1623 = arith.constant 4 : i32
        %mul3A_1624 = arith.muli %scan3A_20, %mul3A_1623 : i32
        %add3A_1625 = arith.constant 0 : i32
        %add3A_1626 = arith.addi %mul3A_1624, %add3A_1625 : i32
        %swap3A_1627 = arith.index_cast %add3A_1626 : i32 to index
        %swap3A_1628 = arith.constant 640 : index
        %swap3A_1629 = tpu.vector_load %arg5[%swap3A_1627, %swap3A_1628] {strides = array<i32>} : memref<64x1024xf32, #tpu.memory_space<vmem>>, vector<1x16xf32>,
        %swap3A_1630 = vector.shape_cast %swap3A_1629 : vector<1x16xf32> to vector<16xf32>
        %swap3A_1631 = vector.shape_cast %get3A_1622 : vector<16xf32> to vector<1x16xf32>
        tpu.vector_store %arg5[%swap3A_1627, %swap3A_1628], %swap3A_1631 {add = true, strides = array<i32>} : memref<64x1024xf32, #tpu.memory_space<vmem>>, vector<1x16xf32>,
        %mul3A_1632 = arith.constant 4 : i32
        %mul3A_1633 = arith.muli %scan3A_20, %mul3A_1632 : i32
        %add3A_1634 = arith.constant 1 : i32
        %add3A_1635 = arith.addi %mul3A_1633, %add3A_1634 : i32
        %swap3A_1636 = arith.index_cast %add3A_1635 : i32 to index
        %swap3A_1637 = arith.constant 640 : index
        %swap3A_1638 = tpu.vector_load %arg5[%swap3A_1636, %swap3A_1637] {strides = array<i32>} : memref<64x1024xf32, #tpu.memory_space<vmem>>, vector<1x16xf32>,
        %swap3A_1639 = vector.shape_cast %swap3A_1638 : vector<1x16xf32> to vector<16xf32>
        %swap3A_1640 = vector.shape_cast %get3A_1622 : vector<16xf32> to vector<1x16xf32>
        tpu.vector_store %arg5[%swap3A_1636, %swap3A_1637], %swap3A_1640 {add = true, strides = array<i32>} : memref<64x1024xf32, #tpu.memory_space<vmem>>, vector<1x16xf32>,
        %mul3A_1641 = arith.constant 4 : i32
        %mul3A_1642 = arith.muli %scan3A_20, %mul3A_1641 : i32
        %add3A_1643 = arith.constant 2 : i32
        %add3A_1644 = arith.addi %mul3A_1642, %add3A_1643 : i32
        %swap3A_1645 = arith.index_cast %add3A_1644 : i32 to index
        %swap3A_1646 = arith.constant 640 : index
        %swap3A_1647 = tpu.vector_load %arg5[%swap3A_1645, %swap3A_1646] {strides = array<i32>} : memref<64x1024xf32, #tpu.memory_space<vmem>>, vector<1x16xf32>,
        %swap3A_1648 = vector.shape_cast %swap3A_1647 : vector<1x16xf32> to vector<16xf32>
        %swap3A_1649 = vector.shape_cast %get3A_1622 : vector<16xf32> to vector<1x16xf32>
        tpu.vector_store %arg5[%swap3A_1645, %swap3A_1646], %swap3A_1649 {add = true, strides = array<i32>} : memref<64x1024xf32, #tpu.memory_space<vmem>>, vector<1x16xf32>,
        %mul3A_1650 = arith.constant 4 : i32
        %mul3A_1651 = arith.muli %scan3A_20, %mul3A_1650 : i32
        %add3A_1652 = arith.constant 3 : i32
        %add3A_1653 = arith.addi %mul3A_1651, %add3A_1652 : i32
        %swap3A_1654 = arith.index_cast %add3A_1653 : i32 to index
        %swap3A_1655 = arith.constant 640 : index
        %swap3A_1656 = tpu.vector_load %arg5[%swap3A_1654, %swap3A_1655] {strides = array<i32>} : memref<64x1024xf32, #tpu.memory_space<vmem>>, vector<1x16xf32>,
        %swap3A_1657 = vector.shape_cast %swap3A_1656 : vector<1x16xf32> to vector<16xf32>
        %swap3A_1658 = vector.shape_cast %get3A_1622 : vector<16xf32> to vector<1x16xf32>
        tpu.vector_store %arg5[%swap3A_1654, %swap3A_1655], %swap3A_1658 {add = true, strides = array<i32>} : memref<64x1024xf32, #tpu.memory_space<vmem>>, vector<1x16xf32>,
        %get3A_1659 = arith.index_cast %scan3A_20 : i32 to index
        %get3A_1660 = arith.constant 656 : index
        %get3A_1661 = tpu.vector_load %arg6[%get3A_1659, %get3A_1660] {strides = array<i32>} : memref<16x1024xf32, #tpu.memory_space<vmem>>, vector<1x16xf32>,
        %get3A_1662 = vector.shape_cast %get3A_1661 : vector<1x16xf32> to vector<16xf32>
        %mul3A_1663 = arith.constant 4 : i32
        %mul3A_1664 = arith.muli %scan3A_20, %mul3A_1663 : i32
        %add3A_1665 = arith.constant 0 : i32
        %add3A_1666 = arith.addi %mul3A_1664, %add3A_1665 : i32
        %swap3A_1667 = arith.index_cast %add3A_1666 : i32 to index
        %swap3A_1668 = arith.constant 656 : index
        %swap3A_1669 = tpu.vector_load %arg5[%swap3A_1667, %swap3A_1668] {strides = array<i32>} : memref<64x1024xf32, #tpu.memory_space<vmem>>, vector<1x16xf32>,
        %swap3A_1670 = vector.shape_cast %swap3A_1669 : vector<1x16xf32> to vector<16xf32>
        %swap3A_1671 = vector.shape_cast %get3A_1662 : vector<16xf32> to vector<1x16xf32>
        tpu.vector_store %arg5[%swap3A_1667, %swap3A_1668], %swap3A_1671 {add = true, strides = array<i32>} : memref<64x1024xf32, #tpu.memory_space<vmem>>, vector<1x16xf32>,
        %mul3A_1672 = arith.constant 4 : i32
        %mul3A_1673 = arith.muli %scan3A_20, %mul3A_1672 : i32
        %add3A_1674 = arith.constant 1 : i32
        %add3A_1675 = arith.addi %mul3A_1673, %add3A_1674 : i32
        %swap3A_1676 = arith.index_cast %add3A_1675 : i32 to index
        %swap3A_1677 = arith.constant 656 : index
        %swap3A_1678 = tpu.vector_load %arg5[%swap3A_1676, %swap3A_1677] {strides = array<i32>} : memref<64x1024xf32, #tpu.memory_space<vmem>>, vector<1x16xf32>,
        %swap3A_1679 = vector.shape_cast %swap3A_1678 : vector<1x16xf32> to vector<16xf32>
        %swap3A_1680 = vector.shape_cast %get3A_1662 : vector<16xf32> to vector<1x16xf32>
        tpu.vector_store %arg5[%swap3A_1676, %swap3A_1677], %swap3A_1680 {add = true, strides = array<i32>} : memref<64x1024xf32, #tpu.memory_space<vmem>>, vector<1x16xf32>,
        %mul3A_1681 = arith.constant 4 : i32
        %mul3A_1682 = arith.muli %scan3A_20, %mul3A_1681 : i32
        %add3A_1683 = arith.constant 2 : i32
        %add3A_1684 = arith.addi %mul3A_1682, %add3A_1683 : i32
        %swap3A_1685 = arith.index_cast %add3A_1684 : i32 to index
        %swap3A_1686 = arith.constant 656 : index
        %swap3A_1687 = tpu.vector_load %arg5[%swap3A_1685, %swap3A_1686] {strides = array<i32>} : memref<64x1024xf32, #tpu.memory_space<vmem>>, vector<1x16xf32>,
        %swap3A_1688 = vector.shape_cast %swap3A_1687 : vector<1x16xf32> to vector<16xf32>
        %swap3A_1689 = vector.shape_cast %get3A_1662 : vector<16xf32> to vector<1x16xf32>
        tpu.vector_store %arg5[%swap3A_1685, %swap3A_1686], %swap3A_1689 {add = true, strides = array<i32>} : memref<64x1024xf32, #tpu.memory_space<vmem>>, vector<1x16xf32>,
        %mul3A_1690 = arith.constant 4 : i32
        %mul3A_1691 = arith.muli %scan3A_20, %mul3A_1690 : i32
        %add3A_1692 = arith.constant 3 : i32
        %add3A_1693 = arith.addi %mul3A_1691, %add3A_1692 : i32
        %swap3A_1694 = arith.index_cast %add3A_1693 : i32 to index
        %swap3A_1695 = arith.constant 656 : index
        %swap3A_1696 = tpu.vector_load %arg5[%swap3A_1694, %swap3A_1695] {strides = array<i32>} : memref<64x1024xf32, #tpu.memory_space<vmem>>, vector<1x16xf32>,
        %swap3A_1697 = vector.shape_cast %swap3A_1696 : vector<1x16xf32> to vector<16xf32>
        %swap3A_1698 = vector.shape_cast %get3A_1662 : vector<16xf32> to vector<1x16xf32>
        tpu.vector_store %arg5[%swap3A_1694, %swap3A_1695], %swap3A_1698 {add = true, strides = array<i32>} : memref<64x1024xf32, #tpu.memory_space<vmem>>, vector<1x16xf32>,
        %get3A_1699 = arith.index_cast %scan3A_20 : i32 to index
        %get3A_1700 = arith.constant 672 : index
        %get3A_1701 = tpu.vector_load %arg6[%get3A_1699, %get3A_1700] {strides = array<i32>} : memref<16x1024xf32, #tpu.memory_space<vmem>>, vector<1x16xf32>,
        %get3A_1702 = vector.shape_cast %get3A_1701 : vector<1x16xf32> to vector<16xf32>
        %mul3A_1703 = arith.constant 4 : i32
        %mul3A_1704 = arith.muli %scan3A_20, %mul3A_1703 : i32
        %add3A_1705 = arith.constant 0 : i32
        %add3A_1706 = arith.addi %mul3A_1704, %add3A_1705 : i32
        %swap3A_1707 = arith.index_cast %add3A_1706 : i32 to index
        %swap3A_1708 = arith.constant 672 : index
        %swap3A_1709 = tpu.vector_load %arg5[%swap3A_1707, %swap3A_1708] {strides = array<i32>} : memref<64x1024xf32, #tpu.memory_space<vmem>>, vector<1x16xf32>,
        %swap3A_1710 = vector.shape_cast %swap3A_1709 : vector<1x16xf32> to vector<16xf32>
        %swap3A_1711 = vector.shape_cast %get3A_1702 : vector<16xf32> to vector<1x16xf32>
        tpu.vector_store %arg5[%swap3A_1707, %swap3A_1708], %swap3A_1711 {add = true, strides = array<i32>} : memref<64x1024xf32, #tpu.memory_space<vmem>>, vector<1x16xf32>,
        %mul3A_1712 = arith.constant 4 : i32
        %mul3A_1713 = arith.muli %scan3A_20, %mul3A_1712 : i32
        %add3A_1714 = arith.constant 1 : i32
        %add3A_1715 = arith.addi %mul3A_1713, %add3A_1714 : i32
        %swap3A_1716 = arith.index_cast %add3A_1715 : i32 to index
        %swap3A_1717 = arith.constant 672 : index
        %swap3A_1718 = tpu.vector_load %arg5[%swap3A_1716, %swap3A_1717] {strides = array<i32>} : memref<64x1024xf32, #tpu.memory_space<vmem>>, vector<1x16xf32>,
        %swap3A_1719 = vector.shape_cast %swap3A_1718 : vector<1x16xf32> to vector<16xf32>
        %swap3A_1720 = vector.shape_cast %get3A_1702 : vector<16xf32> to vector<1x16xf32>
        tpu.vector_store %arg5[%swap3A_1716, %swap3A_1717], %swap3A_1720 {add = true, strides = array<i32>} : memref<64x1024xf32, #tpu.memory_space<vmem>>, vector<1x16xf32>,
        %mul3A_1721 = arith.constant 4 : i32
        %mul3A_1722 = arith.muli %scan3A_20, %mul3A_1721 : i32
        %add3A_1723 = arith.constant 2 : i32
        %add3A_1724 = arith.addi %mul3A_1722, %add3A_1723 : i32
        %swap3A_1725 = arith.index_cast %add3A_1724 : i32 to index
        %swap3A_1726 = arith.constant 672 : index
        %swap3A_1727 = tpu.vector_load %arg5[%swap3A_1725, %swap3A_1726] {strides = array<i32>} : memref<64x1024xf32, #tpu.memory_space<vmem>>, vector<1x16xf32>,
        %swap3A_1728 = vector.shape_cast %swap3A_1727 : vector<1x16xf32> to vector<16xf32>
        %swap3A_1729 = vector.shape_cast %get3A_1702 : vector<16xf32> to vector<1x16xf32>
        tpu.vector_store %arg5[%swap3A_1725, %swap3A_1726], %swap3A_1729 {add = true, strides = array<i32>} : memref<64x1024xf32, #tpu.memory_space<vmem>>, vector<1x16xf32>,
        %mul3A_1730 = arith.constant 4 : i32
        %mul3A_1731 = arith.muli %scan3A_20, %mul3A_1730 : i32
        %add3A_1732 = arith.constant 3 : i32
        %add3A_1733 = arith.addi %mul3A_1731, %add3A_1732 : i32
        %swap3A_1734 = arith.index_cast %add3A_1733 : i32 to index
        %swap3A_1735 = arith.constant 672 : index
        %swap3A_1736 = tpu.vector_load %arg5[%swap3A_1734, %swap3A_1735] {strides = array<i32>} : memref<64x1024xf32, #tpu.memory_space<vmem>>, vector<1x16xf32>,
        %swap3A_1737 = vector.shape_cast %swap3A_1736 : vector<1x16xf32> to vector<16xf32>
        %swap3A_1738 = vector.shape_cast %get3A_1702 : vector<16xf32> to vector<1x16xf32>
        tpu.vector_store %arg5[%swap3A_1734, %swap3A_1735], %swap3A_1738 {add = true, strides = array<i32>} : memref<64x1024xf32, #tpu.memory_space<vmem>>, vector<1x16xf32>,
        %get3A_1739 = arith.index_cast %scan3A_20 : i32 to index
        %get3A_1740 = arith.constant 688 : index
        %get3A_1741 = tpu.vector_load %arg6[%get3A_1739, %get3A_1740] {strides = array<i32>} : memref<16x1024xf32, #tpu.memory_space<vmem>>, vector<1x16xf32>,
        %get3A_1742 = vector.shape_cast %get3A_1741 : vector<1x16xf32> to vector<16xf32>
        %mul3A_1743 = arith.constant 4 : i32
        %mul3A_1744 = arith.muli %scan3A_20, %mul3A_1743 : i32
        %add3A_1745 = arith.constant 0 : i32
        %add3A_1746 = arith.addi %mul3A_1744, %add3A_1745 : i32
        %swap3A_1747 = arith.index_cast %add3A_1746 : i32 to index
        %swap3A_1748 = arith.constant 688 : index
        %swap3A_1749 = tpu.vector_load %arg5[%swap3A_1747, %swap3A_1748] {strides = array<i32>} : memref<64x1024xf32, #tpu.memory_space<vmem>>, vector<1x16xf32>,
        %swap3A_1750 = vector.shape_cast %swap3A_1749 : vector<1x16xf32> to vector<16xf32>
        %swap3A_1751 = vector.shape_cast %get3A_1742 : vector<16xf32> to vector<1x16xf32>
        tpu.vector_store %arg5[%swap3A_1747, %swap3A_1748], %swap3A_1751 {add = true, strides = array<i32>} : memref<64x1024xf32, #tpu.memory_space<vmem>>, vector<1x16xf32>,
        %mul3A_1752 = arith.constant 4 : i32
        %mul3A_1753 = arith.muli %scan3A_20, %mul3A_1752 : i32
        %add3A_1754 = arith.constant 1 : i32
        %add3A_1755 = arith.addi %mul3A_1753, %add3A_1754 : i32
        %swap3A_1756 = arith.index_cast %add3A_1755 : i32 to index
        %swap3A_1757 = arith.constant 688 : index
        %swap3A_1758 = tpu.vector_load %arg5[%swap3A_1756, %swap3A_1757] {strides = array<i32>} : memref<64x1024xf32, #tpu.memory_space<vmem>>, vector<1x16xf32>,
        %swap3A_1759 = vector.shape_cast %swap3A_1758 : vector<1x16xf32> to vector<16xf32>
        %swap3A_1760 = vector.shape_cast %get3A_1742 : vector<16xf32> to vector<1x16xf32>
        tpu.vector_store %arg5[%swap3A_1756, %swap3A_1757], %swap3A_1760 {add = true, strides = array<i32>} : memref<64x1024xf32, #tpu.memory_space<vmem>>, vector<1x16xf32>,
        %mul3A_1761 = arith.constant 4 : i32
        %mul3A_1762 = arith.muli %scan3A_20, %mul3A_1761 : i32
        %add3A_1763 = arith.constant 2 : i32
        %add3A_1764 = arith.addi %mul3A_1762, %add3A_1763 : i32
        %swap3A_1765 = arith.index_cast %add3A_1764 : i32 to index
        %swap3A_1766 = arith.constant 688 : index
        %swap3A_1767 = tpu.vector_load %arg5[%swap3A_1765, %swap3A_1766] {strides = array<i32>} : memref<64x1024xf32, #tpu.memory_space<vmem>>, vector<1x16xf32>,
        %swap3A_1768 = vector.shape_cast %swap3A_1767 : vector<1x16xf32> to vector<16xf32>
        %swap3A_1769 = vector.shape_cast %get3A_1742 : vector<16xf32> to vector<1x16xf32>
        tpu.vector_store %arg5[%swap3A_1765, %swap3A_1766], %swap3A_1769 {add = true, strides = array<i32>} : memref<64x1024xf32, #tpu.memory_space<vmem>>, vector<1x16xf32>,
        %mul3A_1770 = arith.constant 4 : i32
        %mul3A_1771 = arith.muli %scan3A_20, %mul3A_1770 : i32
        %add3A_1772 = arith.constant 3 : i32
        %add3A_1773 = arith.addi %mul3A_1771, %add3A_1772 : i32
        %swap3A_1774 = arith.index_cast %add3A_1773 : i32 to index
        %swap3A_1775 = arith.constant 688 : index
        %swap3A_1776 = tpu.vector_load %arg5[%swap3A_1774, %swap3A_1775] {strides = array<i32>} : memref<64x1024xf32, #tpu.memory_space<vmem>>, vector<1x16xf32>,
        %swap3A_1777 = vector.shape_cast %swap3A_1776 : vector<1x16xf32> to vector<16xf32>
        %swap3A_1778 = vector.shape_cast %get3A_1742 : vector<16xf32> to vector<1x16xf32>
        tpu.vector_store %arg5[%swap3A_1774, %swap3A_1775], %swap3A_1778 {add = true, strides = array<i32>} : memref<64x1024xf32, #tpu.memory_space<vmem>>, vector<1x16xf32>,
        %get3A_1779 = arith.index_cast %scan3A_20 : i32 to index
        %get3A_1780 = arith.constant 704 : index
        %get3A_1781 = tpu.vector_load %arg6[%get3A_1779, %get3A_1780] {strides = array<i32>} : memref<16x1024xf32, #tpu.memory_space<vmem>>, vector<1x16xf32>,
        %get3A_1782 = vector.shape_cast %get3A_1781 : vector<1x16xf32> to vector<16xf32>
        %mul3A_1783 = arith.constant 4 : i32
        %mul3A_1784 = arith.muli %scan3A_20, %mul3A_1783 : i32
        %add3A_1785 = arith.constant 0 : i32
        %add3A_1786 = arith.addi %mul3A_1784, %add3A_1785 : i32
        %swap3A_1787 = arith.index_cast %add3A_1786 : i32 to index
        %swap3A_1788 = arith.constant 704 : index
        %swap3A_1789 = tpu.vector_load %arg5[%swap3A_1787, %swap3A_1788] {strides = array<i32>} : memref<64x1024xf32, #tpu.memory_space<vmem>>, vector<1x16xf32>,
        %swap3A_1790 = vector.shape_cast %swap3A_1789 : vector<1x16xf32> to vector<16xf32>
        %swap3A_1791 = vector.shape_cast %get3A_1782 : vector<16xf32> to vector<1x16xf32>
        tpu.vector_store %arg5[%swap3A_1787, %swap3A_1788], %swap3A_1791 {add = true, strides = array<i32>} : memref<64x1024xf32, #tpu.memory_space<vmem>>, vector<1x16xf32>,
        %mul3A_1792 = arith.constant 4 : i32
        %mul3A_1793 = arith.muli %scan3A_20, %mul3A_1792 : i32
        %add3A_1794 = arith.constant 1 : i32
        %add3A_1795 = arith.addi %mul3A_1793, %add3A_1794 : i32
        %swap3A_1796 = arith.index_cast %add3A_1795 : i32 to index
        %swap3A_1797 = arith.constant 704 : index
        %swap3A_1798 = tpu.vector_load %arg5[%swap3A_1796, %swap3A_1797] {strides = array<i32>} : memref<64x1024xf32, #tpu.memory_space<vmem>>, vector<1x16xf32>,
        %swap3A_1799 = vector.shape_cast %swap3A_1798 : vector<1x16xf32> to vector<16xf32>
        %swap3A_1800 = vector.shape_cast %get3A_1782 : vector<16xf32> to vector<1x16xf32>
        tpu.vector_store %arg5[%swap3A_1796, %swap3A_1797], %swap3A_1800 {add = true, strides = array<i32>} : memref<64x1024xf32, #tpu.memory_space<vmem>>, vector<1x16xf32>,
        %mul3A_1801 = arith.constant 4 : i32
        %mul3A_1802 = arith.muli %scan3A_20, %mul3A_1801 : i32
        %add3A_1803 = arith.constant 2 : i32
        %add3A_1804 = arith.addi %mul3A_1802, %add3A_1803 : i32
        %swap3A_1805 = arith.index_cast %add3A_1804 : i32 to index
        %swap3A_1806 = arith.constant 704 : index
        %swap3A_1807 = tpu.vector_load %arg5[%swap3A_1805, %swap3A_1806] {strides = array<i32>} : memref<64x1024xf32, #tpu.memory_space<vmem>>, vector<1x16xf32>,
        %swap3A_1808 = vector.shape_cast %swap3A_1807 : vector<1x16xf32> to vector<16xf32>
        %swap3A_1809 = vector.shape_cast %get3A_1782 : vector<16xf32> to vector<1x16xf32>
        tpu.vector_store %arg5[%swap3A_1805, %swap3A_1806], %swap3A_1809 {add = true, strides = array<i32>} : memref<64x1024xf32, #tpu.memory_space<vmem>>, vector<1x16xf32>,
        %mul3A_1810 = arith.constant 4 : i32
        %mul3A_1811 = arith.muli %scan3A_20, %mul3A_1810 : i32
        %add3A_1812 = arith.constant 3 : i32
        %add3A_1813 = arith.addi %mul3A_1811, %add3A_1812 : i32
        %swap3A_1814 = arith.index_cast %add3A_1813 : i32 to index
        %swap3A_1815 = arith.constant 704 : index
        %swap3A_1816 = tpu.vector_load %arg5[%swap3A_1814, %swap3A_1815] {strides = array<i32>} : memref<64x1024xf32, #tpu.memory_space<vmem>>, vector<1x16xf32>,
        %swap3A_1817 = vector.shape_cast %swap3A_1816 : vector<1x16xf32> to vector<16xf32>
        %swap3A_1818 = vector.shape_cast %get3A_1782 : vector<16xf32> to vector<1x16xf32>
        tpu.vector_store %arg5[%swap3A_1814, %swap3A_1815], %swap3A_1818 {add = true, strides = array<i32>} : memref<64x1024xf32, #tpu.memory_space<vmem>>, vector<1x16xf32>,
        %get3A_1819 = arith.index_cast %scan3A_20 : i32 to index
        %get3A_1820 = arith.constant 720 : index
        %get3A_1821 = tpu.vector_load %arg6[%get3A_1819, %get3A_1820] {strides = array<i32>} : memref<16x1024xf32, #tpu.memory_space<vmem>>, vector<1x16xf32>,
        %get3A_1822 = vector.shape_cast %get3A_1821 : vector<1x16xf32> to vector<16xf32>
        %mul3A_1823 = arith.constant 4 : i32
        %mul3A_1824 = arith.muli %scan3A_20, %mul3A_1823 : i32
        %add3A_1825 = arith.constant 0 : i32
        %add3A_1826 = arith.addi %mul3A_1824, %add3A_1825 : i32
        %swap3A_1827 = arith.index_cast %add3A_1826 : i32 to index
        %swap3A_1828 = arith.constant 720 : index
        %swap3A_1829 = tpu.vector_load %arg5[%swap3A_1827, %swap3A_1828] {strides = array<i32>} : memref<64x1024xf32, #tpu.memory_space<vmem>>, vector<1x16xf32>,
        %swap3A_1830 = vector.shape_cast %swap3A_1829 : vector<1x16xf32> to vector<16xf32>
        %swap3A_1831 = vector.shape_cast %get3A_1822 : vector<16xf32> to vector<1x16xf32>
        tpu.vector_store %arg5[%swap3A_1827, %swap3A_1828], %swap3A_1831 {add = true, strides = array<i32>} : memref<64x1024xf32, #tpu.memory_space<vmem>>, vector<1x16xf32>,
        %mul3A_1832 = arith.constant 4 : i32
        %mul3A_1833 = arith.muli %scan3A_20, %mul3A_1832 : i32
        %add3A_1834 = arith.constant 1 : i32
        %add3A_1835 = arith.addi %mul3A_1833, %add3A_1834 : i32
        %swap3A_1836 = arith.index_cast %add3A_1835 : i32 to index
        %swap3A_1837 = arith.constant 720 : index
        %swap3A_1838 = tpu.vector_load %arg5[%swap3A_1836, %swap3A_1837] {strides = array<i32>} : memref<64x1024xf32, #tpu.memory_space<vmem>>, vector<1x16xf32>,
        %swap3A_1839 = vector.shape_cast %swap3A_1838 : vector<1x16xf32> to vector<16xf32>
        %swap3A_1840 = vector.shape_cast %get3A_1822 : vector<16xf32> to vector<1x16xf32>
        tpu.vector_store %arg5[%swap3A_1836, %swap3A_1837], %swap3A_1840 {add = true, strides = array<i32>} : memref<64x1024xf32, #tpu.memory_space<vmem>>, vector<1x16xf32>,
        %mul3A_1841 = arith.constant 4 : i32
        %mul3A_1842 = arith.muli %scan3A_20, %mul3A_1841 : i32
        %add3A_1843 = arith.constant 2 : i32
        %add3A_1844 = arith.addi %mul3A_1842, %add3A_1843 : i32
        %swap3A_1845 = arith.index_cast %add3A_1844 : i32 to index
        %swap3A_1846 = arith.constant 720 : index
        %swap3A_1847 = tpu.vector_load %arg5[%swap3A_1845, %swap3A_1846] {strides = array<i32>} : memref<64x1024xf32, #tpu.memory_space<vmem>>, vector<1x16xf32>,
        %swap3A_1848 = vector.shape_cast %swap3A_1847 : vector<1x16xf32> to vector<16xf32>
        %swap3A_1849 = vector.shape_cast %get3A_1822 : vector<16xf32> to vector<1x16xf32>
        tpu.vector_store %arg5[%swap3A_1845, %swap3A_1846], %swap3A_1849 {add = true, strides = array<i32>} : memref<64x1024xf32, #tpu.memory_space<vmem>>, vector<1x16xf32>,
        %mul3A_1850 = arith.constant 4 : i32
        %mul3A_1851 = arith.muli %scan3A_20, %mul3A_1850 : i32
        %add3A_1852 = arith.constant 3 : i32
        %add3A_1853 = arith.addi %mul3A_1851, %add3A_1852 : i32
        %swap3A_1854 = arith.index_cast %add3A_1853 : i32 to index
        %swap3A_1855 = arith.constant 720 : index
        %swap3A_1856 = tpu.vector_load %arg5[%swap3A_1854, %swap3A_1855] {strides = array<i32>} : memref<64x1024xf32, #tpu.memory_space<vmem>>, vector<1x16xf32>,
        %swap3A_1857 = vector.shape_cast %swap3A_1856 : vector<1x16xf32> to vector<16xf32>
        %swap3A_1858 = vector.shape_cast %get3A_1822 : vector<16xf32> to vector<1x16xf32>
        tpu.vector_store %arg5[%swap3A_1854, %swap3A_1855], %swap3A_1858 {add = true, strides = array<i32>} : memref<64x1024xf32, #tpu.memory_space<vmem>>, vector<1x16xf32>,
        %get3A_1859 = arith.index_cast %scan3A_20 : i32 to index
        %get3A_1860 = arith.constant 736 : index
        %get3A_1861 = tpu.vector_load %arg6[%get3A_1859, %get3A_1860] {strides = array<i32>} : memref<16x1024xf32, #tpu.memory_space<vmem>>, vector<1x16xf32>,
        %get3A_1862 = vector.shape_cast %get3A_1861 : vector<1x16xf32> to vector<16xf32>
        %mul3A_1863 = arith.constant 4 : i32
        %mul3A_1864 = arith.muli %scan3A_20, %mul3A_1863 : i32
        %add3A_1865 = arith.constant 0 : i32
        %add3A_1866 = arith.addi %mul3A_1864, %add3A_1865 : i32
        %swap3A_1867 = arith.index_cast %add3A_1866 : i32 to index
        %swap3A_1868 = arith.constant 736 : index
        %swap3A_1869 = tpu.vector_load %arg5[%swap3A_1867, %swap3A_1868] {strides = array<i32>} : memref<64x1024xf32, #tpu.memory_space<vmem>>, vector<1x16xf32>,
        %swap3A_1870 = vector.shape_cast %swap3A_1869 : vector<1x16xf32> to vector<16xf32>
        %swap3A_1871 = vector.shape_cast %get3A_1862 : vector<16xf32> to vector<1x16xf32>
        tpu.vector_store %arg5[%swap3A_1867, %swap3A_1868], %swap3A_1871 {add = true, strides = array<i32>} : memref<64x1024xf32, #tpu.memory_space<vmem>>, vector<1x16xf32>,
        %mul3A_1872 = arith.constant 4 : i32
        %mul3A_1873 = arith.muli %scan3A_20, %mul3A_1872 : i32
        %add3A_1874 = arith.constant 1 : i32
        %add3A_1875 = arith.addi %mul3A_1873, %add3A_1874 : i32
        %swap3A_1876 = arith.index_cast %add3A_1875 : i32 to index
        %swap3A_1877 = arith.constant 736 : index
        %swap3A_1878 = tpu.vector_load %arg5[%swap3A_1876, %swap3A_1877] {strides = array<i32>} : memref<64x1024xf32, #tpu.memory_space<vmem>>, vector<1x16xf32>,
        %swap3A_1879 = vector.shape_cast %swap3A_1878 : vector<1x16xf32> to vector<16xf32>
        %swap3A_1880 = vector.shape_cast %get3A_1862 : vector<16xf32> to vector<1x16xf32>
        tpu.vector_store %arg5[%swap3A_1876, %swap3A_1877], %swap3A_1880 {add = true, strides = array<i32>} : memref<64x1024xf32, #tpu.memory_space<vmem>>, vector<1x16xf32>,
        %mul3A_1881 = arith.constant 4 : i32
        %mul3A_1882 = arith.muli %scan3A_20, %mul3A_1881 : i32
        %add3A_1883 = arith.constant 2 : i32
        %add3A_1884 = arith.addi %mul3A_1882, %add3A_1883 : i32
        %swap3A_1885 = arith.index_cast %add3A_1884 : i32 to index
        %swap3A_1886 = arith.constant 736 : index
        %swap3A_1887 = tpu.vector_load %arg5[%swap3A_1885, %swap3A_1886] {strides = array<i32>} : memref<64x1024xf32, #tpu.memory_space<vmem>>, vector<1x16xf32>,
        %swap3A_1888 = vector.shape_cast %swap3A_1887 : vector<1x16xf32> to vector<16xf32>
        %swap3A_1889 = vector.shape_cast %get3A_1862 : vector<16xf32> to vector<1x16xf32>
        tpu.vector_store %arg5[%swap3A_1885, %swap3A_1886], %swap3A_1889 {add = true, strides = array<i32>} : memref<64x1024xf32, #tpu.memory_space<vmem>>, vector<1x16xf32>,
        %mul3A_1890 = arith.constant 4 : i32
        %mul3A_1891 = arith.muli %scan3A_20, %mul3A_1890 : i32
        %add3A_1892 = arith.constant 3 : i32
        %add3A_1893 = arith.addi %mul3A_1891, %add3A_1892 : i32
        %swap3A_1894 = arith.index_cast %add3A_1893 : i32 to index
        %swap3A_1895 = arith.constant 736 : index
        %swap3A_1896 = tpu.vector_load %arg5[%swap3A_1894, %swap3A_1895] {strides = array<i32>} : memref<64x1024xf32, #tpu.memory_space<vmem>>, vector<1x16xf32>,
        %swap3A_1897 = vector.shape_cast %swap3A_1896 : vector<1x16xf32> to vector<16xf32>
        %swap3A_1898 = vector.shape_cast %get3A_1862 : vector<16xf32> to vector<1x16xf32>
        tpu.vector_store %arg5[%swap3A_1894, %swap3A_1895], %swap3A_1898 {add = true, strides = array<i32>} : memref<64x1024xf32, #tpu.memory_space<vmem>>, vector<1x16xf32>,
        %get3A_1899 = arith.index_cast %scan3A_20 : i32 to index
        %get3A_1900 = arith.constant 752 : index
        %get3A_1901 = tpu.vector_load %arg6[%get3A_1899, %get3A_1900] {strides = array<i32>} : memref<16x1024xf32, #tpu.memory_space<vmem>>, vector<1x16xf32>,
        %get3A_1902 = vector.shape_cast %get3A_1901 : vector<1x16xf32> to vector<16xf32>
        %mul3A_1903 = arith.constant 4 : i32
        %mul3A_1904 = arith.muli %scan3A_20, %mul3A_1903 : i32
        %add3A_1905 = arith.constant 0 : i32
        %add3A_1906 = arith.addi %mul3A_1904, %add3A_1905 : i32
        %swap3A_1907 = arith.index_cast %add3A_1906 : i32 to index
        %swap3A_1908 = arith.constant 752 : index
        %swap3A_1909 = tpu.vector_load %arg5[%swap3A_1907, %swap3A_1908] {strides = array<i32>} : memref<64x1024xf32, #tpu.memory_space<vmem>>, vector<1x16xf32>,
        %swap3A_1910 = vector.shape_cast %swap3A_1909 : vector<1x16xf32> to vector<16xf32>
        %swap3A_1911 = vector.shape_cast %get3A_1902 : vector<16xf32> to vector<1x16xf32>
        tpu.vector_store %arg5[%swap3A_1907, %swap3A_1908], %swap3A_1911 {add = true, strides = array<i32>} : memref<64x1024xf32, #tpu.memory_space<vmem>>, vector<1x16xf32>,
        %mul3A_1912 = arith.constant 4 : i32
        %mul3A_1913 = arith.muli %scan3A_20, %mul3A_1912 : i32
        %add3A_1914 = arith.constant 1 : i32
        %add3A_1915 = arith.addi %mul3A_1913, %add3A_1914 : i32
        %swap3A_1916 = arith.index_cast %add3A_1915 : i32 to index
        %swap3A_1917 = arith.constant 752 : index
        %swap3A_1918 = tpu.vector_load %arg5[%swap3A_1916, %swap3A_1917] {strides = array<i32>} : memref<64x1024xf32, #tpu.memory_space<vmem>>, vector<1x16xf32>,
        %swap3A_1919 = vector.shape_cast %swap3A_1918 : vector<1x16xf32> to vector<16xf32>
        %swap3A_1920 = vector.shape_cast %get3A_1902 : vector<16xf32> to vector<1x16xf32>
        tpu.vector_store %arg5[%swap3A_1916, %swap3A_1917], %swap3A_1920 {add = true, strides = array<i32>} : memref<64x1024xf32, #tpu.memory_space<vmem>>, vector<1x16xf32>,
        %mul3A_1921 = arith.constant 4 : i32
        %mul3A_1922 = arith.muli %scan3A_20, %mul3A_1921 : i32
        %add3A_1923 = arith.constant 2 : i32
        %add3A_1924 = arith.addi %mul3A_1922, %add3A_1923 : i32
        %swap3A_1925 = arith.index_cast %add3A_1924 : i32 to index
        %swap3A_1926 = arith.constant 752 : index
        %swap3A_1927 = tpu.vector_load %arg5[%swap3A_1925, %swap3A_1926] {strides = array<i32>} : memref<64x1024xf32, #tpu.memory_space<vmem>>, vector<1x16xf32>,
        %swap3A_1928 = vector.shape_cast %swap3A_1927 : vector<1x16xf32> to vector<16xf32>
        %swap3A_1929 = vector.shape_cast %get3A_1902 : vector<16xf32> to vector<1x16xf32>
        tpu.vector_store %arg5[%swap3A_1925, %swap3A_1926], %swap3A_1929 {add = true, strides = array<i32>} : memref<64x1024xf32, #tpu.memory_space<vmem>>, vector<1x16xf32>,
        %mul3A_1930 = arith.constant 4 : i32
        %mul3A_1931 = arith.muli %scan3A_20, %mul3A_1930 : i32
        %add3A_1932 = arith.constant 3 : i32
        %add3A_1933 = arith.addi %mul3A_1931, %add3A_1932 : i32
        %swap3A_1934 = arith.index_cast %add3A_1933 : i32 to index
        %swap3A_1935 = arith.constant 752 : index
        %swap3A_1936 = tpu.vector_load %arg5[%swap3A_1934, %swap3A_1935] {strides = array<i32>} : memref<64x1024xf32, #tpu.memory_space<vmem>>, vector<1x16xf32>,
        %swap3A_1937 = vector.shape_cast %swap3A_1936 : vector<1x16xf32> to vector<16xf32>
        %swap3A_1938 = vector.shape_cast %get3A_1902 : vector<16xf32> to vector<1x16xf32>
        tpu.vector_store %arg5[%swap3A_1934, %swap3A_1935], %swap3A_1938 {add = true, strides = array<i32>} : memref<64x1024xf32, #tpu.memory_space<vmem>>, vector<1x16xf32>,
        %get3A_1939 = arith.index_cast %scan3A_20 : i32 to index
        %get3A_1940 = arith.constant 768 : index
        %get3A_1941 = tpu.vector_load %arg6[%get3A_1939, %get3A_1940] {strides = array<i32>} : memref<16x1024xf32, #tpu.memory_space<vmem>>, vector<1x16xf32>,
        %get3A_1942 = vector.shape_cast %get3A_1941 : vector<1x16xf32> to vector<16xf32>
        %mul3A_1943 = arith.constant 4 : i32
        %mul3A_1944 = arith.muli %scan3A_20, %mul3A_1943 : i32
        %add3A_1945 = arith.constant 0 : i32
        %add3A_1946 = arith.addi %mul3A_1944, %add3A_1945 : i32
        %swap3A_1947 = arith.index_cast %add3A_1946 : i32 to index
        %swap3A_1948 = arith.constant 768 : index
        %swap3A_1949 = tpu.vector_load %arg5[%swap3A_1947, %swap3A_1948] {strides = array<i32>} : memref<64x1024xf32, #tpu.memory_space<vmem>>, vector<1x16xf32>,
        %swap3A_1950 = vector.shape_cast %swap3A_1949 : vector<1x16xf32> to vector<16xf32>
        %swap3A_1951 = vector.shape_cast %get3A_1942 : vector<16xf32> to vector<1x16xf32>
        tpu.vector_store %arg5[%swap3A_1947, %swap3A_1948], %swap3A_1951 {add = true, strides = array<i32>} : memref<64x1024xf32, #tpu.memory_space<vmem>>, vector<1x16xf32>,
        %mul3A_1952 = arith.constant 4 : i32
        %mul3A_1953 = arith.muli %scan3A_20, %mul3A_1952 : i32
        %add3A_1954 = arith.constant 1 : i32
        %add3A_1955 = arith.addi %mul3A_1953, %add3A_1954 : i32
        %swap3A_1956 = arith.index_cast %add3A_1955 : i32 to index
        %swap3A_1957 = arith.constant 768 : index
        %swap3A_1958 = tpu.vector_load %arg5[%swap3A_1956, %swap3A_1957] {strides = array<i32>} : memref<64x1024xf32, #tpu.memory_space<vmem>>, vector<1x16xf32>,
        %swap3A_1959 = vector.shape_cast %swap3A_1958 : vector<1x16xf32> to vector<16xf32>
        %swap3A_1960 = vector.shape_cast %get3A_1942 : vector<16xf32> to vector<1x16xf32>
        tpu.vector_store %arg5[%swap3A_1956, %swap3A_1957], %swap3A_1960 {add = true, strides = array<i32>} : memref<64x1024xf32, #tpu.memory_space<vmem>>, vector<1x16xf32>,
        %mul3A_1961 = arith.constant 4 : i32
        %mul3A_1962 = arith.muli %scan3A_20, %mul3A_1961 : i32
        %add3A_1963 = arith.constant 2 : i32
        %add3A_1964 = arith.addi %mul3A_1962, %add3A_1963 : i32
        %swap3A_1965 = arith.index_cast %add3A_1964 : i32 to index
        %swap3A_1966 = arith.constant 768 : index
        %swap3A_1967 = tpu.vector_load %arg5[%swap3A_1965, %swap3A_1966] {strides = array<i32>} : memref<64x1024xf32, #tpu.memory_space<vmem>>, vector<1x16xf32>,
        %swap3A_1968 = vector.shape_cast %swap3A_1967 : vector<1x16xf32> to vector<16xf32>
        %swap3A_1969 = vector.shape_cast %get3A_1942 : vector<16xf32> to vector<1x16xf32>
        tpu.vector_store %arg5[%swap3A_1965, %swap3A_1966], %swap3A_1969 {add = true, strides = array<i32>} : memref<64x1024xf32, #tpu.memory_space<vmem>>, vector<1x16xf32>,
        %mul3A_1970 = arith.constant 4 : i32
        %mul3A_1971 = arith.muli %scan3A_20, %mul3A_1970 : i32
        %add3A_1972 = arith.constant 3 : i32
        %add3A_1973 = arith.addi %mul3A_1971, %add3A_1972 : i32
        %swap3A_1974 = arith.index_cast %add3A_1973 : i32 to index
        %swap3A_1975 = arith.constant 768 : index
        %swap3A_1976 = tpu.vector_load %arg5[%swap3A_1974, %swap3A_1975] {strides = array<i32>} : memref<64x1024xf32, #tpu.memory_space<vmem>>, vector<1x16xf32>,
        %swap3A_1977 = vector.shape_cast %swap3A_1976 : vector<1x16xf32> to vector<16xf32>
        %swap3A_1978 = vector.shape_cast %get3A_1942 : vector<16xf32> to vector<1x16xf32>
        tpu.vector_store %arg5[%swap3A_1974, %swap3A_1975], %swap3A_1978 {add = true, strides = array<i32>} : memref<64x1024xf32, #tpu.memory_space<vmem>>, vector<1x16xf32>,
        %get3A_1979 = arith.index_cast %scan3A_20 : i32 to index
        %get3A_1980 = arith.constant 784 : index
        %get3A_1981 = tpu.vector_load %arg6[%get3A_1979, %get3A_1980] {strides = array<i32>} : memref<16x1024xf32, #tpu.memory_space<vmem>>, vector<1x16xf32>,
        %get3A_1982 = vector.shape_cast %get3A_1981 : vector<1x16xf32> to vector<16xf32>
        %mul3A_1983 = arith.constant 4 : i32
        %mul3A_1984 = arith.muli %scan3A_20, %mul3A_1983 : i32
        %add3A_1985 = arith.constant 0 : i32
        %add3A_1986 = arith.addi %mul3A_1984, %add3A_1985 : i32
        %swap3A_1987 = arith.index_cast %add3A_1986 : i32 to index
        %swap3A_1988 = arith.constant 784 : index
        %swap3A_1989 = tpu.vector_load %arg5[%swap3A_1987, %swap3A_1988] {strides = array<i32>} : memref<64x1024xf32, #tpu.memory_space<vmem>>, vector<1x16xf32>,
        %swap3A_1990 = vector.shape_cast %swap3A_1989 : vector<1x16xf32> to vector<16xf32>
        %swap3A_1991 = vector.shape_cast %get3A_1982 : vector<16xf32> to vector<1x16xf32>
        tpu.vector_store %arg5[%swap3A_1987, %swap3A_1988], %swap3A_1991 {add = true, strides = array<i32>} : memref<64x1024xf32, #tpu.memory_space<vmem>>, vector<1x16xf32>,
        %mul3A_1992 = arith.constant 4 : i32
        %mul3A_1993 = arith.muli %scan3A_20, %mul3A_1992 : i32
        %add3A_1994 = arith.constant 1 : i32
        %add3A_1995 = arith.addi %mul3A_1993, %add3A_1994 : i32
        %swap3A_1996 = arith.index_cast %add3A_1995 : i32 to index
        %swap3A_1997 = arith.constant 784 : index
        %swap3A_1998 = tpu.vector_load %arg5[%swap3A_1996, %swap3A_1997] {strides = array<i32>} : memref<64x1024xf32, #tpu.memory_space<vmem>>, vector<1x16xf32>,
        %swap3A_1999 = vector.shape_cast %swap3A_1998 : vector<1x16xf32> to vector<16xf32>
        %swap3A_2000 = vector.shape_cast %get3A_1982 : vector<16xf32> to vector<1x16xf32>
        tpu.vector_store %arg5[%swap3A_1996, %swap3A_1997], %swap3A_2000 {add = true, strides = array<i32>} : memref<64x1024xf32, #tpu.memory_space<vmem>>, vector<1x16xf32>,
        %mul3A_2001 = arith.constant 4 : i32
        %mul3A_2002 = arith.muli %scan3A_20, %mul3A_2001 : i32
        %add3A_2003 = arith.constant 2 : i32
        %add3A_2004 = arith.addi %mul3A_2002, %add3A_2003 : i32
        %swap3A_2005 = arith.index_cast %add3A_2004 : i32 to index
        %swap3A_2006 = arith.constant 784 : index
        %swap3A_2007 = tpu.vector_load %arg5[%swap3A_2005, %swap3A_2006] {strides = array<i32>} : memref<64x1024xf32, #tpu.memory_space<vmem>>, vector<1x16xf32>,
        %swap3A_2008 = vector.shape_cast %swap3A_2007 : vector<1x16xf32> to vector<16xf32>
        %swap3A_2009 = vector.shape_cast %get3A_1982 : vector<16xf32> to vector<1x16xf32>
        tpu.vector_store %arg5[%swap3A_2005, %swap3A_2006], %swap3A_2009 {add = true, strides = array<i32>} : memref<64x1024xf32, #tpu.memory_space<vmem>>, vector<1x16xf32>,
        %mul3A_2010 = arith.constant 4 : i32
        %mul3A_2011 = arith.muli %scan3A_20, %mul3A_2010 : i32
        %add3A_2012 = arith.constant 3 : i32
        %add3A_2013 = arith.addi %mul3A_2011, %add3A_2012 : i32
        %swap3A_2014 = arith.index_cast %add3A_2013 : i32 to index
        %swap3A_2015 = arith.constant 784 : index
        %swap3A_2016 = tpu.vector_load %arg5[%swap3A_2014, %swap3A_2015] {strides = array<i32>} : memref<64x1024xf32, #tpu.memory_space<vmem>>, vector<1x16xf32>,
        %swap3A_2017 = vector.shape_cast %swap3A_2016 : vector<1x16xf32> to vector<16xf32>
        %swap3A_2018 = vector.shape_cast %get3A_1982 : vector<16xf32> to vector<1x16xf32>
        tpu.vector_store %arg5[%swap3A_2014, %swap3A_2015], %swap3A_2018 {add = true, strides = array<i32>} : memref<64x1024xf32, #tpu.memory_space<vmem>>, vector<1x16xf32>,
        %get3A_2019 = arith.index_cast %scan3A_20 : i32 to index
        %get3A_2020 = arith.constant 800 : index
        %get3A_2021 = tpu.vector_load %arg6[%get3A_2019, %get3A_2020] {strides = array<i32>} : memref<16x1024xf32, #tpu.memory_space<vmem>>, vector<1x16xf32>,
        %get3A_2022 = vector.shape_cast %get3A_2021 : vector<1x16xf32> to vector<16xf32>
        %mul3A_2023 = arith.constant 4 : i32
        %mul3A_2024 = arith.muli %scan3A_20, %mul3A_2023 : i32
        %add3A_2025 = arith.constant 0 : i32
        %add3A_2026 = arith.addi %mul3A_2024, %add3A_2025 : i32
        %swap3A_2027 = arith.index_cast %add3A_2026 : i32 to index
        %swap3A_2028 = arith.constant 800 : index
        %swap3A_2029 = tpu.vector_load %arg5[%swap3A_2027, %swap3A_2028] {strides = array<i32>} : memref<64x1024xf32, #tpu.memory_space<vmem>>, vector<1x16xf32>,
        %swap3A_2030 = vector.shape_cast %swap3A_2029 : vector<1x16xf32> to vector<16xf32>
        %swap3A_2031 = vector.shape_cast %get3A_2022 : vector<16xf32> to vector<1x16xf32>
        tpu.vector_store %arg5[%swap3A_2027, %swap3A_2028], %swap3A_2031 {add = true, strides = array<i32>} : memref<64x1024xf32, #tpu.memory_space<vmem>>, vector<1x16xf32>,
        %mul3A_2032 = arith.constant 4 : i32
        %mul3A_2033 = arith.muli %scan3A_20, %mul3A_2032 : i32
        %add3A_2034 = arith.constant 1 : i32
        %add3A_2035 = arith.addi %mul3A_2033, %add3A_2034 : i32
        %swap3A_2036 = arith.index_cast %add3A_2035 : i32 to index
        %swap3A_2037 = arith.constant 800 : index
        %swap3A_2038 = tpu.vector_load %arg5[%swap3A_2036, %swap3A_2037] {strides = array<i32>} : memref<64x1024xf32, #tpu.memory_space<vmem>>, vector<1x16xf32>,
        %swap3A_2039 = vector.shape_cast %swap3A_2038 : vector<1x16xf32> to vector<16xf32>
        %swap3A_2040 = vector.shape_cast %get3A_2022 : vector<16xf32> to vector<1x16xf32>
        tpu.vector_store %arg5[%swap3A_2036, %swap3A_2037], %swap3A_2040 {add = true, strides = array<i32>} : memref<64x1024xf32, #tpu.memory_space<vmem>>, vector<1x16xf32>,
        %mul3A_2041 = arith.constant 4 : i32
        %mul3A_2042 = arith.muli %scan3A_20, %mul3A_2041 : i32
        %add3A_2043 = arith.constant 2 : i32
        %add3A_2044 = arith.addi %mul3A_2042, %add3A_2043 : i32
        %swap3A_2045 = arith.index_cast %add3A_2044 : i32 to index
        %swap3A_2046 = arith.constant 800 : index
        %swap3A_2047 = tpu.vector_load %arg5[%swap3A_2045, %swap3A_2046] {strides = array<i32>} : memref<64x1024xf32, #tpu.memory_space<vmem>>, vector<1x16xf32>,
        %swap3A_2048 = vector.shape_cast %swap3A_2047 : vector<1x16xf32> to vector<16xf32>
        %swap3A_2049 = vector.shape_cast %get3A_2022 : vector<16xf32> to vector<1x16xf32>
        tpu.vector_store %arg5[%swap3A_2045, %swap3A_2046], %swap3A_2049 {add = true, strides = array<i32>} : memref<64x1024xf32, #tpu.memory_space<vmem>>, vector<1x16xf32>,
        %mul3A_2050 = arith.constant 4 : i32
        %mul3A_2051 = arith.muli %scan3A_20, %mul3A_2050 : i32
        %add3A_2052 = arith.constant 3 : i32
        %add3A_2053 = arith.addi %mul3A_2051, %add3A_2052 : i32
        %swap3A_2054 = arith.index_cast %add3A_2053 : i32 to index
        %swap3A_2055 = arith.constant 800 : index
        %swap3A_2056 = tpu.vector_load %arg5[%swap3A_2054, %swap3A_2055] {strides = array<i32>} : memref<64x1024xf32, #tpu.memory_space<vmem>>, vector<1x16xf32>,
        %swap3A_2057 = vector.shape_cast %swap3A_2056 : vector<1x16xf32> to vector<16xf32>
        %swap3A_2058 = vector.shape_cast %get3A_2022 : vector<16xf32> to vector<1x16xf32>
        tpu.vector_store %arg5[%swap3A_2054, %swap3A_2055], %swap3A_2058 {add = true, strides = array<i32>} : memref<64x1024xf32, #tpu.memory_space<vmem>>, vector<1x16xf32>,
        %get3A_2059 = arith.index_cast %scan3A_20 : i32 to index
        %get3A_2060 = arith.constant 816 : index
        %get3A_2061 = tpu.vector_load %arg6[%get3A_2059, %get3A_2060] {strides = array<i32>} : memref<16x1024xf32, #tpu.memory_space<vmem>>, vector<1x16xf32>,
        %get3A_2062 = vector.shape_cast %get3A_2061 : vector<1x16xf32> to vector<16xf32>
        %mul3A_2063 = arith.constant 4 : i32
        %mul3A_2064 = arith.muli %scan3A_20, %mul3A_2063 : i32
        %add3A_2065 = arith.constant 0 : i32
        %add3A_2066 = arith.addi %mul3A_2064, %add3A_2065 : i32
        %swap3A_2067 = arith.index_cast %add3A_2066 : i32 to index
        %swap3A_2068 = arith.constant 816 : index
        %swap3A_2069 = tpu.vector_load %arg5[%swap3A_2067, %swap3A_2068] {strides = array<i32>} : memref<64x1024xf32, #tpu.memory_space<vmem>>, vector<1x16xf32>,
        %swap3A_2070 = vector.shape_cast %swap3A_2069 : vector<1x16xf32> to vector<16xf32>
        %swap3A_2071 = vector.shape_cast %get3A_2062 : vector<16xf32> to vector<1x16xf32>
        tpu.vector_store %arg5[%swap3A_2067, %swap3A_2068], %swap3A_2071 {add = true, strides = array<i32>} : memref<64x1024xf32, #tpu.memory_space<vmem>>, vector<1x16xf32>,
        %mul3A_2072 = arith.constant 4 : i32
        %mul3A_2073 = arith.muli %scan3A_20, %mul3A_2072 : i32
        %add3A_2074 = arith.constant 1 : i32
        %add3A_2075 = arith.addi %mul3A_2073, %add3A_2074 : i32
        %swap3A_2076 = arith.index_cast %add3A_2075 : i32 to index
        %swap3A_2077 = arith.constant 816 : index
        %swap3A_2078 = tpu.vector_load %arg5[%swap3A_2076, %swap3A_2077] {strides = array<i32>} : memref<64x1024xf32, #tpu.memory_space<vmem>>, vector<1x16xf32>,
        %swap3A_2079 = vector.shape_cast %swap3A_2078 : vector<1x16xf32> to vector<16xf32>
        %swap3A_2080 = vector.shape_cast %get3A_2062 : vector<16xf32> to vector<1x16xf32>
        tpu.vector_store %arg5[%swap3A_2076, %swap3A_2077], %swap3A_2080 {add = true, strides = array<i32>} : memref<64x1024xf32, #tpu.memory_space<vmem>>, vector<1x16xf32>,
        %mul3A_2081 = arith.constant 4 : i32
        %mul3A_2082 = arith.muli %scan3A_20, %mul3A_2081 : i32
        %add3A_2083 = arith.constant 2 : i32
        %add3A_2084 = arith.addi %mul3A_2082, %add3A_2083 : i32
        %swap3A_2085 = arith.index_cast %add3A_2084 : i32 to index
        %swap3A_2086 = arith.constant 816 : index
        %swap3A_2087 = tpu.vector_load %arg5[%swap3A_2085, %swap3A_2086] {strides = array<i32>} : memref<64x1024xf32, #tpu.memory_space<vmem>>, vector<1x16xf32>,
        %swap3A_2088 = vector.shape_cast %swap3A_2087 : vector<1x16xf32> to vector<16xf32>
        %swap3A_2089 = vector.shape_cast %get3A_2062 : vector<16xf32> to vector<1x16xf32>
        tpu.vector_store %arg5[%swap3A_2085, %swap3A_2086], %swap3A_2089 {add = true, strides = array<i32>} : memref<64x1024xf32, #tpu.memory_space<vmem>>, vector<1x16xf32>,
        %mul3A_2090 = arith.constant 4 : i32
        %mul3A_2091 = arith.muli %scan3A_20, %mul3A_2090 : i32
        %add3A_2092 = arith.constant 3 : i32
        %add3A_2093 = arith.addi %mul3A_2091, %add3A_2092 : i32
        %swap3A_2094 = arith.index_cast %add3A_2093 : i32 to index
        %swap3A_2095 = arith.constant 816 : index
        %swap3A_2096 = tpu.vector_load %arg5[%swap3A_2094, %swap3A_2095] {strides = array<i32>} : memref<64x1024xf32, #tpu.memory_space<vmem>>, vector<1x16xf32>,
        %swap3A_2097 = vector.shape_cast %swap3A_2096 : vector<1x16xf32> to vector<16xf32>
        %swap3A_2098 = vector.shape_cast %get3A_2062 : vector<16xf32> to vector<1x16xf32>
        tpu.vector_store %arg5[%swap3A_2094, %swap3A_2095], %swap3A_2098 {add = true, strides = array<i32>} : memref<64x1024xf32, #tpu.memory_space<vmem>>, vector<1x16xf32>,
        %get3A_2099 = arith.index_cast %scan3A_20 : i32 to index
        %get3A_2100 = arith.constant 832 : index
        %get3A_2101 = tpu.vector_load %arg6[%get3A_2099, %get3A_2100] {strides = array<i32>} : memref<16x1024xf32, #tpu.memory_space<vmem>>, vector<1x16xf32>,
        %get3A_2102 = vector.shape_cast %get3A_2101 : vector<1x16xf32> to vector<16xf32>
        %mul3A_2103 = arith.constant 4 : i32
        %mul3A_2104 = arith.muli %scan3A_20, %mul3A_2103 : i32
        %add3A_2105 = arith.constant 0 : i32
        %add3A_2106 = arith.addi %mul3A_2104, %add3A_2105 : i32
        %swap3A_2107 = arith.index_cast %add3A_2106 : i32 to index
        %swap3A_2108 = arith.constant 832 : index
        %swap3A_2109 = tpu.vector_load %arg5[%swap3A_2107, %swap3A_2108] {strides = array<i32>} : memref<64x1024xf32, #tpu.memory_space<vmem>>, vector<1x16xf32>,
        %swap3A_2110 = vector.shape_cast %swap3A_2109 : vector<1x16xf32> to vector<16xf32>
        %swap3A_2111 = vector.shape_cast %get3A_2102 : vector<16xf32> to vector<1x16xf32>
        tpu.vector_store %arg5[%swap3A_2107, %swap3A_2108], %swap3A_2111 {add = true, strides = array<i32>} : memref<64x1024xf32, #tpu.memory_space<vmem>>, vector<1x16xf32>,
        %mul3A_2112 = arith.constant 4 : i32
        %mul3A_2113 = arith.muli %scan3A_20, %mul3A_2112 : i32
        %add3A_2114 = arith.constant 1 : i32
        %add3A_2115 = arith.addi %mul3A_2113, %add3A_2114 : i32
        %swap3A_2116 = arith.index_cast %add3A_2115 : i32 to index
        %swap3A_2117 = arith.constant 832 : index
        %swap3A_2118 = tpu.vector_load %arg5[%swap3A_2116, %swap3A_2117] {strides = array<i32>} : memref<64x1024xf32, #tpu.memory_space<vmem>>, vector<1x16xf32>,
        %swap3A_2119 = vector.shape_cast %swap3A_2118 : vector<1x16xf32> to vector<16xf32>
        %swap3A_2120 = vector.shape_cast %get3A_2102 : vector<16xf32> to vector<1x16xf32>
        tpu.vector_store %arg5[%swap3A_2116, %swap3A_2117], %swap3A_2120 {add = true, strides = array<i32>} : memref<64x1024xf32, #tpu.memory_space<vmem>>, vector<1x16xf32>,
        %mul3A_2121 = arith.constant 4 : i32
        %mul3A_2122 = arith.muli %scan3A_20, %mul3A_2121 : i32
        %add3A_2123 = arith.constant 2 : i32
        %add3A_2124 = arith.addi %mul3A_2122, %add3A_2123 : i32
        %swap3A_2125 = arith.index_cast %add3A_2124 : i32 to index
        %swap3A_2126 = arith.constant 832 : index
        %swap3A_2127 = tpu.vector_load %arg5[%swap3A_2125, %swap3A_2126] {strides = array<i32>} : memref<64x1024xf32, #tpu.memory_space<vmem>>, vector<1x16xf32>,
        %swap3A_2128 = vector.shape_cast %swap3A_2127 : vector<1x16xf32> to vector<16xf32>
        %swap3A_2129 = vector.shape_cast %get3A_2102 : vector<16xf32> to vector<1x16xf32>
        tpu.vector_store %arg5[%swap3A_2125, %swap3A_2126], %swap3A_2129 {add = true, strides = array<i32>} : memref<64x1024xf32, #tpu.memory_space<vmem>>, vector<1x16xf32>,
        %mul3A_2130 = arith.constant 4 : i32
        %mul3A_2131 = arith.muli %scan3A_20, %mul3A_2130 : i32
        %add3A_2132 = arith.constant 3 : i32
        %add3A_2133 = arith.addi %mul3A_2131, %add3A_2132 : i32
        %swap3A_2134 = arith.index_cast %add3A_2133 : i32 to index
        %swap3A_2135 = arith.constant 832 : index
        %swap3A_2136 = tpu.vector_load %arg5[%swap3A_2134, %swap3A_2135] {strides = array<i32>} : memref<64x1024xf32, #tpu.memory_space<vmem>>, vector<1x16xf32>,
        %swap3A_2137 = vector.shape_cast %swap3A_2136 : vector<1x16xf32> to vector<16xf32>
        %swap3A_2138 = vector.shape_cast %get3A_2102 : vector<16xf32> to vector<1x16xf32>
        tpu.vector_store %arg5[%swap3A_2134, %swap3A_2135], %swap3A_2138 {add = true, strides = array<i32>} : memref<64x1024xf32, #tpu.memory_space<vmem>>, vector<1x16xf32>,
        %get3A_2139 = arith.index_cast %scan3A_20 : i32 to index
        %get3A_2140 = arith.constant 848 : index
        %get3A_2141 = tpu.vector_load %arg6[%get3A_2139, %get3A_2140] {strides = array<i32>} : memref<16x1024xf32, #tpu.memory_space<vmem>>, vector<1x16xf32>,
        %get3A_2142 = vector.shape_cast %get3A_2141 : vector<1x16xf32> to vector<16xf32>
        %mul3A_2143 = arith.constant 4 : i32
        %mul3A_2144 = arith.muli %scan3A_20, %mul3A_2143 : i32
        %add3A_2145 = arith.constant 0 : i32
        %add3A_2146 = arith.addi %mul3A_2144, %add3A_2145 : i32
        %swap3A_2147 = arith.index_cast %add3A_2146 : i32 to index
        %swap3A_2148 = arith.constant 848 : index
        %swap3A_2149 = tpu.vector_load %arg5[%swap3A_2147, %swap3A_2148] {strides = array<i32>} : memref<64x1024xf32, #tpu.memory_space<vmem>>, vector<1x16xf32>,
        %swap3A_2150 = vector.shape_cast %swap3A_2149 : vector<1x16xf32> to vector<16xf32>
        %swap3A_2151 = vector.shape_cast %get3A_2142 : vector<16xf32> to vector<1x16xf32>
        tpu.vector_store %arg5[%swap3A_2147, %swap3A_2148], %swap3A_2151 {add = true, strides = array<i32>} : memref<64x1024xf32, #tpu.memory_space<vmem>>, vector<1x16xf32>,
        %mul3A_2152 = arith.constant 4 : i32
        %mul3A_2153 = arith.muli %scan3A_20, %mul3A_2152 : i32
        %add3A_2154 = arith.constant 1 : i32
        %add3A_2155 = arith.addi %mul3A_2153, %add3A_2154 : i32
        %swap3A_2156 = arith.index_cast %add3A_2155 : i32 to index
        %swap3A_2157 = arith.constant 848 : index
        %swap3A_2158 = tpu.vector_load %arg5[%swap3A_2156, %swap3A_2157] {strides = array<i32>} : memref<64x1024xf32, #tpu.memory_space<vmem>>, vector<1x16xf32>,
        %swap3A_2159 = vector.shape_cast %swap3A_2158 : vector<1x16xf32> to vector<16xf32>
        %swap3A_2160 = vector.shape_cast %get3A_2142 : vector<16xf32> to vector<1x16xf32>
        tpu.vector_store %arg5[%swap3A_2156, %swap3A_2157], %swap3A_2160 {add = true, strides = array<i32>} : memref<64x1024xf32, #tpu.memory_space<vmem>>, vector<1x16xf32>,
        %mul3A_2161 = arith.constant 4 : i32
        %mul3A_2162 = arith.muli %scan3A_20, %mul3A_2161 : i32
        %add3A_2163 = arith.constant 2 : i32
        %add3A_2164 = arith.addi %mul3A_2162, %add3A_2163 : i32
        %swap3A_2165 = arith.index_cast %add3A_2164 : i32 to index
        %swap3A_2166 = arith.constant 848 : index
        %swap3A_2167 = tpu.vector_load %arg5[%swap3A_2165, %swap3A_2166] {strides = array<i32>} : memref<64x1024xf32, #tpu.memory_space<vmem>>, vector<1x16xf32>,
        %swap3A_2168 = vector.shape_cast %swap3A_2167 : vector<1x16xf32> to vector<16xf32>
        %swap3A_2169 = vector.shape_cast %get3A_2142 : vector<16xf32> to vector<1x16xf32>
        tpu.vector_store %arg5[%swap3A_2165, %swap3A_2166], %swap3A_2169 {add = true, strides = array<i32>} : memref<64x1024xf32, #tpu.memory_space<vmem>>, vector<1x16xf32>,
        %mul3A_2170 = arith.constant 4 : i32
        %mul3A_2171 = arith.muli %scan3A_20, %mul3A_2170 : i32
        %add3A_2172 = arith.constant 3 : i32
        %add3A_2173 = arith.addi %mul3A_2171, %add3A_2172 : i32
        %swap3A_2174 = arith.index_cast %add3A_2173 : i32 to index
        %swap3A_2175 = arith.constant 848 : index
        %swap3A_2176 = tpu.vector_load %arg5[%swap3A_2174, %swap3A_2175] {strides = array<i32>} : memref<64x1024xf32, #tpu.memory_space<vmem>>, vector<1x16xf32>,
        %swap3A_2177 = vector.shape_cast %swap3A_2176 : vector<1x16xf32> to vector<16xf32>
        %swap3A_2178 = vector.shape_cast %get3A_2142 : vector<16xf32> to vector<1x16xf32>
        tpu.vector_store %arg5[%swap3A_2174, %swap3A_2175], %swap3A_2178 {add = true, strides = array<i32>} : memref<64x1024xf32, #tpu.memory_space<vmem>>, vector<1x16xf32>,
        %get3A_2179 = arith.index_cast %scan3A_20 : i32 to index
        %get3A_2180 = arith.constant 864 : index
        %get3A_2181 = tpu.vector_load %arg6[%get3A_2179, %get3A_2180] {strides = array<i32>} : memref<16x1024xf32, #tpu.memory_space<vmem>>, vector<1x16xf32>,
        %get3A_2182 = vector.shape_cast %get3A_2181 : vector<1x16xf32> to vector<16xf32>
        %mul3A_2183 = arith.constant 4 : i32
        %mul3A_2184 = arith.muli %scan3A_20, %mul3A_2183 : i32
        %add3A_2185 = arith.constant 0 : i32
        %add3A_2186 = arith.addi %mul3A_2184, %add3A_2185 : i32
        %swap3A_2187 = arith.index_cast %add3A_2186 : i32 to index
        %swap3A_2188 = arith.constant 864 : index
        %swap3A_2189 = tpu.vector_load %arg5[%swap3A_2187, %swap3A_2188] {strides = array<i32>} : memref<64x1024xf32, #tpu.memory_space<vmem>>, vector<1x16xf32>,
        %swap3A_2190 = vector.shape_cast %swap3A_2189 : vector<1x16xf32> to vector<16xf32>
        %swap3A_2191 = vector.shape_cast %get3A_2182 : vector<16xf32> to vector<1x16xf32>
        tpu.vector_store %arg5[%swap3A_2187, %swap3A_2188], %swap3A_2191 {add = true, strides = array<i32>} : memref<64x1024xf32, #tpu.memory_space<vmem>>, vector<1x16xf32>,
        %mul3A_2192 = arith.constant 4 : i32
        %mul3A_2193 = arith.muli %scan3A_20, %mul3A_2192 : i32
        %add3A_2194 = arith.constant 1 : i32
        %add3A_2195 = arith.addi %mul3A_2193, %add3A_2194 : i32
        %swap3A_2196 = arith.index_cast %add3A_2195 : i32 to index
        %swap3A_2197 = arith.constant 864 : index
        %swap3A_2198 = tpu.vector_load %arg5[%swap3A_2196, %swap3A_2197] {strides = array<i32>} : memref<64x1024xf32, #tpu.memory_space<vmem>>, vector<1x16xf32>,
        %swap3A_2199 = vector.shape_cast %swap3A_2198 : vector<1x16xf32> to vector<16xf32>
        %swap3A_2200 = vector.shape_cast %get3A_2182 : vector<16xf32> to vector<1x16xf32>
        tpu.vector_store %arg5[%swap3A_2196, %swap3A_2197], %swap3A_2200 {add = true, strides = array<i32>} : memref<64x1024xf32, #tpu.memory_space<vmem>>, vector<1x16xf32>,
        %mul3A_2201 = arith.constant 4 : i32
        %mul3A_2202 = arith.muli %scan3A_20, %mul3A_2201 : i32
        %add3A_2203 = arith.constant 2 : i32
        %add3A_2204 = arith.addi %mul3A_2202, %add3A_2203 : i32
        %swap3A_2205 = arith.index_cast %add3A_2204 : i32 to index
        %swap3A_2206 = arith.constant 864 : index
        %swap3A_2207 = tpu.vector_load %arg5[%swap3A_2205, %swap3A_2206] {strides = array<i32>} : memref<64x1024xf32, #tpu.memory_space<vmem>>, vector<1x16xf32>,
        %swap3A_2208 = vector.shape_cast %swap3A_2207 : vector<1x16xf32> to vector<16xf32>
        %swap3A_2209 = vector.shape_cast %get3A_2182 : vector<16xf32> to vector<1x16xf32>
        tpu.vector_store %arg5[%swap3A_2205, %swap3A_2206], %swap3A_2209 {add = true, strides = array<i32>} : memref<64x1024xf32, #tpu.memory_space<vmem>>, vector<1x16xf32>,
        %mul3A_2210 = arith.constant 4 : i32
        %mul3A_2211 = arith.muli %scan3A_20, %mul3A_2210 : i32
        %add3A_2212 = arith.constant 3 : i32
        %add3A_2213 = arith.addi %mul3A_2211, %add3A_2212 : i32
        %swap3A_2214 = arith.index_cast %add3A_2213 : i32 to index
        %swap3A_2215 = arith.constant 864 : index
        %swap3A_2216 = tpu.vector_load %arg5[%swap3A_2214, %swap3A_2215] {strides = array<i32>} : memref<64x1024xf32, #tpu.memory_space<vmem>>, vector<1x16xf32>,
        %swap3A_2217 = vector.shape_cast %swap3A_2216 : vector<1x16xf32> to vector<16xf32>
        %swap3A_2218 = vector.shape_cast %get3A_2182 : vector<16xf32> to vector<1x16xf32>
        tpu.vector_store %arg5[%swap3A_2214, %swap3A_2215], %swap3A_2218 {add = true, strides = array<i32>} : memref<64x1024xf32, #tpu.memory_space<vmem>>, vector<1x16xf32>,
        %get3A_2219 = arith.index_cast %scan3A_20 : i32 to index
        %get3A_2220 = arith.constant 880 : index
        %get3A_2221 = tpu.vector_load %arg6[%get3A_2219, %get3A_2220] {strides = array<i32>} : memref<16x1024xf32, #tpu.memory_space<vmem>>, vector<1x16xf32>,
        %get3A_2222 = vector.shape_cast %get3A_2221 : vector<1x16xf32> to vector<16xf32>
        %mul3A_2223 = arith.constant 4 : i32
        %mul3A_2224 = arith.muli %scan3A_20, %mul3A_2223 : i32
        %add3A_2225 = arith.constant 0 : i32
        %add3A_2226 = arith.addi %mul3A_2224, %add3A_2225 : i32
        %swap3A_2227 = arith.index_cast %add3A_2226 : i32 to index
        %swap3A_2228 = arith.constant 880 : index
        %swap3A_2229 = tpu.vector_load %arg5[%swap3A_2227, %swap3A_2228] {strides = array<i32>} : memref<64x1024xf32, #tpu.memory_space<vmem>>, vector<1x16xf32>,
        %swap3A_2230 = vector.shape_cast %swap3A_2229 : vector<1x16xf32> to vector<16xf32>
        %swap3A_2231 = vector.shape_cast %get3A_2222 : vector<16xf32> to vector<1x16xf32>
        tpu.vector_store %arg5[%swap3A_2227, %swap3A_2228], %swap3A_2231 {add = true, strides = array<i32>} : memref<64x1024xf32, #tpu.memory_space<vmem>>, vector<1x16xf32>,
        %mul3A_2232 = arith.constant 4 : i32
        %mul3A_2233 = arith.muli %scan3A_20, %mul3A_2232 : i32
        %add3A_2234 = arith.constant 1 : i32
        %add3A_2235 = arith.addi %mul3A_2233, %add3A_2234 : i32
        %swap3A_2236 = arith.index_cast %add3A_2235 : i32 to index
        %swap3A_2237 = arith.constant 880 : index
        %swap3A_2238 = tpu.vector_load %arg5[%swap3A_2236, %swap3A_2237] {strides = array<i32>} : memref<64x1024xf32, #tpu.memory_space<vmem>>, vector<1x16xf32>,
        %swap3A_2239 = vector.shape_cast %swap3A_2238 : vector<1x16xf32> to vector<16xf32>
        %swap3A_2240 = vector.shape_cast %get3A_2222 : vector<16xf32> to vector<1x16xf32>
        tpu.vector_store %arg5[%swap3A_2236, %swap3A_2237], %swap3A_2240 {add = true, strides = array<i32>} : memref<64x1024xf32, #tpu.memory_space<vmem>>, vector<1x16xf32>,
        %mul3A_2241 = arith.constant 4 : i32
        %mul3A_2242 = arith.muli %scan3A_20, %mul3A_2241 : i32
        %add3A_2243 = arith.constant 2 : i32
        %add3A_2244 = arith.addi %mul3A_2242, %add3A_2243 : i32
        %swap3A_2245 = arith.index_cast %add3A_2244 : i32 to index
        %swap3A_2246 = arith.constant 880 : index
        %swap3A_2247 = tpu.vector_load %arg5[%swap3A_2245, %swap3A_2246] {strides = array<i32>} : memref<64x1024xf32, #tpu.memory_space<vmem>>, vector<1x16xf32>,
        %swap3A_2248 = vector.shape_cast %swap3A_2247 : vector<1x16xf32> to vector<16xf32>
        %swap3A_2249 = vector.shape_cast %get3A_2222 : vector<16xf32> to vector<1x16xf32>
        tpu.vector_store %arg5[%swap3A_2245, %swap3A_2246], %swap3A_2249 {add = true, strides = array<i32>} : memref<64x1024xf32, #tpu.memory_space<vmem>>, vector<1x16xf32>,
        %mul3A_2250 = arith.constant 4 : i32
        %mul3A_2251 = arith.muli %scan3A_20, %mul3A_2250 : i32
        %add3A_2252 = arith.constant 3 : i32
        %add3A_2253 = arith.addi %mul3A_2251, %add3A_2252 : i32
        %swap3A_2254 = arith.index_cast %add3A_2253 : i32 to index
        %swap3A_2255 = arith.constant 880 : index
        %swap3A_2256 = tpu.vector_load %arg5[%swap3A_2254, %swap3A_2255] {strides = array<i32>} : memref<64x1024xf32, #tpu.memory_space<vmem>>, vector<1x16xf32>,
        %swap3A_2257 = vector.shape_cast %swap3A_2256 : vector<1x16xf32> to vector<16xf32>
        %swap3A_2258 = vector.shape_cast %get3A_2222 : vector<16xf32> to vector<1x16xf32>
        tpu.vector_store %arg5[%swap3A_2254, %swap3A_2255], %swap3A_2258 {add = true, strides = array<i32>} : memref<64x1024xf32, #tpu.memory_space<vmem>>, vector<1x16xf32>,
        %get3A_2259 = arith.index_cast %scan3A_20 : i32 to index
        %get3A_2260 = arith.constant 896 : index
        %get3A_2261 = tpu.vector_load %arg6[%get3A_2259, %get3A_2260] {strides = array<i32>} : memref<16x1024xf32, #tpu.memory_space<vmem>>, vector<1x16xf32>,
        %get3A_2262 = vector.shape_cast %get3A_2261 : vector<1x16xf32> to vector<16xf32>
        %mul3A_2263 = arith.constant 4 : i32
        %mul3A_2264 = arith.muli %scan3A_20, %mul3A_2263 : i32
        %add3A_2265 = arith.constant 0 : i32
        %add3A_2266 = arith.addi %mul3A_2264, %add3A_2265 : i32
        %swap3A_2267 = arith.index_cast %add3A_2266 : i32 to index
        %swap3A_2268 = arith.constant 896 : index
        %swap3A_2269 = tpu.vector_load %arg5[%swap3A_2267, %swap3A_2268] {strides = array<i32>} : memref<64x1024xf32, #tpu.memory_space<vmem>>, vector<1x16xf32>,
        %swap3A_2270 = vector.shape_cast %swap3A_2269 : vector<1x16xf32> to vector<16xf32>
        %swap3A_2271 = vector.shape_cast %get3A_2262 : vector<16xf32> to vector<1x16xf32>
        tpu.vector_store %arg5[%swap3A_2267, %swap3A_2268], %swap3A_2271 {add = true, strides = array<i32>} : memref<64x1024xf32, #tpu.memory_space<vmem>>, vector<1x16xf32>,
        %mul3A_2272 = arith.constant 4 : i32
        %mul3A_2273 = arith.muli %scan3A_20, %mul3A_2272 : i32
        %add3A_2274 = arith.constant 1 : i32
        %add3A_2275 = arith.addi %mul3A_2273, %add3A_2274 : i32
        %swap3A_2276 = arith.index_cast %add3A_2275 : i32 to index
        %swap3A_2277 = arith.constant 896 : index
        %swap3A_2278 = tpu.vector_load %arg5[%swap3A_2276, %swap3A_2277] {strides = array<i32>} : memref<64x1024xf32, #tpu.memory_space<vmem>>, vector<1x16xf32>,
        %swap3A_2279 = vector.shape_cast %swap3A_2278 : vector<1x16xf32> to vector<16xf32>
        %swap3A_2280 = vector.shape_cast %get3A_2262 : vector<16xf32> to vector<1x16xf32>
        tpu.vector_store %arg5[%swap3A_2276, %swap3A_2277], %swap3A_2280 {add = true, strides = array<i32>} : memref<64x1024xf32, #tpu.memory_space<vmem>>, vector<1x16xf32>,
        %mul3A_2281 = arith.constant 4 : i32
        %mul3A_2282 = arith.muli %scan3A_20, %mul3A_2281 : i32
        %add3A_2283 = arith.constant 2 : i32
        %add3A_2284 = arith.addi %mul3A_2282, %add3A_2283 : i32
        %swap3A_2285 = arith.index_cast %add3A_2284 : i32 to index
        %swap3A_2286 = arith.constant 896 : index
        %swap3A_2287 = tpu.vector_load %arg5[%swap3A_2285, %swap3A_2286] {strides = array<i32>} : memref<64x1024xf32, #tpu.memory_space<vmem>>, vector<1x16xf32>,
        %swap3A_2288 = vector.shape_cast %swap3A_2287 : vector<1x16xf32> to vector<16xf32>
        %swap3A_2289 = vector.shape_cast %get3A_2262 : vector<16xf32> to vector<1x16xf32>
        tpu.vector_store %arg5[%swap3A_2285, %swap3A_2286], %swap3A_2289 {add = true, strides = array<i32>} : memref<64x1024xf32, #tpu.memory_space<vmem>>, vector<1x16xf32>,
        %mul3A_2290 = arith.constant 4 : i32
        %mul3A_2291 = arith.muli %scan3A_20, %mul3A_2290 : i32
        %add3A_2292 = arith.constant 3 : i32
        %add3A_2293 = arith.addi %mul3A_2291, %add3A_2292 : i32
        %swap3A_2294 = arith.index_cast %add3A_2293 : i32 to index
        %swap3A_2295 = arith.constant 896 : index
        %swap3A_2296 = tpu.vector_load %arg5[%swap3A_2294, %swap3A_2295] {strides = array<i32>} : memref<64x1024xf32, #tpu.memory_space<vmem>>, vector<1x16xf32>,
        %swap3A_2297 = vector.shape_cast %swap3A_2296 : vector<1x16xf32> to vector<16xf32>
        %swap3A_2298 = vector.shape_cast %get3A_2262 : vector<16xf32> to vector<1x16xf32>
        tpu.vector_store %arg5[%swap3A_2294, %swap3A_2295], %swap3A_2298 {add = true, strides = array<i32>} : memref<64x1024xf32, #tpu.memory_space<vmem>>, vector<1x16xf32>,
        %get3A_2299 = arith.index_cast %scan3A_20 : i32 to index
        %get3A_2300 = arith.constant 912 : index
        %get3A_2301 = tpu.vector_load %arg6[%get3A_2299, %get3A_2300] {strides = array<i32>} : memref<16x1024xf32, #tpu.memory_space<vmem>>, vector<1x16xf32>,
        %get3A_2302 = vector.shape_cast %get3A_2301 : vector<1x16xf32> to vector<16xf32>
        %mul3A_2303 = arith.constant 4 : i32
        %mul3A_2304 = arith.muli %scan3A_20, %mul3A_2303 : i32
        %add3A_2305 = arith.constant 0 : i32
        %add3A_2306 = arith.addi %mul3A_2304, %add3A_2305 : i32
        %swap3A_2307 = arith.index_cast %add3A_2306 : i32 to index
        %swap3A_2308 = arith.constant 912 : index
        %swap3A_2309 = tpu.vector_load %arg5[%swap3A_2307, %swap3A_2308] {strides = array<i32>} : memref<64x1024xf32, #tpu.memory_space<vmem>>, vector<1x16xf32>,
        %swap3A_2310 = vector.shape_cast %swap3A_2309 : vector<1x16xf32> to vector<16xf32>
        %swap3A_2311 = vector.shape_cast %get3A_2302 : vector<16xf32> to vector<1x16xf32>
        tpu.vector_store %arg5[%swap3A_2307, %swap3A_2308], %swap3A_2311 {add = true, strides = array<i32>} : memref<64x1024xf32, #tpu.memory_space<vmem>>, vector<1x16xf32>,
        %mul3A_2312 = arith.constant 4 : i32
        %mul3A_2313 = arith.muli %scan3A_20, %mul3A_2312 : i32
        %add3A_2314 = arith.constant 1 : i32
        %add3A_2315 = arith.addi %mul3A_2313, %add3A_2314 : i32
        %swap3A_2316 = arith.index_cast %add3A_2315 : i32 to index
        %swap3A_2317 = arith.constant 912 : index
        %swap3A_2318 = tpu.vector_load %arg5[%swap3A_2316, %swap3A_2317] {strides = array<i32>} : memref<64x1024xf32, #tpu.memory_space<vmem>>, vector<1x16xf32>,
        %swap3A_2319 = vector.shape_cast %swap3A_2318 : vector<1x16xf32> to vector<16xf32>
        %swap3A_2320 = vector.shape_cast %get3A_2302 : vector<16xf32> to vector<1x16xf32>
        tpu.vector_store %arg5[%swap3A_2316, %swap3A_2317], %swap3A_2320 {add = true, strides = array<i32>} : memref<64x1024xf32, #tpu.memory_space<vmem>>, vector<1x16xf32>,
        %mul3A_2321 = arith.constant 4 : i32
        %mul3A_2322 = arith.muli %scan3A_20, %mul3A_2321 : i32
        %add3A_2323 = arith.constant 2 : i32
        %add3A_2324 = arith.addi %mul3A_2322, %add3A_2323 : i32
        %swap3A_2325 = arith.index_cast %add3A_2324 : i32 to index
        %swap3A_2326 = arith.constant 912 : index
        %swap3A_2327 = tpu.vector_load %arg5[%swap3A_2325, %swap3A_2326] {strides = array<i32>} : memref<64x1024xf32, #tpu.memory_space<vmem>>, vector<1x16xf32>,
        %swap3A_2328 = vector.shape_cast %swap3A_2327 : vector<1x16xf32> to vector<16xf32>
        %swap3A_2329 = vector.shape_cast %get3A_2302 : vector<16xf32> to vector<1x16xf32>
        tpu.vector_store %arg5[%swap3A_2325, %swap3A_2326], %swap3A_2329 {add = true, strides = array<i32>} : memref<64x1024xf32, #tpu.memory_space<vmem>>, vector<1x16xf32>,
        %mul3A_2330 = arith.constant 4 : i32
        %mul3A_2331 = arith.muli %scan3A_20, %mul3A_2330 : i32
        %add3A_2332 = arith.constant 3 : i32
        %add3A_2333 = arith.addi %mul3A_2331, %add3A_2332 : i32
        %swap3A_2334 = arith.index_cast %add3A_2333 : i32 to index
        %swap3A_2335 = arith.constant 912 : index
        %swap3A_2336 = tpu.vector_load %arg5[%swap3A_2334, %swap3A_2335] {strides = array<i32>} : memref<64x1024xf32, #tpu.memory_space<vmem>>, vector<1x16xf32>,
        %swap3A_2337 = vector.shape_cast %swap3A_2336 : vector<1x16xf32> to vector<16xf32>
        %swap3A_2338 = vector.shape_cast %get3A_2302 : vector<16xf32> to vector<1x16xf32>
        tpu.vector_store %arg5[%swap3A_2334, %swap3A_2335], %swap3A_2338 {add = true, strides = array<i32>} : memref<64x1024xf32, #tpu.memory_space<vmem>>, vector<1x16xf32>,
        %get3A_2339 = arith.index_cast %scan3A_20 : i32 to index
        %get3A_2340 = arith.constant 928 : index
        %get3A_2341 = tpu.vector_load %arg6[%get3A_2339, %get3A_2340] {strides = array<i32>} : memref<16x1024xf32, #tpu.memory_space<vmem>>, vector<1x16xf32>,
        %get3A_2342 = vector.shape_cast %get3A_2341 : vector<1x16xf32> to vector<16xf32>
        %mul3A_2343 = arith.constant 4 : i32
        %mul3A_2344 = arith.muli %scan3A_20, %mul3A_2343 : i32
        %add3A_2345 = arith.constant 0 : i32
        %add3A_2346 = arith.addi %mul3A_2344, %add3A_2345 : i32
        %swap3A_2347 = arith.index_cast %add3A_2346 : i32 to index
        %swap3A_2348 = arith.constant 928 : index
        %swap3A_2349 = tpu.vector_load %arg5[%swap3A_2347, %swap3A_2348] {strides = array<i32>} : memref<64x1024xf32, #tpu.memory_space<vmem>>, vector<1x16xf32>,
        %swap3A_2350 = vector.shape_cast %swap3A_2349 : vector<1x16xf32> to vector<16xf32>
        %swap3A_2351 = vector.shape_cast %get3A_2342 : vector<16xf32> to vector<1x16xf32>
        tpu.vector_store %arg5[%swap3A_2347, %swap3A_2348], %swap3A_2351 {add = true, strides = array<i32>} : memref<64x1024xf32, #tpu.memory_space<vmem>>, vector<1x16xf32>,
        %mul3A_2352 = arith.constant 4 : i32
        %mul3A_2353 = arith.muli %scan3A_20, %mul3A_2352 : i32
        %add3A_2354 = arith.constant 1 : i32
        %add3A_2355 = arith.addi %mul3A_2353, %add3A_2354 : i32
        %swap3A_2356 = arith.index_cast %add3A_2355 : i32 to index
        %swap3A_2357 = arith.constant 928 : index
        %swap3A_2358 = tpu.vector_load %arg5[%swap3A_2356, %swap3A_2357] {strides = array<i32>} : memref<64x1024xf32, #tpu.memory_space<vmem>>, vector<1x16xf32>,
        %swap3A_2359 = vector.shape_cast %swap3A_2358 : vector<1x16xf32> to vector<16xf32>
        %swap3A_2360 = vector.shape_cast %get3A_2342 : vector<16xf32> to vector<1x16xf32>
        tpu.vector_store %arg5[%swap3A_2356, %swap3A_2357], %swap3A_2360 {add = true, strides = array<i32>} : memref<64x1024xf32, #tpu.memory_space<vmem>>, vector<1x16xf32>,
        %mul3A_2361 = arith.constant 4 : i32
        %mul3A_2362 = arith.muli %scan3A_20, %mul3A_2361 : i32
        %add3A_2363 = arith.constant 2 : i32
        %add3A_2364 = arith.addi %mul3A_2362, %add3A_2363 : i32
        %swap3A_2365 = arith.index_cast %add3A_2364 : i32 to index
        %swap3A_2366 = arith.constant 928 : index
        %swap3A_2367 = tpu.vector_load %arg5[%swap3A_2365, %swap3A_2366] {strides = array<i32>} : memref<64x1024xf32, #tpu.memory_space<vmem>>, vector<1x16xf32>,
        %swap3A_2368 = vector.shape_cast %swap3A_2367 : vector<1x16xf32> to vector<16xf32>
        %swap3A_2369 = vector.shape_cast %get3A_2342 : vector<16xf32> to vector<1x16xf32>
        tpu.vector_store %arg5[%swap3A_2365, %swap3A_2366], %swap3A_2369 {add = true, strides = array<i32>} : memref<64x1024xf32, #tpu.memory_space<vmem>>, vector<1x16xf32>,
        %mul3A_2370 = arith.constant 4 : i32
        %mul3A_2371 = arith.muli %scan3A_20, %mul3A_2370 : i32
        %add3A_2372 = arith.constant 3 : i32
        %add3A_2373 = arith.addi %mul3A_2371, %add3A_2372 : i32
        %swap3A_2374 = arith.index_cast %add3A_2373 : i32 to index
        %swap3A_2375 = arith.constant 928 : index
        %swap3A_2376 = tpu.vector_load %arg5[%swap3A_2374, %swap3A_2375] {strides = array<i32>} : memref<64x1024xf32, #tpu.memory_space<vmem>>, vector<1x16xf32>,
        %swap3A_2377 = vector.shape_cast %swap3A_2376 : vector<1x16xf32> to vector<16xf32>
        %swap3A_2378 = vector.shape_cast %get3A_2342 : vector<16xf32> to vector<1x16xf32>
        tpu.vector_store %arg5[%swap3A_2374, %swap3A_2375], %swap3A_2378 {add = true, strides = array<i32>} : memref<64x1024xf32, #tpu.memory_space<vmem>>, vector<1x16xf32>,
        %get3A_2379 = arith.index_cast %scan3A_20 : i32 to index
        %get3A_2380 = arith.constant 944 : index
        %get3A_2381 = tpu.vector_load %arg6[%get3A_2379, %get3A_2380] {strides = array<i32>} : memref<16x1024xf32, #tpu.memory_space<vmem>>, vector<1x16xf32>,
        %get3A_2382 = vector.shape_cast %get3A_2381 : vector<1x16xf32> to vector<16xf32>
        %mul3A_2383 = arith.constant 4 : i32
        %mul3A_2384 = arith.muli %scan3A_20, %mul3A_2383 : i32
        %add3A_2385 = arith.constant 0 : i32
        %add3A_2386 = arith.addi %mul3A_2384, %add3A_2385 : i32
        %swap3A_2387 = arith.index_cast %add3A_2386 : i32 to index
        %swap3A_2388 = arith.constant 944 : index
        %swap3A_2389 = tpu.vector_load %arg5[%swap3A_2387, %swap3A_2388] {strides = array<i32>} : memref<64x1024xf32, #tpu.memory_space<vmem>>, vector<1x16xf32>,
        %swap3A_2390 = vector.shape_cast %swap3A_2389 : vector<1x16xf32> to vector<16xf32>
        %swap3A_2391 = vector.shape_cast %get3A_2382 : vector<16xf32> to vector<1x16xf32>
        tpu.vector_store %arg5[%swap3A_2387, %swap3A_2388], %swap3A_2391 {add = true, strides = array<i32>} : memref<64x1024xf32, #tpu.memory_space<vmem>>, vector<1x16xf32>,
        %mul3A_2392 = arith.constant 4 : i32
        %mul3A_2393 = arith.muli %scan3A_20, %mul3A_2392 : i32
        %add3A_2394 = arith.constant 1 : i32
        %add3A_2395 = arith.addi %mul3A_2393, %add3A_2394 : i32
        %swap3A_2396 = arith.index_cast %add3A_2395 : i32 to index
        %swap3A_2397 = arith.constant 944 : index
        %swap3A_2398 = tpu.vector_load %arg5[%swap3A_2396, %swap3A_2397] {strides = array<i32>} : memref<64x1024xf32, #tpu.memory_space<vmem>>, vector<1x16xf32>,
        %swap3A_2399 = vector.shape_cast %swap3A_2398 : vector<1x16xf32> to vector<16xf32>
        %swap3A_2400 = vector.shape_cast %get3A_2382 : vector<16xf32> to vector<1x16xf32>
        tpu.vector_store %arg5[%swap3A_2396, %swap3A_2397], %swap3A_2400 {add = true, strides = array<i32>} : memref<64x1024xf32, #tpu.memory_space<vmem>>, vector<1x16xf32>,
        %mul3A_2401 = arith.constant 4 : i32
        %mul3A_2402 = arith.muli %scan3A_20, %mul3A_2401 : i32
        %add3A_2403 = arith.constant 2 : i32
        %add3A_2404 = arith.addi %mul3A_2402, %add3A_2403 : i32
        %swap3A_2405 = arith.index_cast %add3A_2404 : i32 to index
        %swap3A_2406 = arith.constant 944 : index
        %swap3A_2407 = tpu.vector_load %arg5[%swap3A_2405, %swap3A_2406] {strides = array<i32>} : memref<64x1024xf32, #tpu.memory_space<vmem>>, vector<1x16xf32>,
        %swap3A_2408 = vector.shape_cast %swap3A_2407 : vector<1x16xf32> to vector<16xf32>
        %swap3A_2409 = vector.shape_cast %get3A_2382 : vector<16xf32> to vector<1x16xf32>
        tpu.vector_store %arg5[%swap3A_2405, %swap3A_2406], %swap3A_2409 {add = true, strides = array<i32>} : memref<64x1024xf32, #tpu.memory_space<vmem>>, vector<1x16xf32>,
        %mul3A_2410 = arith.constant 4 : i32
        %mul3A_2411 = arith.muli %scan3A_20, %mul3A_2410 : i32
        %add3A_2412 = arith.constant 3 : i32
        %add3A_2413 = arith.addi %mul3A_2411, %add3A_2412 : i32
        %swap3A_2414 = arith.index_cast %add3A_2413 : i32 to index
        %swap3A_2415 = arith.constant 944 : index
        %swap3A_2416 = tpu.vector_load %arg5[%swap3A_2414, %swap3A_2415] {strides = array<i32>} : memref<64x1024xf32, #tpu.memory_space<vmem>>, vector<1x16xf32>,
        %swap3A_2417 = vector.shape_cast %swap3A_2416 : vector<1x16xf32> to vector<16xf32>
        %swap3A_2418 = vector.shape_cast %get3A_2382 : vector<16xf32> to vector<1x16xf32>
        tpu.vector_store %arg5[%swap3A_2414, %swap3A_2415], %swap3A_2418 {add = true, strides = array<i32>} : memref<64x1024xf32, #tpu.memory_space<vmem>>, vector<1x16xf32>,
        %get3A_2419 = arith.index_cast %scan3A_20 : i32 to index
        %get3A_2420 = arith.constant 960 : index
        %get3A_2421 = tpu.vector_load %arg6[%get3A_2419, %get3A_2420] {strides = array<i32>} : memref<16x1024xf32, #tpu.memory_space<vmem>>, vector<1x16xf32>,
        %get3A_2422 = vector.shape_cast %get3A_2421 : vector<1x16xf32> to vector<16xf32>
        %mul3A_2423 = arith.constant 4 : i32
        %mul3A_2424 = arith.muli %scan3A_20, %mul3A_2423 : i32
        %add3A_2425 = arith.constant 0 : i32
        %add3A_2426 = arith.addi %mul3A_2424, %add3A_2425 : i32
        %swap3A_2427 = arith.index_cast %add3A_2426 : i32 to index
        %swap3A_2428 = arith.constant 960 : index
        %swap3A_2429 = tpu.vector_load %arg5[%swap3A_2427, %swap3A_2428] {strides = array<i32>} : memref<64x1024xf32, #tpu.memory_space<vmem>>, vector<1x16xf32>,
        %swap3A_2430 = vector.shape_cast %swap3A_2429 : vector<1x16xf32> to vector<16xf32>
        %swap3A_2431 = vector.shape_cast %get3A_2422 : vector<16xf32> to vector<1x16xf32>
        tpu.vector_store %arg5[%swap3A_2427, %swap3A_2428], %swap3A_2431 {add = true, strides = array<i32>} : memref<64x1024xf32, #tpu.memory_space<vmem>>, vector<1x16xf32>,
        %mul3A_2432 = arith.constant 4 : i32
        %mul3A_2433 = arith.muli %scan3A_20, %mul3A_2432 : i32
        %add3A_2434 = arith.constant 1 : i32
        %add3A_2435 = arith.addi %mul3A_2433, %add3A_2434 : i32
        %swap3A_2436 = arith.index_cast %add3A_2435 : i32 to index
        %swap3A_2437 = arith.constant 960 : index
        %swap3A_2438 = tpu.vector_load %arg5[%swap3A_2436, %swap3A_2437] {strides = array<i32>} : memref<64x1024xf32, #tpu.memory_space<vmem>>, vector<1x16xf32>,
        %swap3A_2439 = vector.shape_cast %swap3A_2438 : vector<1x16xf32> to vector<16xf32>
        %swap3A_2440 = vector.shape_cast %get3A_2422 : vector<16xf32> to vector<1x16xf32>
        tpu.vector_store %arg5[%swap3A_2436, %swap3A_2437], %swap3A_2440 {add = true, strides = array<i32>} : memref<64x1024xf32, #tpu.memory_space<vmem>>, vector<1x16xf32>,
        %mul3A_2441 = arith.constant 4 : i32
        %mul3A_2442 = arith.muli %scan3A_20, %mul3A_2441 : i32
        %add3A_2443 = arith.constant 2 : i32
        %add3A_2444 = arith.addi %mul3A_2442, %add3A_2443 : i32
        %swap3A_2445 = arith.index_cast %add3A_2444 : i32 to index
        %swap3A_2446 = arith.constant 960 : index
        %swap3A_2447 = tpu.vector_load %arg5[%swap3A_2445, %swap3A_2446] {strides = array<i32>} : memref<64x1024xf32, #tpu.memory_space<vmem>>, vector<1x16xf32>,
        %swap3A_2448 = vector.shape_cast %swap3A_2447 : vector<1x16xf32> to vector<16xf32>
        %swap3A_2449 = vector.shape_cast %get3A_2422 : vector<16xf32> to vector<1x16xf32>
        tpu.vector_store %arg5[%swap3A_2445, %swap3A_2446], %swap3A_2449 {add = true, strides = array<i32>} : memref<64x1024xf32, #tpu.memory_space<vmem>>, vector<1x16xf32>,
        %mul3A_2450 = arith.constant 4 : i32
        %mul3A_2451 = arith.muli %scan3A_20, %mul3A_2450 : i32
        %add3A_2452 = arith.constant 3 : i32
        %add3A_2453 = arith.addi %mul3A_2451, %add3A_2452 : i32
        %swap3A_2454 = arith.index_cast %add3A_2453 : i32 to index
        %swap3A_2455 = arith.constant 960 : index
        %swap3A_2456 = tpu.vector_load %arg5[%swap3A_2454, %swap3A_2455] {strides = array<i32>} : memref<64x1024xf32, #tpu.memory_space<vmem>>, vector<1x16xf32>,
        %swap3A_2457 = vector.shape_cast %swap3A_2456 : vector<1x16xf32> to vector<16xf32>
        %swap3A_2458 = vector.shape_cast %get3A_2422 : vector<16xf32> to vector<1x16xf32>
        tpu.vector_store %arg5[%swap3A_2454, %swap3A_2455], %swap3A_2458 {add = true, strides = array<i32>} : memref<64x1024xf32, #tpu.memory_space<vmem>>, vector<1x16xf32>,
        %get3A_2459 = arith.index_cast %scan3A_20 : i32 to index
        %get3A_2460 = arith.constant 976 : index
        %get3A_2461 = tpu.vector_load %arg6[%get3A_2459, %get3A_2460] {strides = array<i32>} : memref<16x1024xf32, #tpu.memory_space<vmem>>, vector<1x16xf32>,
        %get3A_2462 = vector.shape_cast %get3A_2461 : vector<1x16xf32> to vector<16xf32>
        %mul3A_2463 = arith.constant 4 : i32
        %mul3A_2464 = arith.muli %scan3A_20, %mul3A_2463 : i32
        %add3A_2465 = arith.constant 0 : i32
        %add3A_2466 = arith.addi %mul3A_2464, %add3A_2465 : i32
        %swap3A_2467 = arith.index_cast %add3A_2466 : i32 to index
        %swap3A_2468 = arith.constant 976 : index
        %swap3A_2469 = tpu.vector_load %arg5[%swap3A_2467, %swap3A_2468] {strides = array<i32>} : memref<64x1024xf32, #tpu.memory_space<vmem>>, vector<1x16xf32>,
        %swap3A_2470 = vector.shape_cast %swap3A_2469 : vector<1x16xf32> to vector<16xf32>
        %swap3A_2471 = vector.shape_cast %get3A_2462 : vector<16xf32> to vector<1x16xf32>
        tpu.vector_store %arg5[%swap3A_2467, %swap3A_2468], %swap3A_2471 {add = true, strides = array<i32>} : memref<64x1024xf32, #tpu.memory_space<vmem>>, vector<1x16xf32>,
        %mul3A_2472 = arith.constant 4 : i32
        %mul3A_2473 = arith.muli %scan3A_20, %mul3A_2472 : i32
        %add3A_2474 = arith.constant 1 : i32
        %add3A_2475 = arith.addi %mul3A_2473, %add3A_2474 : i32
        %swap3A_2476 = arith.index_cast %add3A_2475 : i32 to index
        %swap3A_2477 = arith.constant 976 : index
        %swap3A_2478 = tpu.vector_load %arg5[%swap3A_2476, %swap3A_2477] {strides = array<i32>} : memref<64x1024xf32, #tpu.memory_space<vmem>>, vector<1x16xf32>,
        %swap3A_2479 = vector.shape_cast %swap3A_2478 : vector<1x16xf32> to vector<16xf32>
        %swap3A_2480 = vector.shape_cast %get3A_2462 : vector<16xf32> to vector<1x16xf32>
        tpu.vector_store %arg5[%swap3A_2476, %swap3A_2477], %swap3A_2480 {add = true, strides = array<i32>} : memref<64x1024xf32, #tpu.memory_space<vmem>>, vector<1x16xf32>,
        %mul3A_2481 = arith.constant 4 : i32
        %mul3A_2482 = arith.muli %scan3A_20, %mul3A_2481 : i32
        %add3A_2483 = arith.constant 2 : i32
        %add3A_2484 = arith.addi %mul3A_2482, %add3A_2483 : i32
        %swap3A_2485 = arith.index_cast %add3A_2484 : i32 to index
        %swap3A_2486 = arith.constant 976 : index
        %swap3A_2487 = tpu.vector_load %arg5[%swap3A_2485, %swap3A_2486] {strides = array<i32>} : memref<64x1024xf32, #tpu.memory_space<vmem>>, vector<1x16xf32>,
        %swap3A_2488 = vector.shape_cast %swap3A_2487 : vector<1x16xf32> to vector<16xf32>
        %swap3A_2489 = vector.shape_cast %get3A_2462 : vector<16xf32> to vector<1x16xf32>
        tpu.vector_store %arg5[%swap3A_2485, %swap3A_2486], %swap3A_2489 {add = true, strides = array<i32>} : memref<64x1024xf32, #tpu.memory_space<vmem>>, vector<1x16xf32>,
        %mul3A_2490 = arith.constant 4 : i32
        %mul3A_2491 = arith.muli %scan3A_20, %mul3A_2490 : i32
        %add3A_2492 = arith.constant 3 : i32
        %add3A_2493 = arith.addi %mul3A_2491, %add3A_2492 : i32
        %swap3A_2494 = arith.index_cast %add3A_2493 : i32 to index
        %swap3A_2495 = arith.constant 976 : index
        %swap3A_2496 = tpu.vector_load %arg5[%swap3A_2494, %swap3A_2495] {strides = array<i32>} : memref<64x1024xf32, #tpu.memory_space<vmem>>, vector<1x16xf32>,
        %swap3A_2497 = vector.shape_cast %swap3A_2496 : vector<1x16xf32> to vector<16xf32>
        %swap3A_2498 = vector.shape_cast %get3A_2462 : vector<16xf32> to vector<1x16xf32>
        tpu.vector_store %arg5[%swap3A_2494, %swap3A_2495], %swap3A_2498 {add = true, strides = array<i32>} : memref<64x1024xf32, #tpu.memory_space<vmem>>, vector<1x16xf32>,
        %get3A_2499 = arith.index_cast %scan3A_20 : i32 to index
        %get3A_2500 = arith.constant 992 : index
        %get3A_2501 = tpu.vector_load %arg6[%get3A_2499, %get3A_2500] {strides = array<i32>} : memref<16x1024xf32, #tpu.memory_space<vmem>>, vector<1x16xf32>,
        %get3A_2502 = vector.shape_cast %get3A_2501 : vector<1x16xf32> to vector<16xf32>
        %mul3A_2503 = arith.constant 4 : i32
        %mul3A_2504 = arith.muli %scan3A_20, %mul3A_2503 : i32
        %add3A_2505 = arith.constant 0 : i32
        %add3A_2506 = arith.addi %mul3A_2504, %add3A_2505 : i32
        %swap3A_2507 = arith.index_cast %add3A_2506 : i32 to index
        %swap3A_2508 = arith.constant 992 : index
        %swap3A_2509 = tpu.vector_load %arg5[%swap3A_2507, %swap3A_2508] {strides = array<i32>} : memref<64x1024xf32, #tpu.memory_space<vmem>>, vector<1x16xf32>,
        %swap3A_2510 = vector.shape_cast %swap3A_2509 : vector<1x16xf32> to vector<16xf32>
        %swap3A_2511 = vector.shape_cast %get3A_2502 : vector<16xf32> to vector<1x16xf32>
        tpu.vector_store %arg5[%swap3A_2507, %swap3A_2508], %swap3A_2511 {add = true, strides = array<i32>} : memref<64x1024xf32, #tpu.memory_space<vmem>>, vector<1x16xf32>,
        %mul3A_2512 = arith.constant 4 : i32
        %mul3A_2513 = arith.muli %scan3A_20, %mul3A_2512 : i32
        %add3A_2514 = arith.constant 1 : i32
        %add3A_2515 = arith.addi %mul3A_2513, %add3A_2514 : i32
        %swap3A_2516 = arith.index_cast %add3A_2515 : i32 to index
        %swap3A_2517 = arith.constant 992 : index
        %swap3A_2518 = tpu.vector_load %arg5[%swap3A_2516, %swap3A_2517] {strides = array<i32>} : memref<64x1024xf32, #tpu.memory_space<vmem>>, vector<1x16xf32>,
        %swap3A_2519 = vector.shape_cast %swap3A_2518 : vector<1x16xf32> to vector<16xf32>
        %swap3A_2520 = vector.shape_cast %get3A_2502 : vector<16xf32> to vector<1x16xf32>
        tpu.vector_store %arg5[%swap3A_2516, %swap3A_2517], %swap3A_2520 {add = true, strides = array<i32>} : memref<64x1024xf32, #tpu.memory_space<vmem>>, vector<1x16xf32>,
        %mul3A_2521 = arith.constant 4 : i32
        %mul3A_2522 = arith.muli %scan3A_20, %mul3A_2521 : i32
        %add3A_2523 = arith.constant 2 : i32
        %add3A_2524 = arith.addi %mul3A_2522, %add3A_2523 : i32
        %swap3A_2525 = arith.index_cast %add3A_2524 : i32 to index
        %swap3A_2526 = arith.constant 992 : index
        %swap3A_2527 = tpu.vector_load %arg5[%swap3A_2525, %swap3A_2526] {strides = array<i32>} : memref<64x1024xf32, #tpu.memory_space<vmem>>, vector<1x16xf32>,
        %swap3A_2528 = vector.shape_cast %swap3A_2527 : vector<1x16xf32> to vector<16xf32>
        %swap3A_2529 = vector.shape_cast %get3A_2502 : vector<16xf32> to vector<1x16xf32>
        tpu.vector_store %arg5[%swap3A_2525, %swap3A_2526], %swap3A_2529 {add = true, strides = array<i32>} : memref<64x1024xf32, #tpu.memory_space<vmem>>, vector<1x16xf32>,
        %mul3A_2530 = arith.constant 4 : i32
        %mul3A_2531 = arith.muli %scan3A_20, %mul3A_2530 : i32
        %add3A_2532 = arith.constant 3 : i32
        %add3A_2533 = arith.addi %mul3A_2531, %add3A_2532 : i32
        %swap3A_2534 = arith.index_cast %add3A_2533 : i32 to index
        %swap3A_2535 = arith.constant 992 : index
        %swap3A_2536 = tpu.vector_load %arg5[%swap3A_2534, %swap3A_2535] {strides = array<i32>} : memref<64x1024xf32, #tpu.memory_space<vmem>>, vector<1x16xf32>,
        %swap3A_2537 = vector.shape_cast %swap3A_2536 : vector<1x16xf32> to vector<16xf32>
        %swap3A_2538 = vector.shape_cast %get3A_2502 : vector<16xf32> to vector<1x16xf32>
        tpu.vector_store %arg5[%swap3A_2534, %swap3A_2535], %swap3A_2538 {add = true, strides = array<i32>} : memref<64x1024xf32, #tpu.memory_space<vmem>>, vector<1x16xf32>,
        %get3A_2539 = arith.index_cast %scan3A_20 : i32 to index
        %get3A_2540 = arith.constant 1008 : index
        %get3A_2541 = tpu.vector_load %arg6[%get3A_2539, %get3A_2540] {strides = array<i32>} : memref<16x1024xf32, #tpu.memory_space<vmem>>, vector<1x16xf32>,
        %get3A_2542 = vector.shape_cast %get3A_2541 : vector<1x16xf32> to vector<16xf32>
        %mul3A_2543 = arith.constant 4 : i32
        %mul3A_2544 = arith.muli %scan3A_20, %mul3A_2543 : i32
        %add3A_2545 = arith.constant 0 : i32
        %add3A_2546 = arith.addi %mul3A_2544, %add3A_2545 : i32
        %swap3A_2547 = arith.index_cast %add3A_2546 : i32 to index
        %swap3A_2548 = arith.constant 1008 : index
        %swap3A_2549 = tpu.vector_load %arg5[%swap3A_2547, %swap3A_2548] {strides = array<i32>} : memref<64x1024xf32, #tpu.memory_space<vmem>>, vector<1x16xf32>,
        %swap3A_2550 = vector.shape_cast %swap3A_2549 : vector<1x16xf32> to vector<16xf32>
        %swap3A_2551 = vector.shape_cast %get3A_2542 : vector<16xf32> to vector<1x16xf32>
        tpu.vector_store %arg5[%swap3A_2547, %swap3A_2548], %swap3A_2551 {add = true, strides = array<i32>} : memref<64x1024xf32, #tpu.memory_space<vmem>>, vector<1x16xf32>,
        %mul3A_2552 = arith.constant 4 : i32
        %mul3A_2553 = arith.muli %scan3A_20, %mul3A_2552 : i32
        %add3A_2554 = arith.constant 1 : i32
        %add3A_2555 = arith.addi %mul3A_2553, %add3A_2554 : i32
        %swap3A_2556 = arith.index_cast %add3A_2555 : i32 to index
        %swap3A_2557 = arith.constant 1008 : index
        %swap3A_2558 = tpu.vector_load %arg5[%swap3A_2556, %swap3A_2557] {strides = array<i32>} : memref<64x1024xf32, #tpu.memory_space<vmem>>, vector<1x16xf32>,
        %swap3A_2559 = vector.shape_cast %swap3A_2558 : vector<1x16xf32> to vector<16xf32>
        %swap3A_2560 = vector.shape_cast %get3A_2542 : vector<16xf32> to vector<1x16xf32>
        tpu.vector_store %arg5[%swap3A_2556, %swap3A_2557], %swap3A_2560 {add = true, strides = array<i32>} : memref<64x1024xf32, #tpu.memory_space<vmem>>, vector<1x16xf32>,
        %mul3A_2561 = arith.constant 4 : i32
        %mul3A_2562 = arith.muli %scan3A_20, %mul3A_2561 : i32
        %add3A_2563 = arith.constant 2 : i32
        %add3A_2564 = arith.addi %mul3A_2562, %add3A_2563 : i32
        %swap3A_2565 = arith.index_cast %add3A_2564 : i32 to index
        %swap3A_2566 = arith.constant 1008 : index
        %swap3A_2567 = tpu.vector_load %arg5[%swap3A_2565, %swap3A_2566] {strides = array<i32>} : memref<64x1024xf32, #tpu.memory_space<vmem>>, vector<1x16xf32>,
        %swap3A_2568 = vector.shape_cast %swap3A_2567 : vector<1x16xf32> to vector<16xf32>
        %swap3A_2569 = vector.shape_cast %get3A_2542 : vector<16xf32> to vector<1x16xf32>
        tpu.vector_store %arg5[%swap3A_2565, %swap3A_2566], %swap3A_2569 {add = true, strides = array<i32>} : memref<64x1024xf32, #tpu.memory_space<vmem>>, vector<1x16xf32>,
        %mul3A_2570 = arith.constant 4 : i32
        %mul3A_2571 = arith.muli %scan3A_20, %mul3A_2570 : i32
        %add3A_2572 = arith.constant 3 : i32
        %add3A_2573 = arith.addi %mul3A_2571, %add3A_2572 : i32
        %swap3A_2574 = arith.index_cast %add3A_2573 : i32 to index
        %swap3A_2575 = arith.constant 1008 : index
        %swap3A_2576 = tpu.vector_load %arg5[%swap3A_2574, %swap3A_2575] {strides = array<i32>} : memref<64x1024xf32, #tpu.memory_space<vmem>>, vector<1x16xf32>,
        %swap3A_2577 = vector.shape_cast %swap3A_2576 : vector<1x16xf32> to vector<16xf32>
        %swap3A_2578 = vector.shape_cast %get3A_2542 : vector<16xf32> to vector<1x16xf32>
        tpu.vector_store %arg5[%swap3A_2574, %swap3A_2575], %swap3A_2578 {add = true, strides = array<i32>} : memref<64x1024xf32, #tpu.memory_space<vmem>>, vector<1x16xf32>,
      }
      %scan3A_19 = arith.constant 16 : i32
      "tpu.region"() ({
        %run_scoped3A = tpu.sem_alloc : memref<!tpu.dma_semaphore, #tpu.memory_space<semaphore_mem>>
        %dma_start3A = arith.constant 0 : i32
        %dma_start3A_20 = tpu.memref_slice %arg4[%mul3A_13, %dma_start3A] : memref<4096x1024xf32, #tpu.memory_space<hbm>> -> memref<64x1024xf32, #tpu.memory_space<hbm>>
        %dma_start3A_21 = arith.constant 0 : i32
        %dma_start3A_22 = tpu.memref_slice %arg4[%mul3A_13, %dma_start3A_21] : memref<4096x1024xf32, #tpu.memory_space<hbm>> -> memref<64x1024xf32, #tpu.memory_space<hbm>>
        tpu.enqueue_dma source(%arg5 : memref<64x1024xf32, #tpu.memory_space<vmem>>) target(%dma_start3A_22 : memref<64x1024xf32, #tpu.memory_space<hbm>>) target_semaphore(%run_scoped3A : memref<!tpu.dma_semaphore, #tpu.memory_space<semaphore_mem>>)
        %dma_wait3A = arith.constant 0 : i32
        %dma_wait3A_23 = tpu.memref_slice %arg4[%mul3A_13, %dma_wait3A] : memref<4096x1024xf32, #tpu.memory_space<hbm>> -> memref<64x1024xf32, #tpu.memory_space<hbm>>
        %dma_wait3A_24 = arith.constant 0 : i32
        %dma_wait3A_25 = tpu.memref_slice %arg4[%mul3A_13, %dma_wait3A_24] : memref<4096x1024xf32, #tpu.memory_space<hbm>> -> memref<64x1024xf32, #tpu.memory_space<hbm>>
        tpu.wait_dma2 semaphore(%run_scoped3A : memref<!tpu.dma_semaphore, #tpu.memory_space<semaphore_mem>>) src(%arg5 : memref<64x1024xf32, #tpu.memory_space<vmem>>) dst(%dma_wait3A_25 : memref<64x1024xf32, #tpu.memory_space<hbm>>)
        tpu.yield
      }) : () -> ()
    }
    %scan3A_7 = arith.constant 2 : i32
    return
  }
}

module attributes {stable_mosaic.version = 14 : i64} {
  func.func @_tc_body(%arg0: i32, %arg1: memref<256x4x1024xf32, #tpu.memory_space<vmem>>, %arg2: memref<256x1024xf32, #tpu.memory_space<vmem>>, %arg3: memref<256x4x1024xf32, #tpu.memory_space<vmem>>) attributes {dimension_semantics = [#tpu.dimension_semantics<arbitrary>], iteration_bounds = array<i64: 28>, scalar_prefetch = 0 : i64, scratch_operands = 0 : i64, tpu.core_type = #tpu.core_type<tc>, window_params = [{transform_indices = @transform_0, window_bounds = array<i64: 256, 4, 1024>}, {transform_indices = @transform_1, window_bounds = array<i64: 256, 1024>}, {transform_indices = @transform_2, window_bounds = array<i64: 256, 4, 1024>}]} {
    %get3A = arith.constant 0 : index
    %get3A_0 = arith.constant 0 : index
    %get3A_1 = arith.constant 0 : index
    %get3A_2 = vector.load %arg1[%get3A, %get3A_0, %get3A_1] : memref<256x4x1024xf32, #tpu.memory_space<vmem>>, vector<256x4x1024xf32>
    %get3A_3 = arith.constant 0 : index
    %get3A_4 = arith.constant 0 : index
    %get3A_5 = vector.load %arg2[%get3A_3, %get3A_4] : memref<256x1024xf32, #tpu.memory_space<vmem>>, vector<256x1024xf32>
    %broadcast_in_dim3A = vector.shape_cast %get3A_5 : vector<256x1024xf32> to vector<256x1x1024xf32>
    %add3A = vector.broadcast %broadcast_in_dim3A : vector<256x1x1024xf32> to vector<256x4x1024xf32>
    %add3A_6 = arith.addf %get3A_2, %add3A : vector<256x4x1024xf32>
    %swap3A = arith.constant 0 : index
    %swap3A_7 = arith.constant 0 : index
    %swap3A_8 = arith.constant 0 : index
    %swap3A_9 = vector.load %arg3[%swap3A, %swap3A_7, %swap3A_8] : memref<256x4x1024xf32, #tpu.memory_space<vmem>>, vector<256x4x1024xf32>
    tpu.vector_store %arg3[%swap3A, %swap3A_7, %swap3A_8], %add3A_6 {strides = array<i32>} : memref<256x4x1024xf32, #tpu.memory_space<vmem>>, vector<256x4x1024xf32>,
    return
  }
  func.func @transform_0(%arg0: i32) -> (i32, i32, i32) {
    %add3A = arith.constant 4 : i32
    %add3A_0 = arith.addi %arg0, %add3A : i32
    %c0_i32 = arith.constant 0 : i32
    %c0_i32_1 = arith.constant 0 : i32
    %c0_i32_2 = arith.constant 0 : i32
    return %add3A_0, %c0_i32, %c0_i32_1 : i32, i32, i32
  }
  func.func @transform_1(%arg0: i32) -> (i32, i32) {
    %add3A = arith.constant 4 : i32
    %add3A_0 = arith.addi %arg0, %add3A : i32
    %c0_i32 = arith.constant 0 : i32
    %c0_i32_1 = arith.constant 0 : i32
    return %add3A_0, %c0_i32 : i32, i32
  }
  func.func @transform_2(%arg0: i32) -> (i32, i32, i32) {
    %add3A = arith.constant 4 : i32
    %add3A_0 = arith.addi %arg0, %add3A : i32
    %c0_i32 = arith.constant 0 : i32
    %c0_i32_1 = arith.constant 0 : i32
    %c0_i32_2 = arith.constant 0 : i32
    return %add3A_0, %c0_i32, %c0_i32_1 : i32, i32, i32
  }
}

</mosaic_0001>

<sc_bundles>
// kernel: kernel.4.cloned.1.call-start
scs
__scs_entry_jumppad:
0x0: {  	(pc) =	sbr.rel $0x88, $3  }
0x1: {  	(tag) =	ssettag $0x0;
	lr =	simm.s32 $0x1  }
0x2: {  	[smem:$0x3F9F] =	sst lr;
	_ =	strace $0xD0000000  }
0x3: {  	_ = 	snop  }
0x4: {  	_ = 	snop  }
0x5: {  	_ = 	snop  }
0x6: {  	_ = 	snop  }
0x7: {  	_ = 	snop  }
__scs_overlays_trampoline_lowered:
0x8: {  	[smem:$0x3FAE] =	sst s0  }
0x9: {  	[smem:$0x3FAF] =	sst s1  }
0xa: {  	[smem:$0x3FB0] =	sst s2  }
0xb: {  	[smem:$0x3FB1] =	sst s3  }
0xc: {  	[smem:$0x3FB2] =	sst s4  }
0xd: {  	[smem:$0x3FB3] =	sst s5  }
0xe: {  	[smem:$0x3FB4] =	sst s6  }
0xf: {  	[smem:$0x3FB5] =	sst s7  }
0x10: {  	[smem:$0x3FB6] =	sst s8  }
0x11: {  	[smem:$0x3FB7] =	sst s9;
	s0 =	simm.s32 @!p0 $0x0  }
0x12: {  	s1 =	sld [smem:$0x3F9D];
	s0 =	simm.s32 @p0 $0x1  }
0x13: {  	[smem:$0x3FB8] =	sst s0;
	s0 =	simm.s32 @!p1 $0x0  }
0x14: {  	s2 =	sld [smem:$0x3F9C];
	s0 =	simm.s32 @p1 $0x1  }
0x15: {  	[smem:$0x3FB9] =	sst s0;
	s0 =	simm.s32 @!p2 $0x0  }
0x16: {  	s3 =	sld [smem:$0x3FDB];
	s0 =	simm.s32 @p2 $0x1  }
0x17: {  	s4 =	simm.s32 $0x1BF5;
	[smem:$0x3FBB] =	sst s0  }
0x18: {  	s0 =	sld [smem:$0x3F9E];
	_ =	swait.ge [sflag:s4], $0x0  }
0x19: {  	s7 =	sld [smem:$0x3F9F]  }
0x1a: {  	s8 =	sadd.s32 $0xFFFFE003, lr  }
0x1b: {  	s9 =	sadd.s32 $0xFFFFFEF7, lr;
	s5 =	simm.s32 $0xFFFFFFFF;
	p2 =	slt.u32 s8, $0xFFFFF086  }
0x1c: {  	p1 =	slt.u32 s9, $0xF7A;
	s5 =	simm.s32 @!p2 $0x0  }
0x1d: {  	s5 =	simm.s32 @p1 $0x1;
	p0 =	seq.s32 s7, s2  }
0x1e: {  	s7 =	smul.u32 @!p0 $0xF7A, s2;
	p2 =	seq.s32 @!p0 s5, $0x0  }
0x1f: {  	s9 =	smul.u32 $0xF7A, s1;
	s8 =	simm.s32 @!p0 $0x1BF5;
	p2 =	por !p2, p0  }
0x20: {  	[sflag:s8] =	ssyncset.s32 @!p0 $0xFFFFF086;
	s6 =	sadd.s32 @!p0 s3, s7;
	s7 =	simm.s32 @!p0 $0x108  }
0x21: {  	s3 =	sadd.s32 s3, s9;
	s6 =	sadd.s32 @!p0 $0x88, s6;
	s7 =	simm.s32 @p2 $0x1082  }
0x22: {  	[simem:s7], [sflag:s8] =	dma.local @!p0 [hbm:s6], $0xF7A  }
0x23: {  	s9 =	sor.u32 $0xD0000000, s2;
	s6 =	simm.s32 $0x108;
	_ =	swait.ge @!p0 [sflag:s8], $0x0  }
0x24: {  	s3 =	sadd.s32 $0x88, s3;
	s6 =	simm.s32 @!p1 $0x1082;
	[sflag:s4] =	ssyncset.s32 $0xFFFFF086  }
0x25: {  	[simem:s6], [sflag:s4] =	dma.local [hbm:s3], $0xF7A  }
0x26: {  	[smem:$0x3F9F] =	sst s1;
	(tag) =	ssettag s2;
	_ =	strace s9  }
0x27: {  	s1 =	sld [smem:$0x3FAF]  }
0x28: {  	s2 =	sld [smem:$0x3FB0]  }
0x29: {  	s4 =	sld [smem:$0x3FB2]  }
0x2a: {  	p0 =	seq.s32 s5, $0x0;
	s5 =	sld [smem:$0x3FB3]  }
0x2b: {  	s6 =	sld [smem:$0x3FB4]  }
0x2c: {  	s7 =	sld [smem:$0x3FB5]  }
0x2d: {  	s3 =	simm.s32 $0x108;
	s8 =	sld [smem:$0x3FB6]  }
0x2e: {  	s3 =	simm.s32 @!p0 $0x1082;
	s9 =	sld [smem:$0x3FB7]  }
0x2f: {  	lr =	sadd.s32 s0, s3;
	s0 =	sld [smem:$0x3FAE]  }
0x30: {  	s3 =	sld [smem:$0x3FB1]  }
0x31: {  	[smem:$0x3FBA] =	sst s10  }
0x32: {  	s10 =	sld [smem:$0x3FB8];
	_ =	sdelay $0x3  }
0x33: {  	p0 =	seq.s32 s10, $0x1;
	s10 =	sld [smem:$0x3FBA];
	_ =	sdelay $0x3  }
0x34: {  	[smem:$0x3FBA] =	sst s10  }
0x35: {  	s10 =	sld [smem:$0x3FB9];
	_ =	sdelay $0x3  }
0x36: {  	p1 =	seq.s32 s10, $0x1;
	s10 =	sld [smem:$0x3FBA];
	_ =	sdelay $0x3  }
0x37: {  	[smem:$0x3FBA] =	sst s10  }
0x38: {  	s10 =	sld [smem:$0x3FBB]  }
0x39: {  	_ = 	snop;
	(pc) =	sbr.ind lr, $3  }
0x3a: {  	_ = 	snop  }
0x3b: {  	_ = 	snop  }
0x3c: {  	p2 =	seq.s32 s10, $0x1;
	s10 =	sld [smem:$0x3FBA]  }
0x3d: {  	_ =	shalt  }
0x3e: {  	_ =	shalt  }
0x3f: {  	_ =	shalt  }
0x40: {  	_ =	shalt  }
0x41: {  	_ =	shalt  }
0x42: {  	_ =	shalt  }
0x43: {  	_ =	shalt  }
0x44: {  	_ =	shalt  }
0x45: {  	_ =	shalt  }
0x46: {  	_ =	shalt  }
0x47: {  	_ =	shalt  }
0x48: {  	_ =	shalt  }
0x49: {  	_ =	shalt  }
0x4a: {  	_ =	shalt  }
0x4b: {  	_ =	shalt  }
0x4c: {  	_ =	shalt  }
0x4d: {  	_ =	shalt  }
0x4e: {  	_ =	shalt  }
0x4f: {  	_ =	shalt  }
0x50: {  	_ =	shalt  }
0x51: {  	_ =	shalt  }
0x52: {  	_ =	shalt  }
0x53: {  	_ =	shalt  }
0x54: {  	_ =	shalt  }
0x55: {  	_ =	shalt  }
0x56: {  	_ =	shalt  }
0x57: {  	_ =	shalt  }
0x58: {  	_ =	shalt  }
0x59: {  	_ =	shalt  }
0x5a: {  	_ =	shalt  }
0x5b: {  	_ =	shalt  }
0x5c: {  	_ =	shalt  }
0x5d: {  	_ =	shalt  }
0x5e: {  	_ =	shalt  }
0x5f: {  	_ =	shalt  }
0x60: {  	_ =	shalt  }
0x61: {  	_ =	shalt  }
0x62: {  	_ =	shalt  }
0x63: {  	_ =	shalt  }
0x64: {  	_ =	shalt  }
0x65: {  	_ =	shalt  }
0x66: {  	_ =	shalt  }
0x67: {  	_ =	shalt  }
0x68: {  	_ =	shalt  }
0x69: {  	_ =	shalt  }
0x6a: {  	_ =	shalt  }
0x6b: {  	_ =	shalt  }
0x6c: {  	_ =	shalt  }
0x6d: {  	_ =	shalt  }
0x6e: {  	_ =	shalt  }
0x6f: {  	_ =	shalt  }
0x70: {  	_ =	shalt  }
0x71: {  	_ =	shalt  }
0x72: {  	_ =	shalt  }
0x73: {  	_ =	shalt  }
0x74: {  	_ =	shalt  }
0x75: {  	_ =	shalt  }
0x76: {  	_ =	shalt  }
0x77: {  	_ =	shalt  }
0x78: {  	_ =	shalt  }
0x79: {  	_ =	shalt  }
0x7a: {  	_ =	shalt  }
0x7b: {  	_ =	shalt  }
0x7c: {  	_ =	shalt  }
0x7d: {  	_ =	shalt  }
0x7e: {  	_ =	shalt  }
0x7f: {  	_ =	shalt  }
0x80: {  	_ =	shalt  }
0x81: {  	_ =	shalt  }
0x82: {  	_ =	shalt  }
0x83: {  	_ =	shalt  }
0x84: {  	_ =	shalt  }
0x85: {  	_ =	shalt  }
0x86: {  	_ =	shalt  }
0x87: {  	_ =	shalt  }
.Lfunc_end0:
.L_simem_size_0:
called_computation_lowered:
.L_overlay_start_0:
0x88: {  	s2 =	sld [smem:$0x3FD9]  }
0x89: {  	s3 =	sld [smem:$0x3FFE];
	_ =	sdelay $0x1  }
0x8a: {  	s1 =	srdreg.scid  }
0x8b: {  	s0 =	sand.u32 $0x1, s1  }
0x8c: {  	s16 =	sshll.u32 s0, $0xA;
	s2 =	sadd.s32 s3, s2  }
0x8d: {  	s2 =	sadd.s32 s2, s16  }
0x8e: {  	[smem:$0x3FC6] =	sst s2  }
0x8f: {  	_ = 	snop  }
0x90: {  	(tm) =	ssettm $0x1  }
0x91: {  	s17 =	sld [smem:$0x3FFB];
	_ =	sdelay $0x3  }
0x92: {  	_ =	strace s17  }
0x93: {  	s2 =	sld [smem:$0x3FFC];
	_ =	sdelay $0x3  }
0x94: {  	_ =	strace s2  }
0x95: {  	s2 =	sld [smem:$0x3FFD];
	_ =	sdelay $0x3  }
0x96: {  	_ =	strace s2  }
0x97: {  	_ =	strace $0x8FFFFFFF  }
0x98: {  	s18 =	sld [smem:$0x3FDB];
	_ =	sdelay $0x1  }
0x99: {  	s19 =	simm.s32 $_scs_section_size  }
0x9a: {  	s4 =	simm.s32 $_size__tile_overlayer_lowered;
	s5 =	simm.s32 $_tile_overlayer_lowered  }
0x9b: {  	s22 =	simm.s32 $0x1BFF;
	s21 =	sshll.u32 s5, $0x1;
	s2 =	sadd.s32 s19, s18  }
0x9c: {  	s6 =	simm.s32 $0x0;
	s20 =	sshll.u32 s4, $0x1;
	s4 =	sadd.s32 s21, s2  }
0x9d: {  	[timem:s6], [sflag:s22] =	dma.local [hbm:s4], s20  }
0x9e: {  	_ =	swait.ge [sflag:s22], s20  }
0x9f: {  	s3 =	ssub.s32 $0x0, s20;
	[sflag:s22] =	ssyncset.done $0x0  }
0xa0: {  	[sflag:s22] =	ssyncadd.s32 s3;
	_ =	sdelay $0x1  }
0xa1: {  	s23 =	simm.s32 $0x1B8B  }
0xa2: {  	_ =	swait.ge [sflag:s23], $0x1  }
0xa3: {  	[sflag:s23] =	ssyncset.done $0x0  }
0xa4: {  	s25 =	simm.s32 $0x1B8E;
	s24 =	sld [smem:$0x3FFE];
	[sflag:s23] =	ssyncadd.s32 $0xFFFFFFFF  }
0xa5: {  	s26 =	simm.s32 $execute0_lowered;
	[smem:$0x3FD2] =	sst s25  }
0xa6: {  	s4 =	sshll.u32 s26, $0x1;
	_ =	strace $0x80000046;
	[dreg:$0x1] =	wrdreg $0xFFFFFFFF  }
0xa7: {  	s28 =	simm.s32 $_size_execute0_lowered;
	s2 =	sadd.s32 s2, s4;
	[dreg:$0x0] =	wrdreg $0x0  }
0xa8: {  	s4 =	sshll.u32 s28, $0x1;
	[dreg:$0x2] =	wrdreg s2  }
0xa9: {  	[dreg:$0x3] =	wrdreg s4  }
0xaa: {  	[dreg:$0x4] =	wrdreg $0xC0  }
0xab: {  	_ =	task [dreg:s6], $0x5FFFF  }
0xac: {  	[dreg:$0x1] =	wrdreg $0xFFFFFFFF  }
0xad: {  	[dreg:$0x0] =	wrdreg $0x60  }
0xae: {  	[dreg:$0x2] =	wrdreg s24  }
0xaf: {  	[dreg:$0x3] =	wrdreg $0x9  }
0xb0: {  	_ =	task.clear_ibuf [dreg:s6], $0x4FFFF;
	_ =	strace $0x90000046  }
0xb1: {  	s29 =	simm.s32 $0x9;
	_ =	strace $0x80000048  }
0xb2: {  	_ =	swait.ge [sflag:s29], $0x1  }
0xb3: {  	[sflag:s29] =	ssyncadd.s32 $0xFFFFFFFF  }
0xb4: {  	_ =	strace $0x90000048  }
0xb5: {  	_ =	sfence  }
0xb6: {  	s30 =	sld [smem:$0x0];
	_ =	sdelay $0x2  }
0xb7: {  	s31 =	sshll.u32 s1, $0xD;
	s1 =	sshrl.u32 s1, $0x2  }
0xb8: {  	s3 =	sand.u32 $0x4000, s31;
	s1 =	sadd.s32 s1, s30  }
0xb9: {  	s0 =	sor.u32 s3, s0;
	s1 =	sshll.u32 s1, $0x11  }
0xba: {  	s0 =	sor.u32 s1, s0  }
0xbb: {  	s0 =	sadd.s32 $0x8F2B, s0  }
0xbc: {  	[sflag:s0] =	ssyncadd.remote.s32 $0x1  }
0xbd: {  	_ =	sfence.sel $0xFFFF  }
0xbe: {  	[dreg:$0x0] =	wrdreg $0xFFFFFFFF;
	(pc) =	sbr.abs _section_cstart, $3  }
0xbf: {  	[dreg:$0x1] =	wrdreg $0xFFFFFFFF  }
0xc0: {  	_ =	task.clear_ibuf [dreg:s6], $0x2FFFF;
	_ =	strace $0x9FFFFFFF  }
0xc1: {  	(tm) =	ssettm $0x7FFFFFFF  }
tec
execute0_lowered:
.L_overlay_start_1:
0x0: {  	(tag) =	ssettag $0x1  }
0x1: {  	s5 =	rddreg [dreg:$0x0]  }
0x2: {  	s0 =	rddreg [dreg:$0x1];
	s1 =	simm.s32 $0x0  }
0x3: {  	s2 =	srdreg.scid;
	s9 =	simm.s32 $0x10000;
	s10 =	simm.s32 $0x0  }
0x4: {  	[smem:$0x7FF] =	sst s1;
	s6 =	sand.u32 $0x1, s2;
	s3 =	sadd.s32 $0x20800, s5  }
0x5: {  	s4 =	sadd.s32 $0x800, s5;
	s2 =	stileid.u32;
	s7 =	ssub.s32 $0x2, s6  }
0x6: {  	s5 =	sadd.s32 $0xA0800, s5;
	_ =	strace $0x80000047;
	s8 =	sshrl.u32 s7, $0x1  }
0x7: {  	s31 =	sshll.u32 s2, $0x6;
	s6 =	sshll.u32 s6, $0x5;
	s7 =	ssub.s32 s7, s8  }
0x8: {  	s6 =	sor.u32 s6, s31;
	s8 =	simm.s32 $0x1;
	s7 =	smax.u32 s7, $0x1  }
.LBB2_1:
0x9: {  	p2 =	por $0x1, $0x1;
	s11 =	simm.s32 $0x0  }
.LBB2_2:
0xa: {  	s13 =	sor.u32 s6, s11  }
0xb: {  	s11 =	sshll.u32 s13, $0x9  }
0xc: {  	s12 =	simm.s32 $0x0;
	s14 =	sadd.s32 s3, s11  }
0xd: {  	[tilespmem:s12], [sflag:$0x1] =	stream.linear.gather [hbm4b:s14+s12], $0x10000, $0x38;
	[tilespmem:$0x14000] =	vst v63  }
0xe: {  	_ =	swait.ge [sflag:s8], $0x10000  }
0xf: {  	s13 =	sshll.u32 s13, $0x7;
	[sflag:s8] =	ssyncset.done $0x0  }
0x10: {  	s13 =	sadd.s32 s4, s13;
	[sflag:s8] =	ssyncadd.s32 $0xFFFF0000  }
0x11: {  	[tilespmem:s9], [sflag:$0x1] =	stream.linear.gather [hbm4b:s13+s12], $0x4000, $0x38;
	[tilespmem:$0x14000] =	vst v63  }
0x12: {  	p1 =	por $0x0, $0x0;
	p0 =	por p2, p2;
	_ =	swait.ge [sflag:s8], $0x4000  }
0x13: {  	s15 =	simm.s32 $0x0;
	s16 =	simm.s32 $0x0;
	[sflag:s8] =	ssyncset.done $0x0  }
0x14: {  	s14 =	simm.s32 $0x0;
	s13 =	simm.s32 $0x0;
	[sflag:s8] =	ssyncadd.s32 $0xFFFFC000  }
.LBB2_3:
0x15: {  	s17 =	sand.u32 $0x2000, s13;
	s18 =	sand.u32 $0x380, s14  }
0x16: {  	s17 =	sor.u32 s18, s17  }
0x17: {  	v0 =	vld [tilespmem:s17+$0x10000];
	_ =	sdelay $0x2  }
0x18: {  	s22 =	sand.u32 $0xE000, s16;
	s19 =	sand.u32 $0x200, s15  }
0x19: {  	s18 =	sor.u32 s19, s22  }
0x1a: {  	s19 =	sor.u32 $0x80, s18;
	[tilespmem:s18+$0x0] =	vst.add.f32.msk $0xffff, v0  }
0x1b: {  	s23 =	sor.u32 $0x100, s18;
	[tilespmem:s19+$0x0] =	vst.add.f32.msk $0xffff, v0  }
0x1c: {  	s24 =	sor.u32 $0x180, s18;
	[tilespmem:s23+$0x0] =	vst.add.f32.msk $0xffff, v0  }
0x1d: {  	[tilespmem:s24+$0x0] =	vst.add.f32.msk $0xffff, v0  }
0x1e: {  	v0 =	vld [tilespmem:s17+$0x10010];
	_ =	sdelay $0x3  }
0x1f: {  	s25 =	sor.u32 $0x10, s18  }
0x20: {  	s26 =	sor.u32 $0x90, s18;
	[tilespmem:s25+$0x0] =	vst.add.f32.msk $0xffff, v0  }
0x21: {  	s28 =	sor.u32 $0x110, s18;
	[tilespmem:s26+$0x0] =	vst.add.f32.msk $0xffff, v0  }
0x22: {  	s29 =	sor.u32 $0x190, s18;
	[tilespmem:s28+$0x0] =	vst.add.f32.msk $0xffff, v0  }
0x23: {  	[tilespmem:s29+$0x0] =	vst.add.f32.msk $0xffff, v0  }
0x24: {  	v0 =	vld [tilespmem:s17+$0x10020];
	_ =	sdelay $0x3  }
0x25: {  	s30 =	sor.u32 $0x20, s18  }
0x26: {  	s31 =	sor.u32 $0xA0, s18;
	[tilespmem:s30+$0x0] =	vst.add.f32.msk $0xffff, v0  }
0x27: {  	s20 =	sor.u32 $0x120, s18;
	[tilespmem:s31+$0x0] =	vst.add.f32.msk $0xffff, v0  }
0x28: {  	s21 =	sor.u32 $0x1A0, s18;
	[tilespmem:s20+$0x0] =	vst.add.f32.msk $0xffff, v0  }
0x29: {  	[tilespmem:s21+$0x0] =	vst.add.f32.msk $0xffff, v0  }
0x2a: {  	v0 =	vld [tilespmem:s17+$0x10030];
	_ =	sdelay $0x3  }
0x2b: {  	s22 =	sor.u32 $0x30, s18  }
0x2c: {  	s23 =	sor.u32 $0xB0, s18;
	[tilespmem:s22+$0x0] =	vst.add.f32.msk $0xffff, v0  }
0x2d: {  	s24 =	sor.u32 $0x130, s18;
	[tilespmem:s23+$0x0] =	vst.add.f32.msk $0xffff, v0  }
0x2e: {  	s25 =	sor.u32 $0x1B0, s18;
	[tilespmem:s24+$0x0] =	vst.add.f32.msk $0xffff, v0  }
0x2f: {  	[tilespmem:s25+$0x0] =	vst.add.f32.msk $0xffff, v0  }
0x30: {  	v0 =	vld [tilespmem:s17+$0x10040];
	_ =	sdelay $0x3  }
0x31: {  	s26 =	sor.u32 $0x40, s18  }
0x32: {  	s28 =	sor.u32 $0xC0, s18;
	[tilespmem:s26+$0x0] =	vst.add.f32.msk $0xffff, v0  }
0x33: {  	s29 =	sor.u32 $0x140, s18;
	[tilespmem:s28+$0x0] =	vst.add.f32.msk $0xffff, v0  }
0x34: {  	s30 =	sor.u32 $0x1C0, s18;
	[tilespmem:s29+$0x0] =	vst.add.f32.msk $0xffff, v0  }
0x35: {  	[tilespmem:s30+$0x0] =	vst.add.f32.msk $0xffff, v0  }
0x36: {  	v0 =	vld [tilespmem:s17+$0x10050];
	_ =	sdelay $0x3  }
0x37: {  	s31 =	sor.u32 $0x50, s18  }
0x38: {  	s20 =	sor.u32 $0xD0, s18;
	[tilespmem:s31+$0x0] =	vst.add.f32.msk $0xffff, v0  }
0x39: {  	s21 =	sor.u32 $0x150, s18;
	[tilespmem:s20+$0x0] =	vst.add.f32.msk $0xffff, v0  }
0x3a: {  	s22 =	sor.u32 $0x1D0, s18;
	[tilespmem:s21+$0x0] =	vst.add.f32.msk $0xffff, v0  }
0x3b: {  	[tilespmem:s22+$0x0] =	vst.add.f32.msk $0xffff, v0  }
0x3c: {  	v0 =	vld [tilespmem:s17+$0x10060];
	_ =	sdelay $0x3  }
0x3d: {  	s23 =	sor.u32 $0x60, s18  }
0x3e: {  	s24 =	sor.u32 $0xE0, s18;
	[tilespmem:s23+$0x0] =	vst.add.f32.msk $0xffff, v0  }
0x3f: {  	s25 =	sor.u32 $0x160, s18;
	[tilespmem:s24+$0x0] =	vst.add.f32.msk $0xffff, v0  }
0x40: {  	s26 =	sor.u32 $0x1E0, s18;
	[tilespmem:s25+$0x0] =	vst.add.f32.msk $0xffff, v0  }
0x41: {  	[tilespmem:s26+$0x0] =	vst.add.f32.msk $0xffff, v0  }
0x42: {  	v0 =	vld [tilespmem:s17+$0x10070];
	_ =	sdelay $0x3  }
0x43: {  	s28 =	sor.u32 $0x70, s18  }
0x44: {  	s29 =	sor.u32 $0xF0, s18;
	[tilespmem:s28+$0x0] =	vst.add.f32.msk $0xffff, v0  }
0x45: {  	s30 =	sor.u32 $0x170, s18;
	[tilespmem:s29+$0x0] =	vst.add.f32.msk $0xffff, v0  }
0x46: {  	s31 =	sor.u32 $0x1F0, s18;
	[tilespmem:s30+$0x0] =	vst.add.f32.msk $0xffff, v0  }
0x47: {  	[tilespmem:s31+$0x0] =	vst.add.f32.msk $0xffff, v0  }
0x48: {  	v0 =	vld [tilespmem:s17+$0x10400];
	_ =	sdelay $0x3  }
0x49: {  	s20 =	sor.u32 $0x400, s18  }
0x4a: {  	s21 =	sor.u32 $0x480, s18;
	[tilespmem:s20+$0x0] =	vst.add.f32.msk $0xffff, v0  }
0x4b: {  	s22 =	sor.u32 $0x500, s18;
	[tilespmem:s21+$0x0] =	vst.add.f32.msk $0xffff, v0  }
0x4c: {  	s23 =	sor.u32 $0x580, s18;
	[tilespmem:s22+$0x0] =	vst.add.f32.msk $0xffff, v0  }
0x4d: {  	[tilespmem:s23+$0x0] =	vst.add.f32.msk $0xffff, v0  }
0x4e: {  	v0 =	vld [tilespmem:s17+$0x10410];
	_ =	sdelay $0x3  }
0x4f: {  	s24 =	sor.u32 $0x410, s18  }
0x50: {  	s25 =	sor.u32 $0x490, s18;
	[tilespmem:s24+$0x0] =	vst.add.f32.msk $0xffff, v0  }
0x51: {  	s26 =	sor.u32 $0x510, s18;
	[tilespmem:s25+$0x0] =	vst.add.f32.msk $0xffff, v0  }
0x52: {  	s28 =	sor.u32 $0x590, s18;
	[tilespmem:s26+$0x0] =	vst.add.f32.msk $0xffff, v0  }
0x53: {  	[tilespmem:s28+$0x0] =	vst.add.f32.msk $0xffff, v0  }
0x54: {  	v0 =	vld [tilespmem:s17+$0x10420];
	_ =	sdelay $0x3  }
0x55: {  	s29 =	sor.u32 $0x420, s18  }
0x56: {  	s30 =	sor.u32 $0x4A0, s18;
	[tilespmem:s29+$0x0] =	vst.add.f32.msk $0xffff, v0  }
0x57: {  	s31 =	sor.u32 $0x520, s18;
	[tilespmem:s30+$0x0] =	vst.add.f32.msk $0xffff, v0  }
0x58: {  	s20 =	sor.u32 $0x5A0, s18;
	[tilespmem:s31+$0x0] =	vst.add.f32.msk $0xffff, v0  }
0x59: {  	[tilespmem:s20+$0x0] =	vst.add.f32.msk $0xffff, v0  }
0x5a: {  	v0 =	vld [tilespmem:s17+$0x10430];
	_ =	sdelay $0x3  }
0x5b: {  	s21 =	sor.u32 $0x430, s18  }
0x5c: {  	s22 =	sor.u32 $0x4B0, s18;
	[tilespmem:s21+$0x0] =	vst.add.f32.msk $0xffff, v0  }
0x5d: {  	s23 =	sor.u32 $0x530, s18;
	[tilespmem:s22+$0x0] =	vst.add.f32.msk $0xffff, v0  }
0x5e: {  	s24 =	sor.u32 $0x5B0, s18;
	[tilespmem:s23+$0x0] =	vst.add.f32.msk $0xffff, v0  }
0x5f: {  	[tilespmem:s24+$0x0] =	vst.add.f32.msk $0xffff, v0  }
0x60: {  	v0 =	vld [tilespmem:s17+$0x10440];
	_ =	sdelay $0x3  }
0x61: {  	s25 =	sor.u32 $0x440, s18  }
0x62: {  	s26 =	sor.u32 $0x4C0, s18;
	[tilespmem:s25+$0x0] =	vst.add.f32.msk $0xffff, v0  }
0x63: {  	s28 =	sor.u32 $0x540, s18;
	[tilespmem:s26+$0x0] =	vst.add.f32.msk $0xffff, v0  }
0x64: {  	s29 =	sor.u32 $0x5C0, s18;
	[tilespmem:s28+$0x0] =	vst.add.f32.msk $0xffff, v0  }
0x65: {  	[tilespmem:s29+$0x0] =	vst.add.f32.msk $0xffff, v0  }
0x66: {  	v0 =	vld [tilespmem:s17+$0x10450];
	_ =	sdelay $0x3  }
0x67: {  	s30 =	sor.u32 $0x450, s18  }
0x68: {  	s31 =	sor.u32 $0x4D0, s18;
	[tilespmem:s30+$0x0] =	vst.add.f32.msk $0xffff, v0  }
0x69: {  	s20 =	sor.u32 $0x550, s18;
	[tilespmem:s31+$0x0] =	vst.add.f32.msk $0xffff, v0  }
0x6a: {  	s21 =	sor.u32 $0x5D0, s18;
	[tilespmem:s20+$0x0] =	vst.add.f32.msk $0xffff, v0  }
0x6b: {  	[tilespmem:s21+$0x0] =	vst.add.f32.msk $0xffff, v0  }
0x6c: {  	v0 =	vld [tilespmem:s17+$0x10460];
	_ =	sdelay $0x3  }
0x6d: {  	s22 =	sor.u32 $0x460, s18  }
0x6e: {  	s23 =	sor.u32 $0x4E0, s18;
	[tilespmem:s22+$0x0] =	vst.add.f32.msk $0xffff, v0  }
0x6f: {  	s24 =	sor.u32 $0x560, s18;
	[tilespmem:s23+$0x0] =	vst.add.f32.msk $0xffff, v0  }
0x70: {  	s25 =	sor.u32 $0x5E0, s18;
	[tilespmem:s24+$0x0] =	vst.add.f32.msk $0xffff, v0  }
0x71: {  	[tilespmem:s25+$0x0] =	vst.add.f32.msk $0xffff, v0  }
0x72: {  	v0 =	vld [tilespmem:s17+$0x10470];
	_ =	sdelay $0x3  }
0x73: {  	s26 =	sor.u32 $0x470, s18  }
0x74: {  	s28 =	sor.u32 $0x4F0, s18;
	[tilespmem:s26+$0x0] =	vst.add.f32.msk $0xffff, v0  }
0x75: {  	s29 =	sor.u32 $0x570, s18;
	[tilespmem:s28+$0x0] =	vst.add.f32.msk $0xffff, v0  }
0x76: {  	s30 =	sor.u32 $0x5F0, s18;
	[tilespmem:s29+$0x0] =	vst.add.f32.msk $0xffff, v0  }
0x77: {  	[tilespmem:s30+$0x0] =	vst.add.f32.msk $0xffff, v0  }
0x78: {  	v0 =	vld [tilespmem:s17+$0x10800];
	_ =	sdelay $0x3  }
0x79: {  	s31 =	sor.u32 $0x800, s18  }
0x7a: {  	s20 =	sor.u32 $0x880, s18;
	[tilespmem:s31+$0x0] =	vst.add.f32.msk $0xffff, v0  }
0x7b: {  	s21 =	sor.u32 $0x900, s18;
	[tilespmem:s20+$0x0] =	vst.add.f32.msk $0xffff, v0  }
0x7c: {  	s22 =	sor.u32 $0x980, s18;
	[tilespmem:s21+$0x0] =	vst.add.f32.msk $0xffff, v0  }
0x7d: {  	[tilespmem:s22+$0x0] =	vst.add.f32.msk $0xffff, v0  }
0x7e: {  	v0 =	vld [tilespmem:s17+$0x10810];
	_ =	sdelay $0x3  }
0x7f: {  	s23 =	sor.u32 $0x810, s18  }
0x80: {  	s24 =	sor.u32 $0x890, s18;
	[tilespmem:s23+$0x0] =	vst.add.f32.msk $0xffff, v0  }
0x81: {  	s25 =	sor.u32 $0x910, s18;
	[tilespmem:s24+$0x0] =	vst.add.f32.msk $0xffff, v0  }
0x82: {  	s26 =	sor.u32 $0x990, s18;
	[tilespmem:s25+$0x0] =	vst.add.f32.msk $0xffff, v0  }
0x83: {  	[tilespmem:s26+$0x0] =	vst.add.f32.msk $0xffff, v0  }
0x84: {  	v0 =	vld [tilespmem:s17+$0x10820];
	_ =	sdelay $0x3  }
0x85: {  	s28 =	sor.u32 $0x820, s18  }
0x86: {  	s29 =	sor.u32 $0x8A0, s18;
	[tilespmem:s28+$0x0] =	vst.add.f32.msk $0xffff, v0  }
0x87: {  	s30 =	sor.u32 $0x920, s18;
	[tilespmem:s29+$0x0] =	vst.add.f32.msk $0xffff, v0  }
0x88: {  	s31 =	sor.u32 $0x9A0, s18;
	[tilespmem:s30+$0x0] =	vst.add.f32.msk $0xffff, v0  }
0x89: {  	[tilespmem:s31+$0x0] =	vst.add.f32.msk $0xffff, v0  }
0x8a: {  	v0 =	vld [tilespmem:s17+$0x10830];
	_ =	sdelay $0x3  }
0x8b: {  	s20 =	sor.u32 $0x830, s18  }
0x8c: {  	s21 =	sor.u32 $0x8B0, s18;
	[tilespmem:s20+$0x0] =	vst.add.f32.msk $0xffff, v0  }
0x8d: {  	s22 =	sor.u32 $0x930, s18;
	[tilespmem:s21+$0x0] =	vst.add.f32.msk $0xffff, v0  }
0x8e: {  	s23 =	sor.u32 $0x9B0, s18;
	[tilespmem:s22+$0x0] =	vst.add.f32.msk $0xffff, v0  }
0x8f: {  	[tilespmem:s23+$0x0] =	vst.add.f32.msk $0xffff, v0  }
0x90: {  	v0 =	vld [tilespmem:s17+$0x10840];
	_ =	sdelay $0x3  }
0x91: {  	s24 =	sor.u32 $0x840, s18  }
0x92: {  	s25 =	sor.u32 $0x8C0, s18;
	[tilespmem:s24+$0x0] =	vst.add.f32.msk $0xffff, v0  }
0x93: {  	s26 =	sor.u32 $0x940, s18;
	[tilespmem:s25+$0x0] =	vst.add.f32.msk $0xffff, v0  }
0x94: {  	s28 =	sor.u32 $0x9C0, s18;
	[tilespmem:s26+$0x0] =	vst.add.f32.msk $0xffff, v0  }
0x95: {  	[tilespmem:s28+$0x0] =	vst.add.f32.msk $0xffff, v0  }
0x96: {  	v0 =	vld [tilespmem:s17+$0x10850];
	_ =	sdelay $0x3  }
0x97: {  	s29 =	sor.u32 $0x850, s18  }
0x98: {  	s30 =	sor.u32 $0x8D0, s18;
	[tilespmem:s29+$0x0] =	vst.add.f32.msk $0xffff, v0  }
0x99: {  	s31 =	sor.u32 $0x950, s18;
	[tilespmem:s30+$0x0] =	vst.add.f32.msk $0xffff, v0  }
0x9a: {  	s20 =	sor.u32 $0x9D0, s18;
	[tilespmem:s31+$0x0] =	vst.add.f32.msk $0xffff, v0  }
0x9b: {  	[tilespmem:s20+$0x0] =	vst.add.f32.msk $0xffff, v0  }
0x9c: {  	v0 =	vld [tilespmem:s17+$0x10860];
	_ =	sdelay $0x3  }
0x9d: {  	s21 =	sor.u32 $0x860, s18  }
0x9e: {  	s22 =	sor.u32 $0x8E0, s18;
	[tilespmem:s21+$0x0] =	vst.add.f32.msk $0xffff, v0  }
0x9f: {  	s23 =	sor.u32 $0x960, s18;
	[tilespmem:s22+$0x0] =	vst.add.f32.msk $0xffff, v0  }
0xa0: {  	s24 =	sor.u32 $0x9E0, s18;
	[tilespmem:s23+$0x0] =	vst.add.f32.msk $0xffff, v0  }
0xa1: {  	[tilespmem:s24+$0x0] =	vst.add.f32.msk $0xffff, v0  }
0xa2: {  	v0 =	vld [tilespmem:s17+$0x10870];
	_ =	sdelay $0x3  }
0xa3: {  	s25 =	sor.u32 $0x870, s18  }
0xa4: {  	s26 =	sor.u32 $0x8F0, s18;
	[tilespmem:s25+$0x0] =	vst.add.f32.msk $0xffff, v0  }
0xa5: {  	s28 =	sor.u32 $0x970, s18;
	[tilespmem:s26+$0x0] =	vst.add.f32.msk $0xffff, v0  }
0xa6: {  	s29 =	sor.u32 $0x9F0, s18;
	[tilespmem:s28+$0x0] =	vst.add.f32.msk $0xffff, v0  }
0xa7: {  	[tilespmem:s29+$0x0] =	vst.add.f32.msk $0xffff, v0  }
0xa8: {  	v0 =	vld [tilespmem:s17+$0x10C00];
	_ =	sdelay $0x3  }
0xa9: {  	s30 =	sor.u32 $0xC00, s18  }
0xaa: {  	s31 =	sor.u32 $0xC80, s18;
	[tilespmem:s30+$0x0] =	vst.add.f32.msk $0xffff, v0  }
0xab: {  	s20 =	sor.u32 $0xD00, s18;
	[tilespmem:s31+$0x0] =	vst.add.f32.msk $0xffff, v0  }
0xac: {  	s21 =	sor.u32 $0xD80, s18;
	[tilespmem:s20+$0x0] =	vst.add.f32.msk $0xffff, v0  }
0xad: {  	[tilespmem:s21+$0x0] =	vst.add.f32.msk $0xffff, v0  }
0xae: {  	v0 =	vld [tilespmem:s17+$0x10C10];
	_ =	sdelay $0x3  }
0xaf: {  	s22 =	sor.u32 $0xC10, s18  }
0xb0: {  	s23 =	sor.u32 $0xC90, s18;
	[tilespmem:s22+$0x0] =	vst.add.f32.msk $0xffff, v0  }
0xb1: {  	s24 =	sor.u32 $0xD10, s18;
	[tilespmem:s23+$0x0] =	vst.add.f32.msk $0xffff, v0  }
0xb2: {  	s25 =	sor.u32 $0xD90, s18;
	[tilespmem:s24+$0x0] =	vst.add.f32.msk $0xffff, v0  }
0xb3: {  	[tilespmem:s25+$0x0] =	vst.add.f32.msk $0xffff, v0  }
0xb4: {  	v0 =	vld [tilespmem:s17+$0x10C20];
	_ =	sdelay $0x3  }
0xb5: {  	s26 =	sor.u32 $0xC20, s18  }
0xb6: {  	s28 =	sor.u32 $0xCA0, s18;
	[tilespmem:s26+$0x0] =	vst.add.f32.msk $0xffff, v0  }
0xb7: {  	s29 =	sor.u32 $0xD20, s18;
	[tilespmem:s28+$0x0] =	vst.add.f32.msk $0xffff, v0  }
0xb8: {  	s30 =	sor.u32 $0xDA0, s18;
	[tilespmem:s29+$0x0] =	vst.add.f32.msk $0xffff, v0  }
0xb9: {  	[tilespmem:s30+$0x0] =	vst.add.f32.msk $0xffff, v0  }
0xba: {  	v0 =	vld [tilespmem:s17+$0x10C30];
	_ =	sdelay $0x3  }
0xbb: {  	s31 =	sor.u32 $0xC30, s18  }
0xbc: {  	s20 =	sor.u32 $0xCB0, s18;
	[tilespmem:s31+$0x0] =	vst.add.f32.msk $0xffff, v0  }
0xbd: {  	s21 =	sor.u32 $0xD30, s18;
	[tilespmem:s20+$0x0] =	vst.add.f32.msk $0xffff, v0  }
0xbe: {  	s22 =	sor.u32 $0xDB0, s18;
	[tilespmem:s21+$0x0] =	vst.add.f32.msk $0xffff, v0  }
0xbf: {  	[tilespmem:s22+$0x0] =	vst.add.f32.msk $0xffff, v0  }
0xc0: {  	v0 =	vld [tilespmem:s17+$0x10C40];
	_ =	sdelay $0x3  }
0xc1: {  	s23 =	sor.u32 $0xC40, s18  }
0xc2: {  	s24 =	sor.u32 $0xCC0, s18;
	[tilespmem:s23+$0x0] =	vst.add.f32.msk $0xffff, v0  }
0xc3: {  	s25 =	sor.u32 $0xD40, s18;
	[tilespmem:s24+$0x0] =	vst.add.f32.msk $0xffff, v0  }
0xc4: {  	s26 =	sor.u32 $0xDC0, s18;
	[tilespmem:s25+$0x0] =	vst.add.f32.msk $0xffff, v0  }
0xc5: {  	[tilespmem:s26+$0x0] =	vst.add.f32.msk $0xffff, v0  }
0xc6: {  	v0 =	vld [tilespmem:s17+$0x10C50];
	_ =	sdelay $0x3  }
0xc7: {  	s28 =	sor.u32 $0xC50, s18  }
0xc8: {  	s29 =	sor.u32 $0xCD0, s18;
	[tilespmem:s28+$0x0] =	vst.add.f32.msk $0xffff, v0  }
0xc9: {  	s30 =	sor.u32 $0xD50, s18;
	[tilespmem:s29+$0x0] =	vst.add.f32.msk $0xffff, v0  }
0xca: {  	s31 =	sor.u32 $0xDD0, s18;
	[tilespmem:s30+$0x0] =	vst.add.f32.msk $0xffff, v0  }
0xcb: {  	[tilespmem:s31+$0x0] =	vst.add.f32.msk $0xffff, v0  }
0xcc: {  	v0 =	vld [tilespmem:s17+$0x10C60];
	_ =	sdelay $0x3  }
0xcd: {  	s20 =	sor.u32 $0xC60, s18  }
0xce: {  	s21 =	sor.u32 $0xCE0, s18;
	[tilespmem:s20+$0x0] =	vst.add.f32.msk $0xffff, v0  }
0xcf: {  	s22 =	sor.u32 $0xD60, s18;
	[tilespmem:s21+$0x0] =	vst.add.f32.msk $0xffff, v0  }
0xd0: {  	s23 =	sor.u32 $0xDE0, s18;
	[tilespmem:s22+$0x0] =	vst.add.f32.msk $0xffff, v0  }
0xd1: {  	[tilespmem:s23+$0x0] =	vst.add.f32.msk $0xffff, v0  }
0xd2: {  	v0 =	vld [tilespmem:s17+$0x10C70];
	_ =	sdelay $0x3  }
0xd3: {  	s24 =	sor.u32 $0xC70, s18  }
0xd4: {  	s25 =	sor.u32 $0xCF0, s18;
	[tilespmem:s24+$0x0] =	vst.add.f32.msk $0xffff, v0  }
0xd5: {  	s26 =	sor.u32 $0xD70, s18;
	[tilespmem:s25+$0x0] =	vst.add.f32.msk $0xffff, v0  }
0xd6: {  	s18 =	sor.u32 $0xDF0, s18;
	[tilespmem:s26+$0x0] =	vst.add.f32.msk $0xffff, v0  }
0xd7: {  	[tilespmem:s18+$0x0] =	vst.add.f32.msk $0xffff, v0  }
0xd8: {  	s18 =	simm.s32 $0x1;
	v0 =	vld [tilespmem:s17+$0x11000]  }
0xd9: {  	s18 =	simm.s32 @!p1 $0x0  }
0xda: {  	s18 =	sshll.u32 s18, $0x9  }
0xdb: {  	s18 =	sadd.s32 s18, s16  }
0xdc: {  	s20 =	sor.u32 $0x1000, s18;
	s19 =	sadd.s32 $0x80, s18  }
0xdd: {  	s21 =	sor.u32 $0x1000, s19;
	[tilespmem:s20+$0x0] =	vst.add.f32.msk $0xffff, v0;
	s20 =	sadd.s32 $0x100, s18  }
0xde: {  	[tilespmem:s21+$0x0] =	vst.add.f32.msk $0xffff, v0;
	s22 =	sor.u32 $0x1000, s20;
	s21 =	sadd.s32 $0x180, s18  }
0xdf: {  	[tilespmem:s22+$0x0] =	vst.add.f32.msk $0xffff, v0;
	s28 =	sor.u32 $0x1000, s21  }
0xe0: {  	[tilespmem:s28+$0x0] =	vst.add.f32.msk $0xffff, v0  }
0xe1: {  	v0 =	vld [tilespmem:s17+$0x11010];
	_ =	sdelay $0x3  }
0xe2: {  	s29 =	sor.u32 $0x1010, s18  }
0xe3: {  	s30 =	sor.u32 $0x1010, s19;
	[tilespmem:s29+$0x0] =	vst.add.f32.msk $0xffff, v0  }
0xe4: {  	s31 =	sor.u32 $0x1010, s20;
	[tilespmem:s30+$0x0] =	vst.add.f32.msk $0xffff, v0  }
0xe5: {  	s23 =	sor.u32 $0x1010, s21;
	[tilespmem:s31+$0x0] =	vst.add.f32.msk $0xffff, v0  }
0xe6: {  	[tilespmem:s23+$0x0] =	vst.add.f32.msk $0xffff, v0  }
0xe7: {  	v0 =	vld [tilespmem:s17+$0x11020];
	_ =	sdelay $0x3  }
0xe8: {  	s24 =	sor.u32 $0x1020, s18  }
0xe9: {  	s25 =	sor.u32 $0x1020, s19;
	[tilespmem:s24+$0x0] =	vst.add.f32.msk $0xffff, v0  }
0xea: {  	s26 =	sor.u32 $0x1020, s20;
	[tilespmem:s25+$0x0] =	vst.add.f32.msk $0xffff, v0  }
0xeb: {  	s28 =	sor.u32 $0x1020, s21;
	[tilespmem:s26+$0x0] =	vst.add.f32.msk $0xffff, v0  }
0xec: {  	[tilespmem:s28+$0x0] =	vst.add.f32.msk $0xffff, v0  }
0xed: {  	v0 =	vld [tilespmem:s17+$0x11030];
	_ =	sdelay $0x3  }
0xee: {  	s29 =	sor.u32 $0x1030, s18  }
0xef: {  	s30 =	sor.u32 $0x1030, s19;
	[tilespmem:s29+$0x0] =	vst.add.f32.msk $0xffff, v0  }
0xf0: {  	s31 =	sor.u32 $0x1030, s20;
	[tilespmem:s30+$0x0] =	vst.add.f32.msk $0xffff, v0  }
0xf1: {  	s23 =	sor.u32 $0x1030, s21;
	[tilespmem:s31+$0x0] =	vst.add.f32.msk $0xffff, v0  }
0xf2: {  	[tilespmem:s23+$0x0] =	vst.add.f32.msk $0xffff, v0  }
0xf3: {  	v0 =	vld [tilespmem:s17+$0x11040];
	_ =	sdelay $0x3  }
0xf4: {  	s24 =	sor.u32 $0x1040, s18  }
0xf5: {  	s25 =	sor.u32 $0x1040, s19;
	[tilespmem:s24+$0x0] =	vst.add.f32.msk $0xffff, v0  }
0xf6: {  	s26 =	sor.u32 $0x1040, s20;
	[tilespmem:s25+$0x0] =	vst.add.f32.msk $0xffff, v0  }
0xf7: {  	s28 =	sor.u32 $0x1040, s21;
	[tilespmem:s26+$0x0] =	vst.add.f32.msk $0xffff, v0  }
0xf8: {  	[tilespmem:s28+$0x0] =	vst.add.f32.msk $0xffff, v0  }
0xf9: {  	v0 =	vld [tilespmem:s17+$0x11050];
	_ =	sdelay $0x3  }
0xfa: {  	s29 =	sor.u32 $0x1050, s18  }
0xfb: {  	s30 =	sor.u32 $0x1050, s19;
	[tilespmem:s29+$0x0] =	vst.add.f32.msk $0xffff, v0  }
0xfc: {  	s31 =	sor.u32 $0x1050, s20;
	[tilespmem:s30+$0x0] =	vst.add.f32.msk $0xffff, v0  }
0xfd: {  	s23 =	sor.u32 $0x1050, s21;
	[tilespmem:s31+$0x0] =	vst.add.f32.msk $0xffff, v0  }
0xfe: {  	[tilespmem:s23+$0x0] =	vst.add.f32.msk $0xffff, v0  }
0xff: {  	v0 =	vld [tilespmem:s17+$0x11060];
	_ =	sdelay $0x3  }
0x100: {  	s24 =	sor.u32 $0x1060, s18  }
0x101: {  	s25 =	sor.u32 $0x1060, s19;
	[tilespmem:s24+$0x0] =	vst.add.f32.msk $0xffff, v0  }
0x102: {  	s26 =	sor.u32 $0x1060, s20;
	[tilespmem:s25+$0x0] =	vst.add.f32.msk $0xffff, v0  }
0x103: {  	s28 =	sor.u32 $0x1060, s21;
	[tilespmem:s26+$0x0] =	vst.add.f32.msk $0xffff, v0  }
0x104: {  	[tilespmem:s28+$0x0] =	vst.add.f32.msk $0xffff, v0  }
0x105: {  	v0 =	vld [tilespmem:s17+$0x11070];
	_ =	sdelay $0x3  }
0x106: {  	s29 =	sor.u32 $0x1070, s18  }
0x107: {  	s30 =	sor.u32 $0x1070, s19;
	[tilespmem:s29+$0x0] =	vst.add.f32.msk $0xffff, v0  }
0x108: {  	s31 =	sor.u32 $0x1070, s20;
	[tilespmem:s30+$0x0] =	vst.add.f32.msk $0xffff, v0  }
0x109: {  	s23 =	sor.u32 $0x1070, s21;
	[tilespmem:s31+$0x0] =	vst.add.f32.msk $0xffff, v0  }
0x10a: {  	[tilespmem:s23+$0x0] =	vst.add.f32.msk $0xffff, v0  }
0x10b: {  	v0 =	vld [tilespmem:s17+$0x11400];
	_ =	sdelay $0x3  }
0x10c: {  	s24 =	sor.u32 $0x1400, s18  }
0x10d: {  	s25 =	sor.u32 $0x1400, s19;
	[tilespmem:s24+$0x0] =	vst.add.f32.msk $0xffff, v0  }
0x10e: {  	s26 =	sor.u32 $0x1400, s20;
	[tilespmem:s25+$0x0] =	vst.add.f32.msk $0xffff, v0  }
0x10f: {  	s28 =	sor.u32 $0x1400, s21;
	[tilespmem:s26+$0x0] =	vst.add.f32.msk $0xffff, v0  }
0x110: {  	[tilespmem:s28+$0x0] =	vst.add.f32.msk $0xffff, v0  }
0x111: {  	v0 =	vld [tilespmem:s17+$0x11410];
	_ =	sdelay $0x3  }
0x112: {  	s29 =	sor.u32 $0x1410, s18  }
0x113: {  	s30 =	sor.u32 $0x1410, s19;
	[tilespmem:s29+$0x0] =	vst.add.f32.msk $0xffff, v0  }
0x114: {  	s31 =	sor.u32 $0x1410, s20;
	[tilespmem:s30+$0x0] =	vst.add.f32.msk $0xffff, v0  }
0x115: {  	s23 =	sor.u32 $0x1410, s21;
	[tilespmem:s31+$0x0] =	vst.add.f32.msk $0xffff, v0  }
0x116: {  	[tilespmem:s23+$0x0] =	vst.add.f32.msk $0xffff, v0  }
0x117: {  	v0 =	vld [tilespmem:s17+$0x11420];
	_ =	sdelay $0x3  }
0x118: {  	s24 =	sor.u32 $0x1420, s18  }
0x119: {  	s25 =	sor.u32 $0x1420, s19;
	[tilespmem:s24+$0x0] =	vst.add.f32.msk $0xffff, v0  }
0x11a: {  	s26 =	sor.u32 $0x1420, s20;
	[tilespmem:s25+$0x0] =	vst.add.f32.msk $0xffff, v0  }
0x11b: {  	s28 =	sor.u32 $0x1420, s21;
	[tilespmem:s26+$0x0] =	vst.add.f32.msk $0xffff, v0  }
0x11c: {  	[tilespmem:s28+$0x0] =	vst.add.f32.msk $0xffff, v0  }
0x11d: {  	v0 =	vld [tilespmem:s17+$0x11430];
	_ =	sdelay $0x3  }
0x11e: {  	s29 =	sor.u32 $0x1430, s18  }
0x11f: {  	s30 =	sor.u32 $0x1430, s19;
	[tilespmem:s29+$0x0] =	vst.add.f32.msk $0xffff, v0  }
0x120: {  	s31 =	sor.u32 $0x1430, s20;
	[tilespmem:s30+$0x0] =	vst.add.f32.msk $0xffff, v0  }
0x121: {  	s23 =	sor.u32 $0x1430, s21;
	[tilespmem:s31+$0x0] =	vst.add.f32.msk $0xffff, v0  }
0x122: {  	[tilespmem:s23+$0x0] =	vst.add.f32.msk $0xffff, v0  }
0x123: {  	v0 =	vld [tilespmem:s17+$0x11440];
	_ =	sdelay $0x3  }
0x124: {  	s24 =	sor.u32 $0x1440, s18  }
0x125: {  	s25 =	sor.u32 $0x1440, s19;
	[tilespmem:s24+$0x0] =	vst.add.f32.msk $0xffff, v0  }
0x126: {  	s26 =	sor.u32 $0x1440, s20;
	[tilespmem:s25+$0x0] =	vst.add.f32.msk $0xffff, v0  }
0x127: {  	s28 =	sor.u32 $0x1440, s21;
	[tilespmem:s26+$0x0] =	vst.add.f32.msk $0xffff, v0  }
0x128: {  	[tilespmem:s28+$0x0] =	vst.add.f32.msk $0xffff, v0  }
0x129: {  	v0 =	vld [tilespmem:s17+$0x11450];
	_ =	sdelay $0x3  }
0x12a: {  	s29 =	sor.u32 $0x1450, s18  }
0x12b: {  	s30 =	sor.u32 $0x1450, s19;
	[tilespmem:s29+$0x0] =	vst.add.f32.msk $0xffff, v0  }
0x12c: {  	s31 =	sor.u32 $0x1450, s20;
	[tilespmem:s30+$0x0] =	vst.add.f32.msk $0xffff, v0  }
0x12d: {  	s23 =	sor.u32 $0x1450, s21;
	[tilespmem:s31+$0x0] =	vst.add.f32.msk $0xffff, v0  }
0x12e: {  	[tilespmem:s23+$0x0] =	vst.add.f32.msk $0xffff, v0  }
0x12f: {  	v0 =	vld [tilespmem:s17+$0x11460];
	_ =	sdelay $0x3  }
0x130: {  	s24 =	sor.u32 $0x1460, s18  }
0x131: {  	s25 =	sor.u32 $0x1460, s19;
	[tilespmem:s24+$0x0] =	vst.add.f32.msk $0xffff, v0  }
0x132: {  	s26 =	sor.u32 $0x1460, s20;
	[tilespmem:s25+$0x0] =	vst.add.f32.msk $0xffff, v0  }
0x133: {  	s28 =	sor.u32 $0x1460, s21;
	[tilespmem:s26+$0x0] =	vst.add.f32.msk $0xffff, v0  }
0x134: {  	[tilespmem:s28+$0x0] =	vst.add.f32.msk $0xffff, v0  }
0x135: {  	v0 =	vld [tilespmem:s17+$0x11470];
	_ =	sdelay $0x3  }
0x136: {  	s29 =	sor.u32 $0x1470, s18  }
0x137: {  	s30 =	sor.u32 $0x1470, s19;
	[tilespmem:s29+$0x0] =	vst.add.f32.msk $0xffff, v0  }
0x138: {  	s31 =	sor.u32 $0x1470, s20;
	[tilespmem:s30+$0x0] =	vst.add.f32.msk $0xffff, v0  }
0x139: {  	s23 =	sor.u32 $0x1470, s21;
	[tilespmem:s31+$0x0] =	vst.add.f32.msk $0xffff, v0  }
0x13a: {  	[tilespmem:s23+$0x0] =	vst.add.f32.msk $0xffff, v0  }
0x13b: {  	v0 =	vld [tilespmem:s17+$0x11800];
	_ =	sdelay $0x3  }
0x13c: {  	s24 =	sor.u32 $0x1800, s18  }
0x13d: {  	s25 =	sor.u32 $0x1800, s19;
	[tilespmem:s24+$0x0] =	vst.add.f32.msk $0xffff, v0  }
0x13e: {  	s26 =	sor.u32 $0x1800, s20;
	[tilespmem:s25+$0x0] =	vst.add.f32.msk $0xffff, v0  }
0x13f: {  	s28 =	sor.u32 $0x1800, s21;
	[tilespmem:s26+$0x0] =	vst.add.f32.msk $0xffff, v0  }
0x140: {  	[tilespmem:s28+$0x0] =	vst.add.f32.msk $0xffff, v0  }
0x141: {  	v0 =	vld [tilespmem:s17+$0x11810];
	_ =	sdelay $0x3  }
0x142: {  	s29 =	sor.u32 $0x1810, s18  }
0x143: {  	s30 =	sor.u32 $0x1810, s19;
	[tilespmem:s29+$0x0] =	vst.add.f32.msk $0xffff, v0  }
0x144: {  	s31 =	sor.u32 $0x1810, s20;
	[tilespmem:s30+$0x0] =	vst.add.f32.msk $0xffff, v0  }
0x145: {  	s23 =	sor.u32 $0x1810, s21;
	[tilespmem:s31+$0x0] =	vst.add.f32.msk $0xffff, v0  }
0x146: {  	[tilespmem:s23+$0x0] =	vst.add.f32.msk $0xffff, v0  }
0x147: {  	v0 =	vld [tilespmem:s17+$0x11820];
	_ =	sdelay $0x3  }
0x148: {  	s24 =	sor.u32 $0x1820, s18  }
0x149: {  	s25 =	sor.u32 $0x1820, s19;
	[tilespmem:s24+$0x0] =	vst.add.f32.msk $0xffff, v0  }
0x14a: {  	s26 =	sor.u32 $0x1820, s20;
	[tilespmem:s25+$0x0] =	vst.add.f32.msk $0xffff, v0  }
0x14b: {  	s28 =	sor.u32 $0x1820, s21;
	[tilespmem:s26+$0x0] =	vst.add.f32.msk $0xffff, v0  }
0x14c: {  	[tilespmem:s28+$0x0] =	vst.add.f32.msk $0xffff, v0  }
0x14d: {  	v0 =	vld [tilespmem:s17+$0x11830];
	_ =	sdelay $0x3  }
0x14e: {  	s29 =	sor.u32 $0x1830, s18  }
0x14f: {  	s30 =	sor.u32 $0x1830, s19;
	[tilespmem:s29+$0x0] =	vst.add.f32.msk $0xffff, v0  }
0x150: {  	s31 =	sor.u32 $0x1830, s20;
	[tilespmem:s30+$0x0] =	vst.add.f32.msk $0xffff, v0  }
0x151: {  	s23 =	sor.u32 $0x1830, s21;
	[tilespmem:s31+$0x0] =	vst.add.f32.msk $0xffff, v0  }
0x152: {  	[tilespmem:s23+$0x0] =	vst.add.f32.msk $0xffff, v0  }
0x153: {  	v0 =	vld [tilespmem:s17+$0x11840];
	_ =	sdelay $0x3  }
0x154: {  	s24 =	sor.u32 $0x1840, s18  }
0x155: {  	s25 =	sor.u32 $0x1840, s19;
	[tilespmem:s24+$0x0] =	vst.add.f32.msk $0xffff, v0  }
0x156: {  	s26 =	sor.u32 $0x1840, s20;
	[tilespmem:s25+$0x0] =	vst.add.f32.msk $0xffff, v0  }
0x157: {  	s28 =	sor.u32 $0x1840, s21;
	[tilespmem:s26+$0x0] =	vst.add.f32.msk $0xffff, v0  }
0x158: {  	[tilespmem:s28+$0x0] =	vst.add.f32.msk $0xffff, v0  }
0x159: {  	v0 =	vld [tilespmem:s17+$0x11850];
	_ =	sdelay $0x3  }
0x15a: {  	s29 =	sor.u32 $0x1850, s18  }
0x15b: {  	s30 =	sor.u32 $0x1850, s19;
	[tilespmem:s29+$0x0] =	vst.add.f32.msk $0xffff, v0  }
0x15c: {  	s31 =	sor.u32 $0x1850, s20;
	[tilespmem:s30+$0x0] =	vst.add.f32.msk $0xffff, v0  }
0x15d: {  	s23 =	sor.u32 $0x1850, s21;
	[tilespmem:s31+$0x0] =	vst.add.f32.msk $0xffff, v0  }
0x15e: {  	[tilespmem:s23+$0x0] =	vst.add.f32.msk $0xffff, v0  }
0x15f: {  	v0 =	vld [tilespmem:s17+$0x11860];
	_ =	sdelay $0x3  }
0x160: {  	s24 =	sor.u32 $0x1860, s18  }
0x161: {  	s25 =	sor.u32 $0x1860, s19;
	[tilespmem:s24+$0x0] =	vst.add.f32.msk $0xffff, v0  }
0x162: {  	s26 =	sor.u32 $0x1860, s20;
	[tilespmem:s25+$0x0] =	vst.add.f32.msk $0xffff, v0  }
0x163: {  	s28 =	sor.u32 $0x1860, s21;
	[tilespmem:s26+$0x0] =	vst.add.f32.msk $0xffff, v0  }
0x164: {  	[tilespmem:s28+$0x0] =	vst.add.f32.msk $0xffff, v0  }
0x165: {  	v0 =	vld [tilespmem:s17+$0x11870];
	_ =	sdelay $0x3  }
0x166: {  	s29 =	sor.u32 $0x1870, s18  }
0x167: {  	s30 =	sand.u32 $0x7, s12;
	s31 =	sor.u32 $0x1870, s19;
	[tilespmem:s29+$0x0] =	vst.add.f32.msk $0xffff, v0  }
0x168: {  	s22 =	sshll.u32 s30, $0x7;
	s23 =	sor.u32 $0x1870, s20;
	[tilespmem:s31+$0x0] =	vst.add.f32.msk $0xffff, v0  }
0x169: {  	s17 =	sadd.s32 s22, s13;
	[tilespmem:s23+$0x0] =	vst.add.f32.msk $0xffff, v0;
	s23 =	sor.u32 $0x1870, s21  }
0x16a: {  	s24 =	sor.u32 $0x1C00, s17;
	[tilespmem:s23+$0x0] =	vst.add.f32.msk $0xffff, v0  }
0x16b: {  	v0 =	vld [tilespmem:s24+$0x10000];
	_ =	sdelay $0x3  }
0x16c: {  	s25 =	sor.u32 $0x1C00, s18  }
0x16d: {  	s26 =	sor.u32 $0x1C00, s19;
	[tilespmem:s25+$0x0] =	vst.add.f32.msk $0xffff, v0  }
0x16e: {  	s28 =	sor.u32 $0x1C00, s20;
	[tilespmem:s26+$0x0] =	vst.add.f32.msk $0xffff, v0  }
0x16f: {  	s29 =	sor.u32 $0x1C00, s21;
	[tilespmem:s28+$0x0] =	vst.add.f32.msk $0xffff, v0  }
0x170: {  	s30 =	sor.u32 $0x1C10, s17;
	[tilespmem:s29+$0x0] =	vst.add.f32.msk $0xffff, v0  }
0x171: {  	v0 =	vld [tilespmem:s30+$0x10000];
	_ =	sdelay $0x3  }
0x172: {  	s31 =	sor.u32 $0x1C10, s18  }
0x173: {  	s23 =	sor.u32 $0x1C10, s19;
	[tilespmem:s31+$0x0] =	vst.add.f32.msk $0xffff, v0  }
0x174: {  	s24 =	sor.u32 $0x1C10, s20;
	[tilespmem:s23+$0x0] =	vst.add.f32.msk $0xffff, v0  }
0x175: {  	s25 =	sor.u32 $0x1C10, s21;
	[tilespmem:s24+$0x0] =	vst.add.f32.msk $0xffff, v0  }
0x176: {  	s26 =	sor.u32 $0x1C20, s17;
	[tilespmem:s25+$0x0] =	vst.add.f32.msk $0xffff, v0  }
0x177: {  	v0 =	vld [tilespmem:s26+$0x10000];
	_ =	sdelay $0x3  }
0x178: {  	s28 =	sor.u32 $0x1C20, s18  }
0x179: {  	s29 =	sor.u32 $0x1C20, s19;
	[tilespmem:s28+$0x0] =	vst.add.f32.msk $0xffff, v0  }
0x17a: {  	s30 =	sor.u32 $0x1C20, s20;
	[tilespmem:s29+$0x0] =	vst.add.f32.msk $0xffff, v0  }
0x17b: {  	s31 =	sor.u32 $0x1C20, s21;
	[tilespmem:s30+$0x0] =	vst.add.f32.msk $0xffff, v0  }
0x17c: {  	s23 =	sor.u32 $0x1C30, s17;
	[tilespmem:s31+$0x0] =	vst.add.f32.msk $0xffff, v0  }
0x17d: {  	v0 =	vld [tilespmem:s23+$0x10000];
	_ =	sdelay $0x3  }
0x17e: {  	s24 =	sor.u32 $0x1C30, s18  }
0x17f: {  	s25 =	sor.u32 $0x1C30, s19;
	[tilespmem:s24+$0x0] =	vst.add.f32.msk $0xffff, v0  }
0x180: {  	s26 =	sor.u32 $0x1C30, s20;
	[tilespmem:s25+$0x0] =	vst.add.f32.msk $0xffff, v0  }
0x181: {  	s28 =	sor.u32 $0x1C30, s21;
	[tilespmem:s26+$0x0] =	vst.add.f32.msk $0xffff, v0  }
0x182: {  	s29 =	sor.u32 $0x1C40, s17;
	[tilespmem:s28+$0x0] =	vst.add.f32.msk $0xffff, v0  }
0x183: {  	v0 =	vld [tilespmem:s29+$0x10000];
	_ =	sdelay $0x3  }
0x184: {  	s30 =	sor.u32 $0x1C40, s18  }
0x185: {  	s31 =	sor.u32 $0x1C40, s19;
	[tilespmem:s30+$0x0] =	vst.add.f32.msk $0xffff, v0  }
0x186: {  	s23 =	sor.u32 $0x1C40, s20;
	[tilespmem:s31+$0x0] =	vst.add.f32.msk $0xffff, v0  }
0x187: {  	s24 =	sor.u32 $0x1C40, s21;
	[tilespmem:s23+$0x0] =	vst.add.f32.msk $0xffff, v0  }
0x188: {  	s25 =	sor.u32 $0x1C50, s17;
	[tilespmem:s24+$0x0] =	vst.add.f32.msk $0xffff, v0  }
0x189: {  	v0 =	vld [tilespmem:s25+$0x10000];
	_ =	sdelay $0x3  }
0x18a: {  	s26 =	sor.u32 $0x1C50, s18  }
0x18b: {  	s28 =	sor.u32 $0x1C50, s19;
	[tilespmem:s26+$0x0] =	vst.add.f32.msk $0xffff, v0  }
0x18c: {  	s29 =	sor.u32 $0x1C50, s20;
	[tilespmem:s28+$0x0] =	vst.add.f32.msk $0xffff, v0  }
0x18d: {  	s30 =	sor.u32 $0x1C50, s21;
	[tilespmem:s29+$0x0] =	vst.add.f32.msk $0xffff, v0  }
0x18e: {  	s31 =	sor.u32 $0x1C60, s17;
	[tilespmem:s30+$0x0] =	vst.add.f32.msk $0xffff, v0  }
0x18f: {  	v0 =	vld [tilespmem:s31+$0x10000];
	_ =	sdelay $0x3  }
0x190: {  	s23 =	sor.u32 $0x1C60, s18  }
0x191: {  	s24 =	sor.u32 $0x1C60, s19;
	[tilespmem:s23+$0x0] =	vst.add.f32.msk $0xffff, v0  }
0x192: {  	s25 =	sor.u32 $0x1C60, s20;
	[tilespmem:s24+$0x0] =	vst.add.f32.msk $0xffff, v0  }
0x193: {  	s26 =	sor.u32 $0x1C60, s21;
	[tilespmem:s25+$0x0] =	vst.add.f32.msk $0xffff, v0  }
0x194: {  	s17 =	sor.u32 $0x1C70, s17;
	[tilespmem:s26+$0x0] =	vst.add.f32.msk $0xffff, v0  }
0x195: {  	v0 =	vld [tilespmem:s17+$0x10000];
	_ =	sdelay $0x2  }
0x196: {  	p2 =	sne.s32 s16, $0xF000  }
.Ltmp0:
0x197: {  	s28 =	sor.u32 $0x1C70, s18;
	(pc) =	sbr.rel @p2 .LBB2_3-.Ltmp0, $4  }
0x198: {  	s29 =	sor.u32 $0x1C70, s19;
	[tilespmem:s28+$0x0] =	vst.add.f32.msk $0xffff, v0  }
0x199: {  	s15 =	sadd.s32 $0x200, s15;
	s30 =	sor.u32 $0x1C70, s20;
	[tilespmem:s29+$0x0] =	vst.add.f32.msk $0xffff, v0  }
0x19a: {  	s14 =	sadd.s32 $0x80, s14;
	p1 =	por !p1, !p1;
	s31 =	sor.u32 $0x1C70, s21;
	[tilespmem:s30+$0x0] =	vst.add.f32.msk $0xffff, v0  }
0x19b: {  	s16 =	sadd.s32 $0x1000, s16;
	s12 =	sadd.s32 $0x1, s12;
	s13 =	sadd.s32 $0x400, s13;
	[tilespmem:s31+$0x0] =	vst.add.f32.msk $0xffff, v0  }
.Ltmp1:
0x19c: {  	s11 =	sadd.s32 s5, s11;
	(pc) =	sbr.rel @p0 .LBB2_2-.Ltmp1, $4  }
0x19d: {  	[hbm4b:s11+s1] =	stream.linear.scatter [tilespmem:s1], [sflag:$0x1], $0x10000, $0x38;
	[tilespmem:$0x14000] =	vst v63  }
0x19e: {  	_ =	swait.ge [sflag:s8], $0x10000  }
0x19f: {  	[sflag:s8] =	ssyncset.done $0x0  }
0x1a0: {  	p2 =	por $0x0, $0x0;
	s11 =	simm.s32 $0x10;
	[sflag:s8] =	ssyncadd.s32 $0xFFFF0000  }
0x1a1: {  	s10 =	sadd.s32 $0x1, s10  }
0x1a2: {  	p0 =	sne.s32 s10, s7  }
.Ltmp2:
0x1a3: {  	_ = 	snop;
	(pc) =	sbr.rel @p0 .LBB2_1-.Ltmp2, $1  }
0x1a4: {  	_ =	sdelay $0x3  }
0x1a5: {  	_ =	sfence.sel $0x180000  }
0x1a6: {  	[bflag:$0x0] =	sbarrier.arrive $0xFFFF  }
0x1a7: {  	p0 =	sne.s32 s2, $0x0;
	_ =	strace $0x90000047  }
0x1a8: {  	s0 =	sadd.s32 @!p0 $0x100000, s0;
	[bflag:$0x2] =	sbarrier.arrive $0xFFFF  }
0x1a9: {  	[sflag:s0] =	ssyncadd.tile.s32 @!p0 $0x1;
	_ =	shalt  }
.Lfunc_end2:
_tile_overlayer_lowered:
.L_overlay_start_2:
0x1aa: {  	(tag) =	ssettag $0x2  }
0x1ab: {  	s0 =	rddreg [dreg:$0x0];
	s2 =	stileid.u32  }
0x1ac: {  	s1 =	rddreg [dreg:$0x1];
	p0 =	sne.s32 s2, $0x0  }
0x1ad: {  	s3 =	rddreg [dreg:$0x2];
	[bflag:$0x3] =	sbarrier.arrive $0xFFFF;
	s2 =	simm.s32 @!p0 $0x1C01  }
0x1ae: {  	[timem:s3], [sflag:s2] =	dma.local @!p0 [hbm:s0], s1  }
0x1af: {  	s0 =	simm.s32 @!p0 $0x1  }
0x1b0: {  	_ =	swait.ge @!p0 [sflag:s0], s1  }
0x1b1: {  	s1 =	ssub.s32 @!p0 $0x0, s1;
	[sflag:s0] =	ssyncset.done @!p0 $0x0  }
0x1b2: {  	[sflag:s0] =	ssyncadd.s32 @!p0 s1  }
0x1b3: {  	[bflag:$0x3] =	sbarrier.arrive $0xFFFF  }
0x1b4: {  	_ =	shalt  }

</sc_bundles>
